<compile_context>
chip_gen: v7x
topology: tpu7x:2x2x1
jax: 0.10.2.dev20260603
libtpu: 0.0.44.dev20260713+nightly
codegen_flags: <defaults>
</compile_context>

<pallas_src>
import functools

import jax
import jax.numpy as jnp
from jax import lax
from jax.experimental import pallas as pl
from jax.experimental.pallas import tpu as pltpu
from jax.experimental.pallas import tpu_sc as plsc

_KEPT_FRAC = 0.001

_NC = 2
_NS = 16
_L = 16
_NW = _NC * _NS

_CHUNK = 16384
_CROWS = _CHUNK // 512
_UNROLL = 16


def _make_hist_kernel(n: int, hb: int, mode: int):
    n_per_w = n // _NW
    n_chunks = n_per_w // _CHUNK
    rows_per_w = n_per_w // 512
    mesh = plsc.VectorSubcoreMesh(core_axis_name="c", subcore_axis_name="s")

    @functools.partial(
        pl.kernel,
        mesh=mesh,
        compiler_params=pltpu.CompilerParams(
            needs_layout_passes=False, use_tc_tiling_on_sc=True),
        out_type=jax.ShapeDtypeStruct((_NW * hb,), jnp.int32),
        scratch_types=[
            pltpu.VMEM((_CROWS, 512), jnp.float32),
            pltpu.VMEM((_CROWS, 512), jnp.float32),
            pltpu.VMEM((_L * hb,), jnp.int32),
            pltpu.VMEM((hb,), jnp.int32),
            pltpu.VMEM((_L,), jnp.int32),
            pltpu.SemaphoreType.DMA,
            pltpu.SemaphoreType.DMA,
        ],
    )
    def hist_kernel(pred_hbm, sel_hbm, out_hbm, buf0, buf1, hist, red, selv,
                    sem0, sem1):
        wid = lax.axis_index("s") * _NC + lax.axis_index("c")
        base = wid * rows_per_w
        lane = lax.iota(jnp.int32, _L)
        ones = jnp.ones((_L,), jnp.int32)
        zeros = jnp.zeros((_L,), jnp.int32)

        def zero_body(j, c):
            hist[pl.ds(j * _L, _L)] = zeros
            return c

        lax.fori_loop(0, _L * hb // _L, zero_body, 0)

        pltpu.sync_copy(sel_hbm, selv)
        sel = selv[...]

        bufs = (buf0, buf1)
        sems = (sem0, sem1)

        def start(g, b):
            pltpu.async_copy(
                pred_hbm.at[pl.ds(base + g * _CROWS, _CROWS), :],
                bufs[b], sems[b]
            )

        def wait(b):
            pltpu.make_async_copy(
                pred_hbm.at[pl.ds(0, _CROWS), :], bufs[b], sems[b]
            ).wait()

        def consume(buf):
            @plsc.parallel_loop(0, _CHUNK // _L, unroll=_UNROLL)
            def vec_body(j):
                v = buf[j >> 5, pl.ds((j & 31) * _L, _L)]
                bits = plsc.bitcast(v, jnp.int32)
                if mode == 0:
                    idx = bits >> 18
                    plsc.addupdate_scatter(hist, [(idx << 4) + lane], ones)
                elif mode == 1:
                    m = (bits >> 18) == sel
                    idx = (bits >> 6) & 0xFFF
                    plsc.addupdate_scatter(
                        hist, [(idx << 4) + lane], ones, mask=m)
                else:
                    m = (bits >> 6) == sel
                    idx = bits & 0x3F
                    plsc.addupdate_scatter(
                        hist, [(idx << 4) + lane], ones, mask=m)

        start(0, 0)

        def chunk_pair_body(g2, c):
            for b in range(2):
                g = g2 * 2 + b

                @pl.when(g + 1 < n_chunks)
                def _():
                    start(g + 1, 1 - b)

                wait(b)
                consume(bufs[b])
            return c

        lax.fori_loop(0, n_chunks // 2, chunk_pair_body, 0)

        def red_body(j, c):
            bb = (j * _L + lane) << 4
            acc = plsc.load_gather(hist, [bb + lane])
            for i in range(1, _L):
                acc = acc + plsc.load_gather(hist, [bb + ((lane + i) & (_L - 1))])
            red[pl.ds(j * _L, _L)] = acc
            return c

        lax.fori_loop(0, hb // _L, red_body, 0)
        pltpu.sync_copy(red, out_hbm.at[pl.ds(wid * hb, hb)])

    return hist_kernel


def _bce_body(t_ref, p_ref, g_ref, o_ref, acc):
    i = pl.program_id(0)
    thr = t_ref[0]
    p = p_ref[...]
    g = g_ref[...]
    log_p = jnp.maximum(jnp.log(p), -100.0)
    log_1mp = jnp.maximum(jnp.log(1.0 - p), -100.0)
    bce = -(g * log_p + (1.0 - g) * log_1mp)
    m = p < thr
    s = jnp.sum(jnp.where(m, bce, 0.0))
    c = jnp.sum(m.astype(jnp.float32))

    @pl.when(i == 0)
    def _():
        acc[0] = 0.0
        acc[1] = 0.0

    acc[0] = acc[0] + s
    acc[1] = acc[1] + c

    @pl.when(i == pl.num_programs(0) - 1)
    def _():
        o_ref[0, 0] = acc[0] / acc[1]


def _rank_step(hist, kk):
    cum = jnp.cumsum(hist)
    b = jnp.sum((cum <= kk).astype(jnp.int32)).astype(jnp.int32)
    below = jnp.where(b > 0, cum[jnp.maximum(b - 1, 0)], 0)
    return b, kk - below


def kernel(pred, target):
    n = pred.size
    k = min(int(_KEPT_FRAC * n), n - 1)

    cols = 512
    rows = n // cols
    p2 = pred.reshape(rows, cols)
    g2 = target.reshape(rows, cols)

    rpad = (-rows) % (_NW * 2 * _CROWS)
    p2sc = (jnp.pad(p2, ((0, rpad), (0, 0)), constant_values=1.0)
            if rpad else p2)
    nsc = (rows + rpad) * cols

    hist1 = _make_hist_kernel(nsc, 4096, 0)
    hist2 = _make_hist_kernel(nsc, 4096, 1)
    hist3 = _make_hist_kernel(nsc, 64, 2)

    sel0 = jnp.zeros((_L,), jnp.int32)
    h1 = hist1(p2sc, sel0).reshape(_NW, 4096).sum(axis=0)
    b1, k1 = _rank_step(h1, k)

    h2 = hist2(p2sc, jnp.full((_L,), b1, jnp.int32)).reshape(_NW, 4096).sum(axis=0)
    l2, k2 = _rank_step(h2, k1)

    sel3 = (b1 << 12) | l2
    h3 = hist3(p2sc, jnp.full((_L,), sel3, jnp.int32)).reshape(_NW, 64).sum(axis=0)
    l3, _ = _rank_step(h3, k2)

    tbits = (b1 << 18) | (l2 << 6) | l3
    thr = lax.bitcast_convert_type(tbits.astype(jnp.int32), jnp.float32)

    grid = 16
    br = rows // grid

    grid_spec = pltpu.PrefetchScalarGridSpec(
        num_scalar_prefetch=1,
        grid=(grid,),
        in_specs=[
            pl.BlockSpec((br, cols), lambda i, s: (i, 0)),
            pl.BlockSpec((br, cols), lambda i, s: (i, 0)),
        ],
        out_specs=pl.BlockSpec(memory_space=pltpu.SMEM),
        scratch_shapes=[pltpu.SMEM((2,), jnp.float32)],
    )
    out = pl.pallas_call(
        _bce_body,
        grid_spec=grid_spec,
        out_shape=jax.ShapeDtypeStruct((1, 1), jnp.float32),
    )(thr.reshape(1), p2, g2)
    return out[0, 0]

# --- scband reference (transcript-rebuilt; emitter-appended) ---
"""Pipeline reference for scband-limited-ohem-cross-entropy-76733885710774 (READ-ONLY COPY).

The authoritative reference and input builder live on the scoring server;
editing this copy changes nothing except your own understanding.
"""

import jax, jax.numpy as jnp
import numpy as np

MAX_KEPT = 0.001

def setup_inputs(seed: int = 0) -> dict:
    key = jax.random.key(seed)
    k1, k2 = jax.random.split(key)
    shape = (4, 19, 512, 512)
    pred = jax.random.uniform(k1, shape, dtype=jnp.float32)
    target = jax.random.uniform(k2, shape, dtype=jnp.float32)
    return {"pred": pred, "target": target}

def _bce_elementwise(pred, target):
    # torch.nn.BCELoss(reduction='none') with log clamped at -100 (torch semantics)
    log_p = jnp.clip(jnp.log(pred), -100.0, None)
    log_1mp = jnp.clip(jnp.log(1.0 - pred), -100.0, None)
    return -(target * log_p + (1.0 - target) * log_1mp)

def reference(pred, target):
    # shapes match, so no bilinear upsample branch is taken
    pixel_losses = _bce_elementwise(pred, target).reshape(-1)
    pred_flat = pred.reshape(-1)
    ind = jnp.argsort(pred_flat)
    pred_sorted = pred_flat[ind]
    n = pred_flat.shape[0]
    thr_idx = min(int(MAX_KEPT * n), n - 1)
    threshold = pred_sorted[thr_idx]
    pixel_losses = pixel_losses[ind]
    mask = pred_sorted < threshold
    count = jnp.sum(mask).astype(pixel_losses.dtype)
    # masked mean == pixel_losses[pred_sorted < threshold].mean()
    return jnp.sum(jnp.where(mask, pixel_losses, 0.0)) / count

if __name__ == "__main__":
    import jax
    _d = setup_inputs()
    print(jax.jit(kernel)(*tuple(_d.values())))

</pallas_src>

<mosaic_0001>
#map = affine_map<(d0, d1) -> (0, 0)>
#map1 = affine_map<(d0, d1) -> (0)>
module attributes {stable_mosaic.version = 14 : i64} {
  func.func @hist_kernel(%arg0: i32, %arg1: i32, %arg2: memref<38912x512xf32, #tpu.memory_space<hbm>>, %arg3: memref<16xi32, #tpu.memory_space<hbm>>, %arg4: memref<131072xi32, #tpu.memory_space<hbm>>, %arg5: memref<32x512xf32, #tpu.memory_space<vmem>>, %arg6: memref<32x512xf32, #tpu.memory_space<vmem>>, %arg7: memref<65536xi32, #tpu.memory_space<vmem>>, %arg8: memref<4096xi32, #tpu.memory_space<vmem>>, %arg9: memref<16xi32, #tpu.memory_space<vmem>>, %arg10: memref<!tpu.dma_semaphore, #tpu.memory_space<semaphore_mem>>, %arg11: memref<!tpu.dma_semaphore, #tpu.memory_space<semaphore_mem>>) attributes {dimension_semantics = [#tpu.dimension_semantics<core_parallel>, #tpu.dimension_semantics<subcore_parallel>], iteration_bounds = array<i64: 2, 16>, scalar_prefetch = 0 : i64, scratch_operands = 7 : i64, tpu.core_type = #tpu.core_type<sc_vector_subcore>, window_params = [{transform_indices = #map}, {transform_indices = #map1}, {transform_indices = #map1}]} {
    %mul3A = arith.constant 2 : i32
    %mul3A_0 = arith.muli %arg1, %mul3A : i32
    %add3A = arith.addi %mul3A_0, %arg0 : i32
    %mul3A_1 = arith.constant 1216 : i32
    %mul3A_2 = arith.muli %add3A, %mul3A_1 : i32
    %iota3A = tpu.iota {dimensions = array<i32: 0>} : vector<16xi32>
    %broadcast_in_dim3A = arith.constant 1 : i32
    %broadcast_in_dim3A_3 = vector.broadcast %broadcast_in_dim3A : i32 to vector<16xi32>
    %broadcast_in_dim3A_4 = arith.constant 0 : i32
    %broadcast_in_dim3A_5 = vector.broadcast %broadcast_in_dim3A_4 : i32 to vector<16xi32>
    %scan3A = arith.constant 0 : i32
    %scan3A_6 = arith.constant 0 : i32
    %scan3A_7 = arith.constant 4096 : i32
    %scan3A_8 = arith.addi %scan3A_6, %scan3A_7 : i32
    %scan3A_9 = arith.constant 1 : i32
    scf.for %scan3A_31 = %scan3A_6 to %scan3A_8 step %scan3A_9  : i32 {
      %mul3A_32 = arith.constant 16 : i32
      %mul3A_33 = arith.muli %scan3A_31, %mul3A_32 : i32
      %swap3A = arith.index_cast %mul3A_33 : i32 to index
      %swap3A_34 = tpu.vector_load %arg7[%swap3A] {strides = array<i32>} : memref<65536xi32, #tpu.memory_space<vmem>>, vector<16xi32>,
      tpu.vector_store %arg7[%swap3A], %broadcast_in_dim3A_5 {strides = array<i32>} : memref<65536xi32, #tpu.memory_space<vmem>>, vector<16xi32>,
    }
    %scan3A_10 = arith.constant 4096 : i32
    "tpu.region"() ({
      %run_scoped3A = tpu.sem_alloc : memref<!tpu.dma_semaphore, #tpu.memory_space<semaphore_mem>>
      tpu.enqueue_dma source(%arg3 : memref<16xi32, #tpu.memory_space<hbm>>) target(%arg9 : memref<16xi32, #tpu.memory_space<vmem>>) target_semaphore(%run_scoped3A : memref<!tpu.dma_semaphore, #tpu.memory_space<semaphore_mem>>)
      tpu.wait_dma2 semaphore(%run_scoped3A : memref<!tpu.dma_semaphore, #tpu.memory_space<semaphore_mem>>) src(%arg3 : memref<16xi32, #tpu.memory_space<hbm>>) dst(%arg9 : memref<16xi32, #tpu.memory_space<vmem>>)
      tpu.yield
    }) : () -> ()
    %get3A = arith.constant 0 : index
    %get3A_11 = tpu.vector_load %arg9[%get3A] {strides = array<i32>} : memref<16xi32, #tpu.memory_space<vmem>>, vector<16xi32>,
    %add3A_12 = arith.constant 0 : i32
    %add3A_13 = arith.addi %mul3A_2, %add3A_12 : i32
    %dma_start3A = arith.constant 0 : i32
    %dma_start3A_14 = tpu.memref_slice %arg2[%add3A_13, %dma_start3A] : memref<38912x512xf32, #tpu.memory_space<hbm>> -> memref<32x512xf32, #tpu.memory_space<hbm>>
    %dma_start3A_15 = arith.constant 0 : i32
    %dma_start3A_16 = tpu.memref_slice %arg2[%add3A_13, %dma_start3A_15] : memref<38912x512xf32, #tpu.memory_space<hbm>> -> memref<32x512xf32, #tpu.memory_space<hbm>>
    tpu.enqueue_dma source(%dma_start3A_16 : memref<32x512xf32, #tpu.memory_space<hbm>>) target(%arg5 : memref<32x512xf32, #tpu.memory_space<vmem>>) target_semaphore(%arg10 : memref<!tpu.dma_semaphore, #tpu.memory_space<semaphore_mem>>)
    %scan3A_17 = arith.constant 0 : i32
    %scan3A_18 = arith.constant 0 : i32
    %scan3A_19 = arith.constant 19 : i32
    %scan3A_20 = arith.addi %scan3A_18, %scan3A_19 : i32
    %scan3A_21 = arith.constant 1 : i32
    scf.for %scan3A_31 = %scan3A_18 to %scan3A_20 step %scan3A_21  : i32 {
      %mul3A_32 = arith.constant 2 : i32
      %mul3A_33 = arith.muli %scan3A_31, %mul3A_32 : i32
      %add3A_34 = arith.constant 0 : i32
      %add3A_35 = arith.addi %mul3A_33, %add3A_34 : i32
      %add3A_36 = arith.constant 1 : i32
      %add3A_37 = arith.addi %add3A_35, %add3A_36 : i32
      %lt3A = arith.constant 38 : i32
      %lt3A_38 = arith.cmpi slt, %add3A_37, %lt3A : i32
      %convert_element_type3A = arith.extui %lt3A_38 : i1 to i32
      %cond3A = arith.constant 0 : i32
      %cond3A_39 = arith.cmpi ne, %convert_element_type3A, %cond3A : i32
      scf.if %cond3A_39 {
        %add3A_67 = arith.constant 1 : i32
        %add3A_68 = arith.addi %add3A_35, %add3A_67 : i32
        %mul3A_69 = arith.constant 32 : i32
        %mul3A_70 = arith.muli %add3A_68, %mul3A_69 : i32
        %add3A_71 = arith.addi %mul3A_2, %mul3A_70 : i32
        %dma_start3A_72 = arith.constant 0 : i32
        %dma_start3A_73 = tpu.memref_slice %arg2[%add3A_71, %dma_start3A_72] : memref<38912x512xf32, #tpu.memory_space<hbm>> -> memref<32x512xf32, #tpu.memory_space<hbm>>
        %dma_start3A_74 = arith.constant 0 : i32
        %dma_start3A_75 = tpu.memref_slice %arg2[%add3A_71, %dma_start3A_74] : memref<38912x512xf32, #tpu.memory_space<hbm>> -> memref<32x512xf32, #tpu.memory_space<hbm>>
        tpu.enqueue_dma source(%dma_start3A_75 : memref<32x512xf32, #tpu.memory_space<hbm>>) target(%arg6 : memref<32x512xf32, #tpu.memory_space<vmem>>) target_semaphore(%arg11 : memref<!tpu.dma_semaphore, #tpu.memory_space<semaphore_mem>>)
      } else {
      }
      %dma_wait3A = arith.constant 0 : i32
      %dma_wait3A_40 = arith.constant 0 : i32
      %dma_wait3A_41 = tpu.memref_slice %arg2[%dma_wait3A, %dma_wait3A_40] : memref<38912x512xf32, #tpu.memory_space<hbm>> -> memref<32x512xf32, #tpu.memory_space<hbm>>
      %dma_wait3A_42 = arith.constant 0 : i32
      %dma_wait3A_43 = arith.constant 0 : i32
      %dma_wait3A_44 = tpu.memref_slice %arg2[%dma_wait3A_42, %dma_wait3A_43] : memref<38912x512xf32, #tpu.memory_space<hbm>> -> memref<32x512xf32, #tpu.memory_space<hbm>>
      tpu.wait_dma2 semaphore(%arg10 : memref<!tpu.dma_semaphore, #tpu.memory_space<semaphore_mem>>) src(%dma_wait3A_44 : memref<32x512xf32, #tpu.memory_space<hbm>>) dst(%arg5 : memref<32x512xf32, #tpu.memory_space<vmem>>)
      %parallel_loop3A = arith.constant 0 : i32
      %parallel_loop3A_45 = arith.constant 1024 : i32
      %parallel_loop3A_46 = arith.constant 1 : i32
      scf.for %parallel_loop3A_67 = %parallel_loop3A to %parallel_loop3A_45 step %parallel_loop3A_46  : i32 {
        %parallel_loop3A_68 = arith.constant 5 : i32
        %parallel_loop3A_69 = arith.shrsi %parallel_loop3A_67, %parallel_loop3A_68 : i32
        %parallel_loop3A_70 = arith.constant 31 : i32
        %parallel_loop3A_71 = arith.andi %parallel_loop3A_67, %parallel_loop3A_70 : i32
        %parallel_loop3A_72 = arith.constant 16 : i32
        %parallel_loop3A_73 = arith.muli %parallel_loop3A_71, %parallel_loop3A_72 : i32
        %parallel_loop3A_74 = arith.index_cast %parallel_loop3A_69 : i32 to index
        %parallel_loop3A_75 = arith.index_cast %parallel_loop3A_73 : i32 to index
        %parallel_loop3A_76 = tpu.vector_load %arg5[%parallel_loop3A_74, %parallel_loop3A_75] {strides = array<i32>} : memref<32x512xf32, #tpu.memory_space<vmem>>, vector<16xf32>,
        %parallel_loop3A_77 = vector.bitcast %parallel_loop3A_76 : vector<16xf32> to vector<16xi32>
        %parallel_loop3A_78 = arith.constant 18 : i32
        %parallel_loop3A_79 = vector.broadcast %parallel_loop3A_78 : i32 to vector<16xi32>
        %parallel_loop3A_80 = arith.shrsi %parallel_loop3A_77, %parallel_loop3A_79 : vector<16xi32>
        %parallel_loop3A_81 = arith.constant 4 : i32
        %parallel_loop3A_82 = vector.broadcast %parallel_loop3A_81 : i32 to vector<16xi32>
        %parallel_loop3A_83 = arith.shli %parallel_loop3A_80, %parallel_loop3A_82 : vector<16xi32>
        %parallel_loop3A_84 = arith.addi %parallel_loop3A_83, %iota3A : vector<16xi32>
        tpu.vector_store_idx %arg7[%parallel_loop3A_84], %broadcast_in_dim3A_3 {add = true} : memref<65536xi32, #tpu.memory_space<vmem>>[vector<16xi32>], vector<16xi32>,
      } {sc.loop_unroll_factor = 16 : i64, sc.parallel_access}
      %mul3A_47 = arith.constant 2 : i32
      %mul3A_48 = arith.muli %scan3A_31, %mul3A_47 : i32
      %add3A_49 = arith.constant 1 : i32
      %add3A_50 = arith.addi %mul3A_48, %add3A_49 : i32
      %add3A_51 = arith.constant 1 : i32
      %add3A_52 = arith.addi %add3A_50, %add3A_51 : i32
      %lt3A_53 = arith.constant 38 : i32
      %lt3A_54 = arith.cmpi slt, %add3A_52, %lt3A_53 : i32
      %convert_element_type3A_55 = arith.extui %lt3A_54 : i1 to i32
      %cond3A_56 = arith.constant 0 : i32
      %cond3A_57 = arith.cmpi ne, %convert_element_type3A_55, %cond3A_56 : i32
      scf.if %cond3A_57 {
        %add3A_67 = arith.constant 1 : i32
        %add3A_68 = arith.addi %add3A_50, %add3A_67 : i32
        %mul3A_69 = arith.constant 32 : i32
        %mul3A_70 = arith.muli %add3A_68, %mul3A_69 : i32
        %add3A_71 = arith.addi %mul3A_2, %mul3A_70 : i32
        %dma_start3A_72 = arith.constant 0 : i32
        %dma_start3A_73 = tpu.memref_slice %arg2[%add3A_71, %dma_start3A_72] : memref<38912x512xf32, #tpu.memory_space<hbm>> -> memref<32x512xf32, #tpu.memory_space<hbm>>
        %dma_start3A_74 = arith.constant 0 : i32
        %dma_start3A_75 = tpu.memref_slice %arg2[%add3A_71, %dma_start3A_74] : memref<38912x512xf32, #tpu.memory_space<hbm>> -> memref<32x512xf32, #tpu.memory_space<hbm>>
        tpu.enqueue_dma source(%dma_start3A_75 : memref<32x512xf32, #tpu.memory_space<hbm>>) target(%arg5 : memref<32x512xf32, #tpu.memory_space<vmem>>) target_semaphore(%arg10 : memref<!tpu.dma_semaphore, #tpu.memory_space<semaphore_mem>>)
      } else {
      }
      %dma_wait3A_58 = arith.constant 0 : i32
      %dma_wait3A_59 = arith.constant 0 : i32
      %dma_wait3A_60 = tpu.memref_slice %arg2[%dma_wait3A_58, %dma_wait3A_59] : memref<38912x512xf32, #tpu.memory_space<hbm>> -> memref<32x512xf32, #tpu.memory_space<hbm>>
      %dma_wait3A_61 = arith.constant 0 : i32
      %dma_wait3A_62 = arith.constant 0 : i32
      %dma_wait3A_63 = tpu.memref_slice %arg2[%dma_wait3A_61, %dma_wait3A_62] : memref<38912x512xf32, #tpu.memory_space<hbm>> -> memref<32x512xf32, #tpu.memory_space<hbm>>
      tpu.wait_dma2 semaphore(%arg11 : memref<!tpu.dma_semaphore, #tpu.memory_space<semaphore_mem>>) src(%dma_wait3A_63 : memref<32x512xf32, #tpu.memory_space<hbm>>) dst(%arg6 : memref<32x512xf32, #tpu.memory_space<vmem>>)
      %parallel_loop3A_64 = arith.constant 0 : i32
      %parallel_loop3A_65 = arith.constant 1024 : i32
      %parallel_loop3A_66 = arith.constant 1 : i32
      scf.for %parallel_loop3A_67 = %parallel_loop3A_64 to %parallel_loop3A_65 step %parallel_loop3A_66  : i32 {
        %parallel_loop3A_68 = arith.constant 5 : i32
        %parallel_loop3A_69 = arith.shrsi %parallel_loop3A_67, %parallel_loop3A_68 : i32
        %parallel_loop3A_70 = arith.constant 31 : i32
        %parallel_loop3A_71 = arith.andi %parallel_loop3A_67, %parallel_loop3A_70 : i32
        %parallel_loop3A_72 = arith.constant 16 : i32
        %parallel_loop3A_73 = arith.muli %parallel_loop3A_71, %parallel_loop3A_72 : i32
        %parallel_loop3A_74 = arith.index_cast %parallel_loop3A_69 : i32 to index
        %parallel_loop3A_75 = arith.index_cast %parallel_loop3A_73 : i32 to index
        %parallel_loop3A_76 = tpu.vector_load %arg6[%parallel_loop3A_74, %parallel_loop3A_75] {strides = array<i32>} : memref<32x512xf32, #tpu.memory_space<vmem>>, vector<16xf32>,
        %parallel_loop3A_77 = vector.bitcast %parallel_loop3A_76 : vector<16xf32> to vector<16xi32>
        %parallel_loop3A_78 = arith.constant 18 : i32
        %parallel_loop3A_79 = vector.broadcast %parallel_loop3A_78 : i32 to vector<16xi32>
        %parallel_loop3A_80 = arith.shrsi %parallel_loop3A_77, %parallel_loop3A_79 : vector<16xi32>
        %parallel_loop3A_81 = arith.constant 4 : i32
        %parallel_loop3A_82 = vector.broadcast %parallel_loop3A_81 : i32 to vector<16xi32>
        %parallel_loop3A_83 = arith.shli %parallel_loop3A_80, %parallel_loop3A_82 : vector<16xi32>
        %parallel_loop3A_84 = arith.addi %parallel_loop3A_83, %iota3A : vector<16xi32>
        tpu.vector_store_idx %arg7[%parallel_loop3A_84], %broadcast_in_dim3A_3 {add = true} : memref<65536xi32, #tpu.memory_space<vmem>>[vector<16xi32>], vector<16xi32>,
      } {sc.loop_unroll_factor = 16 : i64, sc.parallel_access}
    }
    %scan3A_22 = arith.constant 19 : i32
    %scan3A_23 = arith.constant 0 : i32
    %scan3A_24 = arith.constant 0 : i32
    %scan3A_25 = arith.constant 256 : i32
    %scan3A_26 = arith.addi %scan3A_24, %scan3A_25 : i32
    %scan3A_27 = arith.constant 1 : i32
    scf.for %scan3A_31 = %scan3A_24 to %scan3A_26 step %scan3A_27  : i32 {
      %mul3A_32 = arith.constant 16 : i32
      %mul3A_33 = arith.muli %scan3A_31, %mul3A_32 : i32
      %add3A_34 = vector.broadcast %mul3A_33 : i32 to vector<16xi32>
      %add3A_35 = arith.addi %add3A_34, %iota3A : vector<16xi32>
      %shift_left3A = arith.constant 4 : i32
      %shift_left3A_36 = vector.broadcast %shift_left3A : i32 to vector<16xi32>
      %shift_left3A_37 = arith.shli %add3A_35, %shift_left3A_36 : vector<16xi32>
      %add3A_38 = arith.addi %shift_left3A_37, %iota3A : vector<16xi32>
      %gather3A = tpu.vector_load_idx %arg7[%add3A_38] : memref<65536xi32, #tpu.memory_space<vmem>>[vector<16xi32>], vector<16xi32>,
      %add3A_39 = arith.constant 1 : i32
      %add3A_40 = vector.broadcast %add3A_39 : i32 to vector<16xi32>
      %add3A_41 = arith.addi %iota3A, %add3A_40 : vector<16xi32>
      %and3A = arith.constant 15 : i32
      %and3A_42 = vector.broadcast %and3A : i32 to vector<16xi32>
      %and3A_43 = arith.andi %add3A_41, %and3A_42 : vector<16xi32>
      %add3A_44 = arith.addi %shift_left3A_37, %and3A_43 : vector<16xi32>
      %gather3A_45 = tpu.vector_load_idx %arg7[%add3A_44] : memref<65536xi32, #tpu.memory_space<vmem>>[vector<16xi32>], vector<16xi32>,
      %add3A_46 = arith.addi %gather3A, %gather3A_45 : vector<16xi32>
      %add3A_47 = arith.constant 2 : i32
      %add3A_48 = vector.broadcast %add3A_47 : i32 to vector<16xi32>
      %add3A_49 = arith.addi %iota3A, %add3A_48 : vector<16xi32>
      %and3A_50 = arith.constant 15 : i32
      %and3A_51 = vector.broadcast %and3A_50 : i32 to vector<16xi32>
      %and3A_52 = arith.andi %add3A_49, %and3A_51 : vector<16xi32>
      %add3A_53 = arith.addi %shift_left3A_37, %and3A_52 : vector<16xi32>
      %gather3A_54 = tpu.vector_load_idx %arg7[%add3A_53] : memref<65536xi32, #tpu.memory_space<vmem>>[vector<16xi32>], vector<16xi32>,
      %add3A_55 = arith.addi %add3A_46, %gather3A_54 : vector<16xi32>
      %add3A_56 = arith.constant 3 : i32
      %add3A_57 = vector.broadcast %add3A_56 : i32 to vector<16xi32>
      %add3A_58 = arith.addi %iota3A, %add3A_57 : vector<16xi32>
      %and3A_59 = arith.constant 15 : i32
      %and3A_60 = vector.broadcast %and3A_59 : i32 to vector<16xi32>
      %and3A_61 = arith.andi %add3A_58, %and3A_60 : vector<16xi32>
      %add3A_62 = arith.addi %shift_left3A_37, %and3A_61 : vector<16xi32>
      %gather3A_63 = tpu.vector_load_idx %arg7[%add3A_62] : memref<65536xi32, #tpu.memory_space<vmem>>[vector<16xi32>], vector<16xi32>,
      %add3A_64 = arith.addi %add3A_55, %gather3A_63 : vector<16xi32>
      %add3A_65 = arith.constant 4 : i32
      %add3A_66 = vector.broadcast %add3A_65 : i32 to vector<16xi32>
      %add3A_67 = arith.addi %iota3A, %add3A_66 : vector<16xi32>
      %and3A_68 = arith.constant 15 : i32
      %and3A_69 = vector.broadcast %and3A_68 : i32 to vector<16xi32>
      %and3A_70 = arith.andi %add3A_67, %and3A_69 : vector<16xi32>
      %add3A_71 = arith.addi %shift_left3A_37, %and3A_70 : vector<16xi32>
      %gather3A_72 = tpu.vector_load_idx %arg7[%add3A_71] : memref<65536xi32, #tpu.memory_space<vmem>>[vector<16xi32>], vector<16xi32>,
      %add3A_73 = arith.addi %add3A_64, %gather3A_72 : vector<16xi32>
      %add3A_74 = arith.constant 5 : i32
      %add3A_75 = vector.broadcast %add3A_74 : i32 to vector<16xi32>
      %add3A_76 = arith.addi %iota3A, %add3A_75 : vector<16xi32>
      %and3A_77 = arith.constant 15 : i32
      %and3A_78 = vector.broadcast %and3A_77 : i32 to vector<16xi32>
      %and3A_79 = arith.andi %add3A_76, %and3A_78 : vector<16xi32>
      %add3A_80 = arith.addi %shift_left3A_37, %and3A_79 : vector<16xi32>
      %gather3A_81 = tpu.vector_load_idx %arg7[%add3A_80] : memref<65536xi32, #tpu.memory_space<vmem>>[vector<16xi32>], vector<16xi32>,
      %add3A_82 = arith.addi %add3A_73, %gather3A_81 : vector<16xi32>
      %add3A_83 = arith.constant 6 : i32
      %add3A_84 = vector.broadcast %add3A_83 : i32 to vector<16xi32>
      %add3A_85 = arith.addi %iota3A, %add3A_84 : vector<16xi32>
      %and3A_86 = arith.constant 15 : i32
      %and3A_87 = vector.broadcast %and3A_86 : i32 to vector<16xi32>
      %and3A_88 = arith.andi %add3A_85, %and3A_87 : vector<16xi32>
      %add3A_89 = arith.addi %shift_left3A_37, %and3A_88 : vector<16xi32>
      %gather3A_90 = tpu.vector_load_idx %arg7[%add3A_89] : memref<65536xi32, #tpu.memory_space<vmem>>[vector<16xi32>], vector<16xi32>,
      %add3A_91 = arith.addi %add3A_82, %gather3A_90 : vector<16xi32>
      %add3A_92 = arith.constant 7 : i32
      %add3A_93 = vector.broadcast %add3A_92 : i32 to vector<16xi32>
      %add3A_94 = arith.addi %iota3A, %add3A_93 : vector<16xi32>
      %and3A_95 = arith.constant 15 : i32
      %and3A_96 = vector.broadcast %and3A_95 : i32 to vector<16xi32>
      %and3A_97 = arith.andi %add3A_94, %and3A_96 : vector<16xi32>
      %add3A_98 = arith.addi %shift_left3A_37, %and3A_97 : vector<16xi32>
      %gather3A_99 = tpu.vector_load_idx %arg7[%add3A_98] : memref<65536xi32, #tpu.memory_space<vmem>>[vector<16xi32>], vector<16xi32>,
      %add3A_100 = arith.addi %add3A_91, %gather3A_99 : vector<16xi32>
      %add3A_101 = arith.constant 8 : i32
      %add3A_102 = vector.broadcast %add3A_101 : i32 to vector<16xi32>
      %add3A_103 = arith.addi %iota3A, %add3A_102 : vector<16xi32>
      %and3A_104 = arith.constant 15 : i32
      %and3A_105 = vector.broadcast %and3A_104 : i32 to vector<16xi32>
      %and3A_106 = arith.andi %add3A_103, %and3A_105 : vector<16xi32>
      %add3A_107 = arith.addi %shift_left3A_37, %and3A_106 : vector<16xi32>
      %gather3A_108 = tpu.vector_load_idx %arg7[%add3A_107] : memref<65536xi32, #tpu.memory_space<vmem>>[vector<16xi32>], vector<16xi32>,
      %add3A_109 = arith.addi %add3A_100, %gather3A_108 : vector<16xi32>
      %add3A_110 = arith.constant 9 : i32
      %add3A_111 = vector.broadcast %add3A_110 : i32 to vector<16xi32>
      %add3A_112 = arith.addi %iota3A, %add3A_111 : vector<16xi32>
      %and3A_113 = arith.constant 15 : i32
      %and3A_114 = vector.broadcast %and3A_113 : i32 to vector<16xi32>
      %and3A_115 = arith.andi %add3A_112, %and3A_114 : vector<16xi32>
      %add3A_116 = arith.addi %shift_left3A_37, %and3A_115 : vector<16xi32>
      %gather3A_117 = tpu.vector_load_idx %arg7[%add3A_116] : memref<65536xi32, #tpu.memory_space<vmem>>[vector<16xi32>], vector<16xi32>,
      %add3A_118 = arith.addi %add3A_109, %gather3A_117 : vector<16xi32>
      %add3A_119 = arith.constant 10 : i32
      %add3A_120 = vector.broadcast %add3A_119 : i32 to vector<16xi32>
      %add3A_121 = arith.addi %iota3A, %add3A_120 : vector<16xi32>
      %and3A_122 = arith.constant 15 : i32
      %and3A_123 = vector.broadcast %and3A_122 : i32 to vector<16xi32>
      %and3A_124 = arith.andi %add3A_121, %and3A_123 : vector<16xi32>
      %add3A_125 = arith.addi %shift_left3A_37, %and3A_124 : vector<16xi32>
      %gather3A_126 = tpu.vector_load_idx %arg7[%add3A_125] : memref<65536xi32, #tpu.memory_space<vmem>>[vector<16xi32>], vector<16xi32>,
      %add3A_127 = arith.addi %add3A_118, %gather3A_126 : vector<16xi32>
      %add3A_128 = arith.constant 11 : i32
      %add3A_129 = vector.broadcast %add3A_128 : i32 to vector<16xi32>
      %add3A_130 = arith.addi %iota3A, %add3A_129 : vector<16xi32>
      %and3A_131 = arith.constant 15 : i32
      %and3A_132 = vector.broadcast %and3A_131 : i32 to vector<16xi32>
      %and3A_133 = arith.andi %add3A_130, %and3A_132 : vector<16xi32>
      %add3A_134 = arith.addi %shift_left3A_37, %and3A_133 : vector<16xi32>
      %gather3A_135 = tpu.vector_load_idx %arg7[%add3A_134] : memref<65536xi32, #tpu.memory_space<vmem>>[vector<16xi32>], vector<16xi32>,
      %add3A_136 = arith.addi %add3A_127, %gather3A_135 : vector<16xi32>
      %add3A_137 = arith.constant 12 : i32
      %add3A_138 = vector.broadcast %add3A_137 : i32 to vector<16xi32>
      %add3A_139 = arith.addi %iota3A, %add3A_138 : vector<16xi32>
      %and3A_140 = arith.constant 15 : i32
      %and3A_141 = vector.broadcast %and3A_140 : i32 to vector<16xi32>
      %and3A_142 = arith.andi %add3A_139, %and3A_141 : vector<16xi32>
      %add3A_143 = arith.addi %shift_left3A_37, %and3A_142 : vector<16xi32>
      %gather3A_144 = tpu.vector_load_idx %arg7[%add3A_143] : memref<65536xi32, #tpu.memory_space<vmem>>[vector<16xi32>], vector<16xi32>,
      %add3A_145 = arith.addi %add3A_136, %gather3A_144 : vector<16xi32>
      %add3A_146 = arith.constant 13 : i32
      %add3A_147 = vector.broadcast %add3A_146 : i32 to vector<16xi32>
      %add3A_148 = arith.addi %iota3A, %add3A_147 : vector<16xi32>
      %and3A_149 = arith.constant 15 : i32
      %and3A_150 = vector.broadcast %and3A_149 : i32 to vector<16xi32>
      %and3A_151 = arith.andi %add3A_148, %and3A_150 : vector<16xi32>
      %add3A_152 = arith.addi %shift_left3A_37, %and3A_151 : vector<16xi32>
      %gather3A_153 = tpu.vector_load_idx %arg7[%add3A_152] : memref<65536xi32, #tpu.memory_space<vmem>>[vector<16xi32>], vector<16xi32>,
      %add3A_154 = arith.addi %add3A_145, %gather3A_153 : vector<16xi32>
      %add3A_155 = arith.constant 14 : i32
      %add3A_156 = vector.broadcast %add3A_155 : i32 to vector<16xi32>
      %add3A_157 = arith.addi %iota3A, %add3A_156 : vector<16xi32>
      %and3A_158 = arith.constant 15 : i32
      %and3A_159 = vector.broadcast %and3A_158 : i32 to vector<16xi32>
      %and3A_160 = arith.andi %add3A_157, %and3A_159 : vector<16xi32>
      %add3A_161 = arith.addi %shift_left3A_37, %and3A_160 : vector<16xi32>
      %gather3A_162 = tpu.vector_load_idx %arg7[%add3A_161] : memref<65536xi32, #tpu.memory_space<vmem>>[vector<16xi32>], vector<16xi32>,
      %add3A_163 = arith.addi %add3A_154, %gather3A_162 : vector<16xi32>
      %add3A_164 = arith.constant 15 : i32
      %add3A_165 = vector.broadcast %add3A_164 : i32 to vector<16xi32>
      %add3A_166 = arith.addi %iota3A, %add3A_165 : vector<16xi32>
      %and3A_167 = arith.constant 15 : i32
      %and3A_168 = vector.broadcast %and3A_167 : i32 to vector<16xi32>
      %and3A_169 = arith.andi %add3A_166, %and3A_168 : vector<16xi32>
      %add3A_170 = arith.addi %shift_left3A_37, %and3A_169 : vector<16xi32>
      %gather3A_171 = tpu.vector_load_idx %arg7[%add3A_170] : memref<65536xi32, #tpu.memory_space<vmem>>[vector<16xi32>], vector<16xi32>,
      %add3A_172 = arith.addi %add3A_163, %gather3A_171 : vector<16xi32>
      %mul3A_173 = arith.constant 16 : i32
      %mul3A_174 = arith.muli %scan3A_31, %mul3A_173 : i32
      %swap3A = arith.index_cast %mul3A_174 : i32 to index
      %swap3A_175 = tpu.vector_load %arg8[%swap3A] {strides = array<i32>} : memref<4096xi32, #tpu.memory_space<vmem>>, vector<16xi32>,
      tpu.vector_store %arg8[%swap3A], %add3A_172 {strides = array<i32>} : memref<4096xi32, #tpu.memory_space<vmem>>, vector<16xi32>,
    }
    %scan3A_28 = arith.constant 256 : i32
    %mul3A_29 = arith.constant 4096 : i32
    %mul3A_30 = arith.muli %add3A, %mul3A_29 : i32
    "tpu.region"() ({
      %run_scoped3A = tpu.sem_alloc : memref<!tpu.dma_semaphore, #tpu.memory_space<semaphore_mem>>
      %dma_start3A_31 = tpu.memref_slice %arg4[%mul3A_30] : memref<131072xi32, #tpu.memory_space<hbm>> -> memref<4096xi32, #tpu.memory_space<hbm>>
      %dma_start3A_32 = tpu.memref_slice %arg4[%mul3A_30] : memref<131072xi32, #tpu.memory_space<hbm>> -> memref<4096xi32, #tpu.memory_space<hbm>>
      tpu.enqueue_dma source(%arg8 : memref<4096xi32, #tpu.memory_space<vmem>>) target(%dma_start3A_32 : memref<4096xi32, #tpu.memory_space<hbm>>) target_semaphore(%run_scoped3A : memref<!tpu.dma_semaphore, #tpu.memory_space<semaphore_mem>>)
      %dma_wait3A = tpu.memref_slice %arg4[%mul3A_30] : memref<131072xi32, #tpu.memory_space<hbm>> -> memref<4096xi32, #tpu.memory_space<hbm>>
      %dma_wait3A_33 = tpu.memref_slice %arg4[%mul3A_30] : memref<131072xi32, #tpu.memory_space<hbm>> -> memref<4096xi32, #tpu.memory_space<hbm>>
      tpu.wait_dma2 semaphore(%run_scoped3A : memref<!tpu.dma_semaphore, #tpu.memory_space<semaphore_mem>>) src(%arg8 : memref<4096xi32, #tpu.memory_space<vmem>>) dst(%dma_wait3A_33 : memref<4096xi32, #tpu.memory_space<hbm>>)
      tpu.yield
    }) : () -> ()
    return
  }
}

#map = affine_map<(d0, d1) -> (0, 0)>
#map1 = affine_map<(d0, d1) -> (0)>
module attributes {stable_mosaic.version = 14 : i64} {
  func.func @hist_kernel(%arg0: i32, %arg1: i32, %arg2: memref<38912x512xf32, #tpu.memory_space<hbm>>, %arg3: memref<16xi32, #tpu.memory_space<hbm>>, %arg4: memref<131072xi32, #tpu.memory_space<hbm>>, %arg5: memref<32x512xf32, #tpu.memory_space<vmem>>, %arg6: memref<32x512xf32, #tpu.memory_space<vmem>>, %arg7: memref<65536xi32, #tpu.memory_space<vmem>>, %arg8: memref<4096xi32, #tpu.memory_space<vmem>>, %arg9: memref<16xi32, #tpu.memory_space<vmem>>, %arg10: memref<!tpu.dma_semaphore, #tpu.memory_space<semaphore_mem>>, %arg11: memref<!tpu.dma_semaphore, #tpu.memory_space<semaphore_mem>>) attributes {dimension_semantics = [#tpu.dimension_semantics<core_parallel>, #tpu.dimension_semantics<subcore_parallel>], iteration_bounds = array<i64: 2, 16>, scalar_prefetch = 0 : i64, scratch_operands = 7 : i64, tpu.core_type = #tpu.core_type<sc_vector_subcore>, window_params = [{transform_indices = #map}, {transform_indices = #map1}, {transform_indices = #map1}]} {
    %mul3A = arith.constant 2 : i32
    %mul3A_0 = arith.muli %arg1, %mul3A : i32
    %add3A = arith.addi %mul3A_0, %arg0 : i32
    %mul3A_1 = arith.constant 1216 : i32
    %mul3A_2 = arith.muli %add3A, %mul3A_1 : i32
    %iota3A = tpu.iota {dimensions = array<i32: 0>} : vector<16xi32>
    %broadcast_in_dim3A = arith.constant 1 : i32
    %broadcast_in_dim3A_3 = vector.broadcast %broadcast_in_dim3A : i32 to vector<16xi32>
    %broadcast_in_dim3A_4 = arith.constant 0 : i32
    %broadcast_in_dim3A_5 = vector.broadcast %broadcast_in_dim3A_4 : i32 to vector<16xi32>
    %scan3A = arith.constant 0 : i32
    %scan3A_6 = arith.constant 0 : i32
    %scan3A_7 = arith.constant 4096 : i32
    %scan3A_8 = arith.addi %scan3A_6, %scan3A_7 : i32
    %scan3A_9 = arith.constant 1 : i32
    scf.for %scan3A_31 = %scan3A_6 to %scan3A_8 step %scan3A_9  : i32 {
      %mul3A_32 = arith.constant 16 : i32
      %mul3A_33 = arith.muli %scan3A_31, %mul3A_32 : i32
      %swap3A = arith.index_cast %mul3A_33 : i32 to index
      %swap3A_34 = tpu.vector_load %arg7[%swap3A] {strides = array<i32>} : memref<65536xi32, #tpu.memory_space<vmem>>, vector<16xi32>,
      tpu.vector_store %arg7[%swap3A], %broadcast_in_dim3A_5 {strides = array<i32>} : memref<65536xi32, #tpu.memory_space<vmem>>, vector<16xi32>,
    }
    %scan3A_10 = arith.constant 4096 : i32
    "tpu.region"() ({
      %run_scoped3A = tpu.sem_alloc : memref<!tpu.dma_semaphore, #tpu.memory_space<semaphore_mem>>
      tpu.enqueue_dma source(%arg3 : memref<16xi32, #tpu.memory_space<hbm>>) target(%arg9 : memref<16xi32, #tpu.memory_space<vmem>>) target_semaphore(%run_scoped3A : memref<!tpu.dma_semaphore, #tpu.memory_space<semaphore_mem>>)
      tpu.wait_dma2 semaphore(%run_scoped3A : memref<!tpu.dma_semaphore, #tpu.memory_space<semaphore_mem>>) src(%arg3 : memref<16xi32, #tpu.memory_space<hbm>>) dst(%arg9 : memref<16xi32, #tpu.memory_space<vmem>>)
      tpu.yield
    }) : () -> ()
    %get3A = arith.constant 0 : index
    %get3A_11 = tpu.vector_load %arg9[%get3A] {strides = array<i32>} : memref<16xi32, #tpu.memory_space<vmem>>, vector<16xi32>,
    %add3A_12 = arith.constant 0 : i32
    %add3A_13 = arith.addi %mul3A_2, %add3A_12 : i32
    %dma_start3A = arith.constant 0 : i32
    %dma_start3A_14 = tpu.memref_slice %arg2[%add3A_13, %dma_start3A] : memref<38912x512xf32, #tpu.memory_space<hbm>> -> memref<32x512xf32, #tpu.memory_space<hbm>>
    %dma_start3A_15 = arith.constant 0 : i32
    %dma_start3A_16 = tpu.memref_slice %arg2[%add3A_13, %dma_start3A_15] : memref<38912x512xf32, #tpu.memory_space<hbm>> -> memref<32x512xf32, #tpu.memory_space<hbm>>
    tpu.enqueue_dma source(%dma_start3A_16 : memref<32x512xf32, #tpu.memory_space<hbm>>) target(%arg5 : memref<32x512xf32, #tpu.memory_space<vmem>>) target_semaphore(%arg10 : memref<!tpu.dma_semaphore, #tpu.memory_space<semaphore_mem>>)
    %scan3A_17 = arith.constant 0 : i32
    %scan3A_18 = arith.constant 0 : i32
    %scan3A_19 = arith.constant 19 : i32
    %scan3A_20 = arith.addi %scan3A_18, %scan3A_19 : i32
    %scan3A_21 = arith.constant 1 : i32
    scf.for %scan3A_31 = %scan3A_18 to %scan3A_20 step %scan3A_21  : i32 {
      %mul3A_32 = arith.constant 2 : i32
      %mul3A_33 = arith.muli %scan3A_31, %mul3A_32 : i32
      %add3A_34 = arith.constant 0 : i32
      %add3A_35 = arith.addi %mul3A_33, %add3A_34 : i32
      %add3A_36 = arith.constant 1 : i32
      %add3A_37 = arith.addi %add3A_35, %add3A_36 : i32
      %lt3A = arith.constant 38 : i32
      %lt3A_38 = arith.cmpi slt, %add3A_37, %lt3A : i32
      %convert_element_type3A = arith.extui %lt3A_38 : i1 to i32
      %cond3A = arith.constant 0 : i32
      %cond3A_39 = arith.cmpi ne, %convert_element_type3A, %cond3A : i32
      scf.if %cond3A_39 {
        %add3A_67 = arith.constant 1 : i32
        %add3A_68 = arith.addi %add3A_35, %add3A_67 : i32
        %mul3A_69 = arith.constant 32 : i32
        %mul3A_70 = arith.muli %add3A_68, %mul3A_69 : i32
        %add3A_71 = arith.addi %mul3A_2, %mul3A_70 : i32
        %dma_start3A_72 = arith.constant 0 : i32
        %dma_start3A_73 = tpu.memref_slice %arg2[%add3A_71, %dma_start3A_72] : memref<38912x512xf32, #tpu.memory_space<hbm>> -> memref<32x512xf32, #tpu.memory_space<hbm>>
        %dma_start3A_74 = arith.constant 0 : i32
        %dma_start3A_75 = tpu.memref_slice %arg2[%add3A_71, %dma_start3A_74] : memref<38912x512xf32, #tpu.memory_space<hbm>> -> memref<32x512xf32, #tpu.memory_space<hbm>>
        tpu.enqueue_dma source(%dma_start3A_75 : memref<32x512xf32, #tpu.memory_space<hbm>>) target(%arg6 : memref<32x512xf32, #tpu.memory_space<vmem>>) target_semaphore(%arg11 : memref<!tpu.dma_semaphore, #tpu.memory_space<semaphore_mem>>)
      } else {
      }
      %dma_wait3A = arith.constant 0 : i32
      %dma_wait3A_40 = arith.constant 0 : i32
      %dma_wait3A_41 = tpu.memref_slice %arg2[%dma_wait3A, %dma_wait3A_40] : memref<38912x512xf32, #tpu.memory_space<hbm>> -> memref<32x512xf32, #tpu.memory_space<hbm>>
      %dma_wait3A_42 = arith.constant 0 : i32
      %dma_wait3A_43 = arith.constant 0 : i32
      %dma_wait3A_44 = tpu.memref_slice %arg2[%dma_wait3A_42, %dma_wait3A_43] : memref<38912x512xf32, #tpu.memory_space<hbm>> -> memref<32x512xf32, #tpu.memory_space<hbm>>
      tpu.wait_dma2 semaphore(%arg10 : memref<!tpu.dma_semaphore, #tpu.memory_space<semaphore_mem>>) src(%dma_wait3A_44 : memref<32x512xf32, #tpu.memory_space<hbm>>) dst(%arg5 : memref<32x512xf32, #tpu.memory_space<vmem>>)
      %parallel_loop3A = arith.constant 0 : i32
      %parallel_loop3A_45 = arith.constant 1024 : i32
      %parallel_loop3A_46 = arith.constant 1 : i32
      scf.for %parallel_loop3A_67 = %parallel_loop3A to %parallel_loop3A_45 step %parallel_loop3A_46  : i32 {
        %parallel_loop3A_68 = arith.constant 5 : i32
        %parallel_loop3A_69 = arith.shrsi %parallel_loop3A_67, %parallel_loop3A_68 : i32
        %parallel_loop3A_70 = arith.constant 31 : i32
        %parallel_loop3A_71 = arith.andi %parallel_loop3A_67, %parallel_loop3A_70 : i32
        %parallel_loop3A_72 = arith.constant 16 : i32
        %parallel_loop3A_73 = arith.muli %parallel_loop3A_71, %parallel_loop3A_72 : i32
        %parallel_loop3A_74 = arith.index_cast %parallel_loop3A_69 : i32 to index
        %parallel_loop3A_75 = arith.index_cast %parallel_loop3A_73 : i32 to index
        %parallel_loop3A_76 = tpu.vector_load %arg5[%parallel_loop3A_74, %parallel_loop3A_75] {strides = array<i32>} : memref<32x512xf32, #tpu.memory_space<vmem>>, vector<16xf32>,
        %parallel_loop3A_77 = vector.bitcast %parallel_loop3A_76 : vector<16xf32> to vector<16xi32>
        %parallel_loop3A_78 = arith.constant 18 : i32
        %parallel_loop3A_79 = vector.broadcast %parallel_loop3A_78 : i32 to vector<16xi32>
        %parallel_loop3A_80 = arith.shrsi %parallel_loop3A_77, %parallel_loop3A_79 : vector<16xi32>
        %parallel_loop3A_81 = arith.cmpi eq, %parallel_loop3A_80, %get3A_11 : vector<16xi32>
        %parallel_loop3A_82 = arith.constant 6 : i32
        %parallel_loop3A_83 = vector.broadcast %parallel_loop3A_82 : i32 to vector<16xi32>
        %parallel_loop3A_84 = arith.shrsi %parallel_loop3A_77, %parallel_loop3A_83 : vector<16xi32>
        %parallel_loop3A_85 = arith.constant 4095 : i32
        %parallel_loop3A_86 = vector.broadcast %parallel_loop3A_85 : i32 to vector<16xi32>
        %parallel_loop3A_87 = arith.andi %parallel_loop3A_84, %parallel_loop3A_86 : vector<16xi32>
        %parallel_loop3A_88 = arith.constant 4 : i32
        %parallel_loop3A_89 = vector.broadcast %parallel_loop3A_88 : i32 to vector<16xi32>
        %parallel_loop3A_90 = arith.shli %parallel_loop3A_87, %parallel_loop3A_89 : vector<16xi32>
        %parallel_loop3A_91 = arith.addi %parallel_loop3A_90, %iota3A : vector<16xi32>
        tpu.vector_store_idx %arg7[%parallel_loop3A_91], %broadcast_in_dim3A_3 masked %parallel_loop3A_81 {add = true} : memref<65536xi32, #tpu.memory_space<vmem>>[vector<16xi32>], vector<16xi32>, vector<16xi1>
      } {sc.loop_unroll_factor = 16 : i64, sc.parallel_access}
      %mul3A_47 = arith.constant 2 : i32
      %mul3A_48 = arith.muli %scan3A_31, %mul3A_47 : i32
      %add3A_49 = arith.constant 1 : i32
      %add3A_50 = arith.addi %mul3A_48, %add3A_49 : i32
      %add3A_51 = arith.constant 1 : i32
      %add3A_52 = arith.addi %add3A_50, %add3A_51 : i32
      %lt3A_53 = arith.constant 38 : i32
      %lt3A_54 = arith.cmpi slt, %add3A_52, %lt3A_53 : i32
      %convert_element_type3A_55 = arith.extui %lt3A_54 : i1 to i32
      %cond3A_56 = arith.constant 0 : i32
      %cond3A_57 = arith.cmpi ne, %convert_element_type3A_55, %cond3A_56 : i32
      scf.if %cond3A_57 {
        %add3A_67 = arith.constant 1 : i32
        %add3A_68 = arith.addi %add3A_50, %add3A_67 : i32
        %mul3A_69 = arith.constant 32 : i32
        %mul3A_70 = arith.muli %add3A_68, %mul3A_69 : i32
        %add3A_71 = arith.addi %mul3A_2, %mul3A_70 : i32
        %dma_start3A_72 = arith.constant 0 : i32
        %dma_start3A_73 = tpu.memref_slice %arg2[%add3A_71, %dma_start3A_72] : memref<38912x512xf32, #tpu.memory_space<hbm>> -> memref<32x512xf32, #tpu.memory_space<hbm>>
        %dma_start3A_74 = arith.constant 0 : i32
        %dma_start3A_75 = tpu.memref_slice %arg2[%add3A_71, %dma_start3A_74] : memref<38912x512xf32, #tpu.memory_space<hbm>> -> memref<32x512xf32, #tpu.memory_space<hbm>>
        tpu.enqueue_dma source(%dma_start3A_75 : memref<32x512xf32, #tpu.memory_space<hbm>>) target(%arg5 : memref<32x512xf32, #tpu.memory_space<vmem>>) target_semaphore(%arg10 : memref<!tpu.dma_semaphore, #tpu.memory_space<semaphore_mem>>)
      } else {
      }
      %dma_wait3A_58 = arith.constant 0 : i32
      %dma_wait3A_59 = arith.constant 0 : i32
      %dma_wait3A_60 = tpu.memref_slice %arg2[%dma_wait3A_58, %dma_wait3A_59] : memref<38912x512xf32, #tpu.memory_space<hbm>> -> memref<32x512xf32, #tpu.memory_space<hbm>>
      %dma_wait3A_61 = arith.constant 0 : i32
      %dma_wait3A_62 = arith.constant 0 : i32
      %dma_wait3A_63 = tpu.memref_slice %arg2[%dma_wait3A_61, %dma_wait3A_62] : memref<38912x512xf32, #tpu.memory_space<hbm>> -> memref<32x512xf32, #tpu.memory_space<hbm>>
      tpu.wait_dma2 semaphore(%arg11 : memref<!tpu.dma_semaphore, #tpu.memory_space<semaphore_mem>>) src(%dma_wait3A_63 : memref<32x512xf32, #tpu.memory_space<hbm>>) dst(%arg6 : memref<32x512xf32, #tpu.memory_space<vmem>>)
      %parallel_loop3A_64 = arith.constant 0 : i32
      %parallel_loop3A_65 = arith.constant 1024 : i32
      %parallel_loop3A_66 = arith.constant 1 : i32
      scf.for %parallel_loop3A_67 = %parallel_loop3A_64 to %parallel_loop3A_65 step %parallel_loop3A_66  : i32 {
        %parallel_loop3A_68 = arith.constant 5 : i32
        %parallel_loop3A_69 = arith.shrsi %parallel_loop3A_67, %parallel_loop3A_68 : i32
        %parallel_loop3A_70 = arith.constant 31 : i32
        %parallel_loop3A_71 = arith.andi %parallel_loop3A_67, %parallel_loop3A_70 : i32
        %parallel_loop3A_72 = arith.constant 16 : i32
        %parallel_loop3A_73 = arith.muli %parallel_loop3A_71, %parallel_loop3A_72 : i32
        %parallel_loop3A_74 = arith.index_cast %parallel_loop3A_69 : i32 to index
        %parallel_loop3A_75 = arith.index_cast %parallel_loop3A_73 : i32 to index
        %parallel_loop3A_76 = tpu.vector_load %arg6[%parallel_loop3A_74, %parallel_loop3A_75] {strides = array<i32>} : memref<32x512xf32, #tpu.memory_space<vmem>>, vector<16xf32>,
        %parallel_loop3A_77 = vector.bitcast %parallel_loop3A_76 : vector<16xf32> to vector<16xi32>
        %parallel_loop3A_78 = arith.constant 18 : i32
        %parallel_loop3A_79 = vector.broadcast %parallel_loop3A_78 : i32 to vector<16xi32>
        %parallel_loop3A_80 = arith.shrsi %parallel_loop3A_77, %parallel_loop3A_79 : vector<16xi32>
        %parallel_loop3A_81 = arith.cmpi eq, %parallel_loop3A_80, %get3A_11 : vector<16xi32>
        %parallel_loop3A_82 = arith.constant 6 : i32
        %parallel_loop3A_83 = vector.broadcast %parallel_loop3A_82 : i32 to vector<16xi32>
        %parallel_loop3A_84 = arith.shrsi %parallel_loop3A_77, %parallel_loop3A_83 : vector<16xi32>
        %parallel_loop3A_85 = arith.constant 4095 : i32
        %parallel_loop3A_86 = vector.broadcast %parallel_loop3A_85 : i32 to vector<16xi32>
        %parallel_loop3A_87 = arith.andi %parallel_loop3A_84, %parallel_loop3A_86 : vector<16xi32>
        %parallel_loop3A_88 = arith.constant 4 : i32
        %parallel_loop3A_89 = vector.broadcast %parallel_loop3A_88 : i32 to vector<16xi32>
        %parallel_loop3A_90 = arith.shli %parallel_loop3A_87, %parallel_loop3A_89 : vector<16xi32>
        %parallel_loop3A_91 = arith.addi %parallel_loop3A_90, %iota3A : vector<16xi32>
        tpu.vector_store_idx %arg7[%parallel_loop3A_91], %broadcast_in_dim3A_3 masked %parallel_loop3A_81 {add = true} : memref<65536xi32, #tpu.memory_space<vmem>>[vector<16xi32>], vector<16xi32>, vector<16xi1>
      } {sc.loop_unroll_factor = 16 : i64, sc.parallel_access}
    }
    %scan3A_22 = arith.constant 19 : i32
    %scan3A_23 = arith.constant 0 : i32
    %scan3A_24 = arith.constant 0 : i32
    %scan3A_25 = arith.constant 256 : i32
    %scan3A_26 = arith.addi %scan3A_24, %scan3A_25 : i32
    %scan3A_27 = arith.constant 1 : i32
    scf.for %scan3A_31 = %scan3A_24 to %scan3A_26 step %scan3A_27  : i32 {
      %mul3A_32 = arith.constant 16 : i32
      %mul3A_33 = arith.muli %scan3A_31, %mul3A_32 : i32
      %add3A_34 = vector.broadcast %mul3A_33 : i32 to vector<16xi32>
      %add3A_35 = arith.addi %add3A_34, %iota3A : vector<16xi32>
      %shift_left3A = arith.constant 4 : i32
      %shift_left3A_36 = vector.broadcast %shift_left3A : i32 to vector<16xi32>
      %shift_left3A_37 = arith.shli %add3A_35, %shift_left3A_36 : vector<16xi32>
      %add3A_38 = arith.addi %shift_left3A_37, %iota3A : vector<16xi32>
      %gather3A = tpu.vector_load_idx %arg7[%add3A_38] : memref<65536xi32, #tpu.memory_space<vmem>>[vector<16xi32>], vector<16xi32>,
      %add3A_39 = arith.constant 1 : i32
      %add3A_40 = vector.broadcast %add3A_39 : i32 to vector<16xi32>
      %add3A_41 = arith.addi %iota3A, %add3A_40 : vector<16xi32>
      %and3A = arith.constant 15 : i32
      %and3A_42 = vector.broadcast %and3A : i32 to vector<16xi32>
      %and3A_43 = arith.andi %add3A_41, %and3A_42 : vector<16xi32>
      %add3A_44 = arith.addi %shift_left3A_37, %and3A_43 : vector<16xi32>
      %gather3A_45 = tpu.vector_load_idx %arg7[%add3A_44] : memref<65536xi32, #tpu.memory_space<vmem>>[vector<16xi32>], vector<16xi32>,
      %add3A_46 = arith.addi %gather3A, %gather3A_45 : vector<16xi32>
      %add3A_47 = arith.constant 2 : i32
      %add3A_48 = vector.broadcast %add3A_47 : i32 to vector<16xi32>
      %add3A_49 = arith.addi %iota3A, %add3A_48 : vector<16xi32>
      %and3A_50 = arith.constant 15 : i32
      %and3A_51 = vector.broadcast %and3A_50 : i32 to vector<16xi32>
      %and3A_52 = arith.andi %add3A_49, %and3A_51 : vector<16xi32>
      %add3A_53 = arith.addi %shift_left3A_37, %and3A_52 : vector<16xi32>
      %gather3A_54 = tpu.vector_load_idx %arg7[%add3A_53] : memref<65536xi32, #tpu.memory_space<vmem>>[vector<16xi32>], vector<16xi32>,
      %add3A_55 = arith.addi %add3A_46, %gather3A_54 : vector<16xi32>
      %add3A_56 = arith.constant 3 : i32
      %add3A_57 = vector.broadcast %add3A_56 : i32 to vector<16xi32>
      %add3A_58 = arith.addi %iota3A, %add3A_57 : vector<16xi32>
      %and3A_59 = arith.constant 15 : i32
      %and3A_60 = vector.broadcast %and3A_59 : i32 to vector<16xi32>
      %and3A_61 = arith.andi %add3A_58, %and3A_60 : vector<16xi32>
      %add3A_62 = arith.addi %shift_left3A_37, %and3A_61 : vector<16xi32>
      %gather3A_63 = tpu.vector_load_idx %arg7[%add3A_62] : memref<65536xi32, #tpu.memory_space<vmem>>[vector<16xi32>], vector<16xi32>,
      %add3A_64 = arith.addi %add3A_55, %gather3A_63 : vector<16xi32>
      %add3A_65 = arith.constant 4 : i32
      %add3A_66 = vector.broadcast %add3A_65 : i32 to vector<16xi32>
      %add3A_67 = arith.addi %iota3A, %add3A_66 : vector<16xi32>
      %and3A_68 = arith.constant 15 : i32
      %and3A_69 = vector.broadcast %and3A_68 : i32 to vector<16xi32>
      %and3A_70 = arith.andi %add3A_67, %and3A_69 : vector<16xi32>
      %add3A_71 = arith.addi %shift_left3A_37, %and3A_70 : vector<16xi32>
      %gather3A_72 = tpu.vector_load_idx %arg7[%add3A_71] : memref<65536xi32, #tpu.memory_space<vmem>>[vector<16xi32>], vector<16xi32>,
      %add3A_73 = arith.addi %add3A_64, %gather3A_72 : vector<16xi32>
      %add3A_74 = arith.constant 5 : i32
      %add3A_75 = vector.broadcast %add3A_74 : i32 to vector<16xi32>
      %add3A_76 = arith.addi %iota3A, %add3A_75 : vector<16xi32>
      %and3A_77 = arith.constant 15 : i32
      %and3A_78 = vector.broadcast %and3A_77 : i32 to vector<16xi32>
      %and3A_79 = arith.andi %add3A_76, %and3A_78 : vector<16xi32>
      %add3A_80 = arith.addi %shift_left3A_37, %and3A_79 : vector<16xi32>
      %gather3A_81 = tpu.vector_load_idx %arg7[%add3A_80] : memref<65536xi32, #tpu.memory_space<vmem>>[vector<16xi32>], vector<16xi32>,
      %add3A_82 = arith.addi %add3A_73, %gather3A_81 : vector<16xi32>
      %add3A_83 = arith.constant 6 : i32
      %add3A_84 = vector.broadcast %add3A_83 : i32 to vector<16xi32>
      %add3A_85 = arith.addi %iota3A, %add3A_84 : vector<16xi32>
      %and3A_86 = arith.constant 15 : i32
      %and3A_87 = vector.broadcast %and3A_86 : i32 to vector<16xi32>
      %and3A_88 = arith.andi %add3A_85, %and3A_87 : vector<16xi32>
      %add3A_89 = arith.addi %shift_left3A_37, %and3A_88 : vector<16xi32>
      %gather3A_90 = tpu.vector_load_idx %arg7[%add3A_89] : memref<65536xi32, #tpu.memory_space<vmem>>[vector<16xi32>], vector<16xi32>,
      %add3A_91 = arith.addi %add3A_82, %gather3A_90 : vector<16xi32>
      %add3A_92 = arith.constant 7 : i32
      %add3A_93 = vector.broadcast %add3A_92 : i32 to vector<16xi32>
      %add3A_94 = arith.addi %iota3A, %add3A_93 : vector<16xi32>
      %and3A_95 = arith.constant 15 : i32
      %and3A_96 = vector.broadcast %and3A_95 : i32 to vector<16xi32>
      %and3A_97 = arith.andi %add3A_94, %and3A_96 : vector<16xi32>
      %add3A_98 = arith.addi %shift_left3A_37, %and3A_97 : vector<16xi32>
      %gather3A_99 = tpu.vector_load_idx %arg7[%add3A_98] : memref<65536xi32, #tpu.memory_space<vmem>>[vector<16xi32>], vector<16xi32>,
      %add3A_100 = arith.addi %add3A_91, %gather3A_99 : vector<16xi32>
      %add3A_101 = arith.constant 8 : i32
      %add3A_102 = vector.broadcast %add3A_101 : i32 to vector<16xi32>
      %add3A_103 = arith.addi %iota3A, %add3A_102 : vector<16xi32>
      %and3A_104 = arith.constant 15 : i32
      %and3A_105 = vector.broadcast %and3A_104 : i32 to vector<16xi32>
      %and3A_106 = arith.andi %add3A_103, %and3A_105 : vector<16xi32>
      %add3A_107 = arith.addi %shift_left3A_37, %and3A_106 : vector<16xi32>
      %gather3A_108 = tpu.vector_load_idx %arg7[%add3A_107] : memref<65536xi32, #tpu.memory_space<vmem>>[vector<16xi32>], vector<16xi32>,
      %add3A_109 = arith.addi %add3A_100, %gather3A_108 : vector<16xi32>
      %add3A_110 = arith.constant 9 : i32
      %add3A_111 = vector.broadcast %add3A_110 : i32 to vector<16xi32>
      %add3A_112 = arith.addi %iota3A, %add3A_111 : vector<16xi32>
      %and3A_113 = arith.constant 15 : i32
      %and3A_114 = vector.broadcast %and3A_113 : i32 to vector<16xi32>
      %and3A_115 = arith.andi %add3A_112, %and3A_114 : vector<16xi32>
      %add3A_116 = arith.addi %shift_left3A_37, %and3A_115 : vector<16xi32>
      %gather3A_117 = tpu.vector_load_idx %arg7[%add3A_116] : memref<65536xi32, #tpu.memory_space<vmem>>[vector<16xi32>], vector<16xi32>,
      %add3A_118 = arith.addi %add3A_109, %gather3A_117 : vector<16xi32>
      %add3A_119 = arith.constant 10 : i32
      %add3A_120 = vector.broadcast %add3A_119 : i32 to vector<16xi32>
      %add3A_121 = arith.addi %iota3A, %add3A_120 : vector<16xi32>
      %and3A_122 = arith.constant 15 : i32
      %and3A_123 = vector.broadcast %and3A_122 : i32 to vector<16xi32>
      %and3A_124 = arith.andi %add3A_121, %and3A_123 : vector<16xi32>
      %add3A_125 = arith.addi %shift_left3A_37, %and3A_124 : vector<16xi32>
      %gather3A_126 = tpu.vector_load_idx %arg7[%add3A_125] : memref<65536xi32, #tpu.memory_space<vmem>>[vector<16xi32>], vector<16xi32>,
      %add3A_127 = arith.addi %add3A_118, %gather3A_126 : vector<16xi32>
      %add3A_128 = arith.constant 11 : i32
      %add3A_129 = vector.broadcast %add3A_128 : i32 to vector<16xi32>
      %add3A_130 = arith.addi %iota3A, %add3A_129 : vector<16xi32>
      %and3A_131 = arith.constant 15 : i32
      %and3A_132 = vector.broadcast %and3A_131 : i32 to vector<16xi32>
      %and3A_133 = arith.andi %add3A_130, %and3A_132 : vector<16xi32>
      %add3A_134 = arith.addi %shift_left3A_37, %and3A_133 : vector<16xi32>
      %gather3A_135 = tpu.vector_load_idx %arg7[%add3A_134] : memref<65536xi32, #tpu.memory_space<vmem>>[vector<16xi32>], vector<16xi32>,
      %add3A_136 = arith.addi %add3A_127, %gather3A_135 : vector<16xi32>
      %add3A_137 = arith.constant 12 : i32
      %add3A_138 = vector.broadcast %add3A_137 : i32 to vector<16xi32>
      %add3A_139 = arith.addi %iota3A, %add3A_138 : vector<16xi32>
      %and3A_140 = arith.constant 15 : i32
      %and3A_141 = vector.broadcast %and3A_140 : i32 to vector<16xi32>
      %and3A_142 = arith.andi %add3A_139, %and3A_141 : vector<16xi32>
      %add3A_143 = arith.addi %shift_left3A_37, %and3A_142 : vector<16xi32>
      %gather3A_144 = tpu.vector_load_idx %arg7[%add3A_143] : memref<65536xi32, #tpu.memory_space<vmem>>[vector<16xi32>], vector<16xi32>,
      %add3A_145 = arith.addi %add3A_136, %gather3A_144 : vector<16xi32>
      %add3A_146 = arith.constant 13 : i32
      %add3A_147 = vector.broadcast %add3A_146 : i32 to vector<16xi32>
      %add3A_148 = arith.addi %iota3A, %add3A_147 : vector<16xi32>
      %and3A_149 = arith.constant 15 : i32
      %and3A_150 = vector.broadcast %and3A_149 : i32 to vector<16xi32>
      %and3A_151 = arith.andi %add3A_148, %and3A_150 : vector<16xi32>
      %add3A_152 = arith.addi %shift_left3A_37, %and3A_151 : vector<16xi32>
      %gather3A_153 = tpu.vector_load_idx %arg7[%add3A_152] : memref<65536xi32, #tpu.memory_space<vmem>>[vector<16xi32>], vector<16xi32>,
      %add3A_154 = arith.addi %add3A_145, %gather3A_153 : vector<16xi32>
      %add3A_155 = arith.constant 14 : i32
      %add3A_156 = vector.broadcast %add3A_155 : i32 to vector<16xi32>
      %add3A_157 = arith.addi %iota3A, %add3A_156 : vector<16xi32>
      %and3A_158 = arith.constant 15 : i32
      %and3A_159 = vector.broadcast %and3A_158 : i32 to vector<16xi32>
      %and3A_160 = arith.andi %add3A_157, %and3A_159 : vector<16xi32>
      %add3A_161 = arith.addi %shift_left3A_37, %and3A_160 : vector<16xi32>
      %gather3A_162 = tpu.vector_load_idx %arg7[%add3A_161] : memref<65536xi32, #tpu.memory_space<vmem>>[vector<16xi32>], vector<16xi32>,
      %add3A_163 = arith.addi %add3A_154, %gather3A_162 : vector<16xi32>
      %add3A_164 = arith.constant 15 : i32
      %add3A_165 = vector.broadcast %add3A_164 : i32 to vector<16xi32>
      %add3A_166 = arith.addi %iota3A, %add3A_165 : vector<16xi32>
      %and3A_167 = arith.constant 15 : i32
      %and3A_168 = vector.broadcast %and3A_167 : i32 to vector<16xi32>
      %and3A_169 = arith.andi %add3A_166, %and3A_168 : vector<16xi32>
      %add3A_170 = arith.addi %shift_left3A_37, %and3A_169 : vector<16xi32>
      %gather3A_171 = tpu.vector_load_idx %arg7[%add3A_170] : memref<65536xi32, #tpu.memory_space<vmem>>[vector<16xi32>], vector<16xi32>,
      %add3A_172 = arith.addi %add3A_163, %gather3A_171 : vector<16xi32>
      %mul3A_173 = arith.constant 16 : i32
      %mul3A_174 = arith.muli %scan3A_31, %mul3A_173 : i32
      %swap3A = arith.index_cast %mul3A_174 : i32 to index
      %swap3A_175 = tpu.vector_load %arg8[%swap3A] {strides = array<i32>} : memref<4096xi32, #tpu.memory_space<vmem>>, vector<16xi32>,
      tpu.vector_store %arg8[%swap3A], %add3A_172 {strides = array<i32>} : memref<4096xi32, #tpu.memory_space<vmem>>, vector<16xi32>,
    }
    %scan3A_28 = arith.constant 256 : i32
    %mul3A_29 = arith.constant 4096 : i32
    %mul3A_30 = arith.muli %add3A, %mul3A_29 : i32
    "tpu.region"() ({
      %run_scoped3A = tpu.sem_alloc : memref<!tpu.dma_semaphore, #tpu.memory_space<semaphore_mem>>
      %dma_start3A_31 = tpu.memref_slice %arg4[%mul3A_30] : memref<131072xi32, #tpu.memory_space<hbm>> -> memref<4096xi32, #tpu.memory_space<hbm>>
      %dma_start3A_32 = tpu.memref_slice %arg4[%mul3A_30] : memref<131072xi32, #tpu.memory_space<hbm>> -> memref<4096xi32, #tpu.memory_space<hbm>>
      tpu.enqueue_dma source(%arg8 : memref<4096xi32, #tpu.memory_space<vmem>>) target(%dma_start3A_32 : memref<4096xi32, #tpu.memory_space<hbm>>) target_semaphore(%run_scoped3A : memref<!tpu.dma_semaphore, #tpu.memory_space<semaphore_mem>>)
      %dma_wait3A = tpu.memref_slice %arg4[%mul3A_30] : memref<131072xi32, #tpu.memory_space<hbm>> -> memref<4096xi32, #tpu.memory_space<hbm>>
      %dma_wait3A_33 = tpu.memref_slice %arg4[%mul3A_30] : memref<131072xi32, #tpu.memory_space<hbm>> -> memref<4096xi32, #tpu.memory_space<hbm>>
      tpu.wait_dma2 semaphore(%run_scoped3A : memref<!tpu.dma_semaphore, #tpu.memory_space<semaphore_mem>>) src(%arg8 : memref<4096xi32, #tpu.memory_space<vmem>>) dst(%dma_wait3A_33 : memref<4096xi32, #tpu.memory_space<hbm>>)
      tpu.yield
    }) : () -> ()
    return
  }
}

#map = affine_map<(d0, d1) -> (0, 0)>
#map1 = affine_map<(d0, d1) -> (0)>
module attributes {stable_mosaic.version = 14 : i64} {
  func.func @hist_kernel(%arg0: i32, %arg1: i32, %arg2: memref<38912x512xf32, #tpu.memory_space<hbm>>, %arg3: memref<16xi32, #tpu.memory_space<hbm>>, %arg4: memref<2048xi32, #tpu.memory_space<hbm>>, %arg5: memref<32x512xf32, #tpu.memory_space<vmem>>, %arg6: memref<32x512xf32, #tpu.memory_space<vmem>>, %arg7: memref<1024xi32, #tpu.memory_space<vmem>>, %arg8: memref<64xi32, #tpu.memory_space<vmem>>, %arg9: memref<16xi32, #tpu.memory_space<vmem>>, %arg10: memref<!tpu.dma_semaphore, #tpu.memory_space<semaphore_mem>>, %arg11: memref<!tpu.dma_semaphore, #tpu.memory_space<semaphore_mem>>) attributes {dimension_semantics = [#tpu.dimension_semantics<core_parallel>, #tpu.dimension_semantics<subcore_parallel>], iteration_bounds = array<i64: 2, 16>, scalar_prefetch = 0 : i64, scratch_operands = 7 : i64, tpu.core_type = #tpu.core_type<sc_vector_subcore>, window_params = [{transform_indices = #map}, {transform_indices = #map1}, {transform_indices = #map1}]} {
    %mul3A = arith.constant 2 : i32
    %mul3A_0 = arith.muli %arg1, %mul3A : i32
    %add3A = arith.addi %mul3A_0, %arg0 : i32
    %mul3A_1 = arith.constant 1216 : i32
    %mul3A_2 = arith.muli %add3A, %mul3A_1 : i32
    %iota3A = tpu.iota {dimensions = array<i32: 0>} : vector<16xi32>
    %broadcast_in_dim3A = arith.constant 1 : i32
    %broadcast_in_dim3A_3 = vector.broadcast %broadcast_in_dim3A : i32 to vector<16xi32>
    %broadcast_in_dim3A_4 = arith.constant 0 : i32
    %broadcast_in_dim3A_5 = vector.broadcast %broadcast_in_dim3A_4 : i32 to vector<16xi32>
    %scan3A = arith.constant 0 : i32
    %scan3A_6 = arith.constant 0 : i32
    %scan3A_7 = arith.constant 64 : i32
    %scan3A_8 = arith.addi %scan3A_6, %scan3A_7 : i32
    %scan3A_9 = arith.constant 1 : i32
    scf.for %scan3A_31 = %scan3A_6 to %scan3A_8 step %scan3A_9  : i32 {
      %mul3A_32 = arith.constant 16 : i32
      %mul3A_33 = arith.muli %scan3A_31, %mul3A_32 : i32
      %swap3A = arith.index_cast %mul3A_33 : i32 to index
      %swap3A_34 = tpu.vector_load %arg7[%swap3A] {strides = array<i32>} : memref<1024xi32, #tpu.memory_space<vmem>>, vector<16xi32>,
      tpu.vector_store %arg7[%swap3A], %broadcast_in_dim3A_5 {strides = array<i32>} : memref<1024xi32, #tpu.memory_space<vmem>>, vector<16xi32>,
    }
    %scan3A_10 = arith.constant 64 : i32
    "tpu.region"() ({
      %run_scoped3A = tpu.sem_alloc : memref<!tpu.dma_semaphore, #tpu.memory_space<semaphore_mem>>
      tpu.enqueue_dma source(%arg3 : memref<16xi32, #tpu.memory_space<hbm>>) target(%arg9 : memref<16xi32, #tpu.memory_space<vmem>>) target_semaphore(%run_scoped3A : memref<!tpu.dma_semaphore, #tpu.memory_space<semaphore_mem>>)
      tpu.wait_dma2 semaphore(%run_scoped3A : memref<!tpu.dma_semaphore, #tpu.memory_space<semaphore_mem>>) src(%arg3 : memref<16xi32, #tpu.memory_space<hbm>>) dst(%arg9 : memref<16xi32, #tpu.memory_space<vmem>>)
      tpu.yield
    }) : () -> ()
    %get3A = arith.constant 0 : index
    %get3A_11 = tpu.vector_load %arg9[%get3A] {strides = array<i32>} : memref<16xi32, #tpu.memory_space<vmem>>, vector<16xi32>,
    %add3A_12 = arith.constant 0 : i32
    %add3A_13 = arith.addi %mul3A_2, %add3A_12 : i32
    %dma_start3A = arith.constant 0 : i32
    %dma_start3A_14 = tpu.memref_slice %arg2[%add3A_13, %dma_start3A] : memref<38912x512xf32, #tpu.memory_space<hbm>> -> memref<32x512xf32, #tpu.memory_space<hbm>>
    %dma_start3A_15 = arith.constant 0 : i32
    %dma_start3A_16 = tpu.memref_slice %arg2[%add3A_13, %dma_start3A_15] : memref<38912x512xf32, #tpu.memory_space<hbm>> -> memref<32x512xf32, #tpu.memory_space<hbm>>
    tpu.enqueue_dma source(%dma_start3A_16 : memref<32x512xf32, #tpu.memory_space<hbm>>) target(%arg5 : memref<32x512xf32, #tpu.memory_space<vmem>>) target_semaphore(%arg10 : memref<!tpu.dma_semaphore, #tpu.memory_space<semaphore_mem>>)
    %scan3A_17 = arith.constant 0 : i32
    %scan3A_18 = arith.constant 0 : i32
    %scan3A_19 = arith.constant 19 : i32
    %scan3A_20 = arith.addi %scan3A_18, %scan3A_19 : i32
    %scan3A_21 = arith.constant 1 : i32
    scf.for %scan3A_31 = %scan3A_18 to %scan3A_20 step %scan3A_21  : i32 {
      %mul3A_32 = arith.constant 2 : i32
      %mul3A_33 = arith.muli %scan3A_31, %mul3A_32 : i32
      %add3A_34 = arith.constant 0 : i32
      %add3A_35 = arith.addi %mul3A_33, %add3A_34 : i32
      %add3A_36 = arith.constant 1 : i32
      %add3A_37 = arith.addi %add3A_35, %add3A_36 : i32
      %lt3A = arith.constant 38 : i32
      %lt3A_38 = arith.cmpi slt, %add3A_37, %lt3A : i32
      %convert_element_type3A = arith.extui %lt3A_38 : i1 to i32
      %cond3A = arith.constant 0 : i32
      %cond3A_39 = arith.cmpi ne, %convert_element_type3A, %cond3A : i32
      scf.if %cond3A_39 {
        %add3A_67 = arith.constant 1 : i32
        %add3A_68 = arith.addi %add3A_35, %add3A_67 : i32
        %mul3A_69 = arith.constant 32 : i32
        %mul3A_70 = arith.muli %add3A_68, %mul3A_69 : i32
        %add3A_71 = arith.addi %mul3A_2, %mul3A_70 : i32
        %dma_start3A_72 = arith.constant 0 : i32
        %dma_start3A_73 = tpu.memref_slice %arg2[%add3A_71, %dma_start3A_72] : memref<38912x512xf32, #tpu.memory_space<hbm>> -> memref<32x512xf32, #tpu.memory_space<hbm>>
        %dma_start3A_74 = arith.constant 0 : i32
        %dma_start3A_75 = tpu.memref_slice %arg2[%add3A_71, %dma_start3A_74] : memref<38912x512xf32, #tpu.memory_space<hbm>> -> memref<32x512xf32, #tpu.memory_space<hbm>>
        tpu.enqueue_dma source(%dma_start3A_75 : memref<32x512xf32, #tpu.memory_space<hbm>>) target(%arg6 : memref<32x512xf32, #tpu.memory_space<vmem>>) target_semaphore(%arg11 : memref<!tpu.dma_semaphore, #tpu.memory_space<semaphore_mem>>)
      } else {
      }
      %dma_wait3A = arith.constant 0 : i32
      %dma_wait3A_40 = arith.constant 0 : i32
      %dma_wait3A_41 = tpu.memref_slice %arg2[%dma_wait3A, %dma_wait3A_40] : memref<38912x512xf32, #tpu.memory_space<hbm>> -> memref<32x512xf32, #tpu.memory_space<hbm>>
      %dma_wait3A_42 = arith.constant 0 : i32
      %dma_wait3A_43 = arith.constant 0 : i32
      %dma_wait3A_44 = tpu.memref_slice %arg2[%dma_wait3A_42, %dma_wait3A_43] : memref<38912x512xf32, #tpu.memory_space<hbm>> -> memref<32x512xf32, #tpu.memory_space<hbm>>
      tpu.wait_dma2 semaphore(%arg10 : memref<!tpu.dma_semaphore, #tpu.memory_space<semaphore_mem>>) src(%dma_wait3A_44 : memref<32x512xf32, #tpu.memory_space<hbm>>) dst(%arg5 : memref<32x512xf32, #tpu.memory_space<vmem>>)
      %parallel_loop3A = arith.constant 0 : i32
      %parallel_loop3A_45 = arith.constant 1024 : i32
      %parallel_loop3A_46 = arith.constant 1 : i32
      scf.for %parallel_loop3A_67 = %parallel_loop3A to %parallel_loop3A_45 step %parallel_loop3A_46  : i32 {
        %parallel_loop3A_68 = arith.constant 5 : i32
        %parallel_loop3A_69 = arith.shrsi %parallel_loop3A_67, %parallel_loop3A_68 : i32
        %parallel_loop3A_70 = arith.constant 31 : i32
        %parallel_loop3A_71 = arith.andi %parallel_loop3A_67, %parallel_loop3A_70 : i32
        %parallel_loop3A_72 = arith.constant 16 : i32
        %parallel_loop3A_73 = arith.muli %parallel_loop3A_71, %parallel_loop3A_72 : i32
        %parallel_loop3A_74 = arith.index_cast %parallel_loop3A_69 : i32 to index
        %parallel_loop3A_75 = arith.index_cast %parallel_loop3A_73 : i32 to index
        %parallel_loop3A_76 = tpu.vector_load %arg5[%parallel_loop3A_74, %parallel_loop3A_75] {strides = array<i32>} : memref<32x512xf32, #tpu.memory_space<vmem>>, vector<16xf32>,
        %parallel_loop3A_77 = vector.bitcast %parallel_loop3A_76 : vector<16xf32> to vector<16xi32>
        %parallel_loop3A_78 = arith.constant 6 : i32
        %parallel_loop3A_79 = vector.broadcast %parallel_loop3A_78 : i32 to vector<16xi32>
        %parallel_loop3A_80 = arith.shrsi %parallel_loop3A_77, %parallel_loop3A_79 : vector<16xi32>
        %parallel_loop3A_81 = arith.cmpi eq, %parallel_loop3A_80, %get3A_11 : vector<16xi32>
        %parallel_loop3A_82 = arith.constant 63 : i32
        %parallel_loop3A_83 = vector.broadcast %parallel_loop3A_82 : i32 to vector<16xi32>
        %parallel_loop3A_84 = arith.andi %parallel_loop3A_77, %parallel_loop3A_83 : vector<16xi32>
        %parallel_loop3A_85 = arith.constant 4 : i32
        %parallel_loop3A_86 = vector.broadcast %parallel_loop3A_85 : i32 to vector<16xi32>
        %parallel_loop3A_87 = arith.shli %parallel_loop3A_84, %parallel_loop3A_86 : vector<16xi32>
        %parallel_loop3A_88 = arith.addi %parallel_loop3A_87, %iota3A : vector<16xi32>
        tpu.vector_store_idx %arg7[%parallel_loop3A_88], %broadcast_in_dim3A_3 masked %parallel_loop3A_81 {add = true} : memref<1024xi32, #tpu.memory_space<vmem>>[vector<16xi32>], vector<16xi32>, vector<16xi1>
      } {sc.loop_unroll_factor = 16 : i64, sc.parallel_access}
      %mul3A_47 = arith.constant 2 : i32
      %mul3A_48 = arith.muli %scan3A_31, %mul3A_47 : i32
      %add3A_49 = arith.constant 1 : i32
      %add3A_50 = arith.addi %mul3A_48, %add3A_49 : i32
      %add3A_51 = arith.constant 1 : i32
      %add3A_52 = arith.addi %add3A_50, %add3A_51 : i32
      %lt3A_53 = arith.constant 38 : i32
      %lt3A_54 = arith.cmpi slt, %add3A_52, %lt3A_53 : i32
      %convert_element_type3A_55 = arith.extui %lt3A_54 : i1 to i32
      %cond3A_56 = arith.constant 0 : i32
      %cond3A_57 = arith.cmpi ne, %convert_element_type3A_55, %cond3A_56 : i32
      scf.if %cond3A_57 {
        %add3A_67 = arith.constant 1 : i32
        %add3A_68 = arith.addi %add3A_50, %add3A_67 : i32
        %mul3A_69 = arith.constant 32 : i32
        %mul3A_70 = arith.muli %add3A_68, %mul3A_69 : i32
        %add3A_71 = arith.addi %mul3A_2, %mul3A_70 : i32
        %dma_start3A_72 = arith.constant 0 : i32
        %dma_start3A_73 = tpu.memref_slice %arg2[%add3A_71, %dma_start3A_72] : memref<38912x512xf32, #tpu.memory_space<hbm>> -> memref<32x512xf32, #tpu.memory_space<hbm>>
        %dma_start3A_74 = arith.constant 0 : i32
        %dma_start3A_75 = tpu.memref_slice %arg2[%add3A_71, %dma_start3A_74] : memref<38912x512xf32, #tpu.memory_space<hbm>> -> memref<32x512xf32, #tpu.memory_space<hbm>>
        tpu.enqueue_dma source(%dma_start3A_75 : memref<32x512xf32, #tpu.memory_space<hbm>>) target(%arg5 : memref<32x512xf32, #tpu.memory_space<vmem>>) target_semaphore(%arg10 : memref<!tpu.dma_semaphore, #tpu.memory_space<semaphore_mem>>)
      } else {
      }
      %dma_wait3A_58 = arith.constant 0 : i32
      %dma_wait3A_59 = arith.constant 0 : i32
      %dma_wait3A_60 = tpu.memref_slice %arg2[%dma_wait3A_58, %dma_wait3A_59] : memref<38912x512xf32, #tpu.memory_space<hbm>> -> memref<32x512xf32, #tpu.memory_space<hbm>>
      %dma_wait3A_61 = arith.constant 0 : i32
      %dma_wait3A_62 = arith.constant 0 : i32
      %dma_wait3A_63 = tpu.memref_slice %arg2[%dma_wait3A_61, %dma_wait3A_62] : memref<38912x512xf32, #tpu.memory_space<hbm>> -> memref<32x512xf32, #tpu.memory_space<hbm>>
      tpu.wait_dma2 semaphore(%arg11 : memref<!tpu.dma_semaphore, #tpu.memory_space<semaphore_mem>>) src(%dma_wait3A_63 : memref<32x512xf32, #tpu.memory_space<hbm>>) dst(%arg6 : memref<32x512xf32, #tpu.memory_space<vmem>>)
      %parallel_loop3A_64 = arith.constant 0 : i32
      %parallel_loop3A_65 = arith.constant 1024 : i32
      %parallel_loop3A_66 = arith.constant 1 : i32
      scf.for %parallel_loop3A_67 = %parallel_loop3A_64 to %parallel_loop3A_65 step %parallel_loop3A_66  : i32 {
        %parallel_loop3A_68 = arith.constant 5 : i32
        %parallel_loop3A_69 = arith.shrsi %parallel_loop3A_67, %parallel_loop3A_68 : i32
        %parallel_loop3A_70 = arith.constant 31 : i32
        %parallel_loop3A_71 = arith.andi %parallel_loop3A_67, %parallel_loop3A_70 : i32
        %parallel_loop3A_72 = arith.constant 16 : i32
        %parallel_loop3A_73 = arith.muli %parallel_loop3A_71, %parallel_loop3A_72 : i32
        %parallel_loop3A_74 = arith.index_cast %parallel_loop3A_69 : i32 to index
        %parallel_loop3A_75 = arith.index_cast %parallel_loop3A_73 : i32 to index
        %parallel_loop3A_76 = tpu.vector_load %arg6[%parallel_loop3A_74, %parallel_loop3A_75] {strides = array<i32>} : memref<32x512xf32, #tpu.memory_space<vmem>>, vector<16xf32>,
        %parallel_loop3A_77 = vector.bitcast %parallel_loop3A_76 : vector<16xf32> to vector<16xi32>
        %parallel_loop3A_78 = arith.constant 6 : i32
        %parallel_loop3A_79 = vector.broadcast %parallel_loop3A_78 : i32 to vector<16xi32>
        %parallel_loop3A_80 = arith.shrsi %parallel_loop3A_77, %parallel_loop3A_79 : vector<16xi32>
        %parallel_loop3A_81 = arith.cmpi eq, %parallel_loop3A_80, %get3A_11 : vector<16xi32>
        %parallel_loop3A_82 = arith.constant 63 : i32
        %parallel_loop3A_83 = vector.broadcast %parallel_loop3A_82 : i32 to vector<16xi32>
        %parallel_loop3A_84 = arith.andi %parallel_loop3A_77, %parallel_loop3A_83 : vector<16xi32>
        %parallel_loop3A_85 = arith.constant 4 : i32
        %parallel_loop3A_86 = vector.broadcast %parallel_loop3A_85 : i32 to vector<16xi32>
        %parallel_loop3A_87 = arith.shli %parallel_loop3A_84, %parallel_loop3A_86 : vector<16xi32>
        %parallel_loop3A_88 = arith.addi %parallel_loop3A_87, %iota3A : vector<16xi32>
        tpu.vector_store_idx %arg7[%parallel_loop3A_88], %broadcast_in_dim3A_3 masked %parallel_loop3A_81 {add = true} : memref<1024xi32, #tpu.memory_space<vmem>>[vector<16xi32>], vector<16xi32>, vector<16xi1>
      } {sc.loop_unroll_factor = 16 : i64, sc.parallel_access}
    }
    %scan3A_22 = arith.constant 19 : i32
    %scan3A_23 = arith.constant 0 : i32
    %scan3A_24 = arith.constant 0 : i32
    %scan3A_25 = arith.constant 4 : i32
    %scan3A_26 = arith.addi %scan3A_24, %scan3A_25 : i32
    %scan3A_27 = arith.constant 1 : i32
    scf.for %scan3A_31 = %scan3A_24 to %scan3A_26 step %scan3A_27  : i32 {
      %mul3A_32 = arith.constant 16 : i32
      %mul3A_33 = arith.muli %scan3A_31, %mul3A_32 : i32
      %add3A_34 = vector.broadcast %mul3A_33 : i32 to vector<16xi32>
      %add3A_35 = arith.addi %add3A_34, %iota3A : vector<16xi32>
      %shift_left3A = arith.constant 4 : i32
      %shift_left3A_36 = vector.broadcast %shift_left3A : i32 to vector<16xi32>
      %shift_left3A_37 = arith.shli %add3A_35, %shift_left3A_36 : vector<16xi32>
      %add3A_38 = arith.addi %shift_left3A_37, %iota3A : vector<16xi32>
      %gather3A = tpu.vector_load_idx %arg7[%add3A_38] : memref<1024xi32, #tpu.memory_space<vmem>>[vector<16xi32>], vector<16xi32>,
      %add3A_39 = arith.constant 1 : i32
      %add3A_40 = vector.broadcast %add3A_39 : i32 to vector<16xi32>
      %add3A_41 = arith.addi %iota3A, %add3A_40 : vector<16xi32>
      %and3A = arith.constant 15 : i32
      %and3A_42 = vector.broadcast %and3A : i32 to vector<16xi32>
      %and3A_43 = arith.andi %add3A_41, %and3A_42 : vector<16xi32>
      %add3A_44 = arith.addi %shift_left3A_37, %and3A_43 : vector<16xi32>
      %gather3A_45 = tpu.vector_load_idx %arg7[%add3A_44] : memref<1024xi32, #tpu.memory_space<vmem>>[vector<16xi32>], vector<16xi32>,
      %add3A_46 = arith.addi %gather3A, %gather3A_45 : vector<16xi32>
      %add3A_47 = arith.constant 2 : i32
      %add3A_48 = vector.broadcast %add3A_47 : i32 to vector<16xi32>
      %add3A_49 = arith.addi %iota3A, %add3A_48 : vector<16xi32>
      %and3A_50 = arith.constant 15 : i32
      %and3A_51 = vector.broadcast %and3A_50 : i32 to vector<16xi32>
      %and3A_52 = arith.andi %add3A_49, %and3A_51 : vector<16xi32>
      %add3A_53 = arith.addi %shift_left3A_37, %and3A_52 : vector<16xi32>
      %gather3A_54 = tpu.vector_load_idx %arg7[%add3A_53] : memref<1024xi32, #tpu.memory_space<vmem>>[vector<16xi32>], vector<16xi32>,
      %add3A_55 = arith.addi %add3A_46, %gather3A_54 : vector<16xi32>
      %add3A_56 = arith.constant 3 : i32
      %add3A_57 = vector.broadcast %add3A_56 : i32 to vector<16xi32>
      %add3A_58 = arith.addi %iota3A, %add3A_57 : vector<16xi32>
      %and3A_59 = arith.constant 15 : i32
      %and3A_60 = vector.broadcast %and3A_59 : i32 to vector<16xi32>
      %and3A_61 = arith.andi %add3A_58, %and3A_60 : vector<16xi32>
      %add3A_62 = arith.addi %shift_left3A_37, %and3A_61 : vector<16xi32>
      %gather3A_63 = tpu.vector_load_idx %arg7[%add3A_62] : memref<1024xi32, #tpu.memory_space<vmem>>[vector<16xi32>], vector<16xi32>,
      %add3A_64 = arith.addi %add3A_55, %gather3A_63 : vector<16xi32>
      %add3A_65 = arith.constant 4 : i32
      %add3A_66 = vector.broadcast %add3A_65 : i32 to vector<16xi32>
      %add3A_67 = arith.addi %iota3A, %add3A_66 : vector<16xi32>
      %and3A_68 = arith.constant 15 : i32
      %and3A_69 = vector.broadcast %and3A_68 : i32 to vector<16xi32>
      %and3A_70 = arith.andi %add3A_67, %and3A_69 : vector<16xi32>
      %add3A_71 = arith.addi %shift_left3A_37, %and3A_70 : vector<16xi32>
      %gather3A_72 = tpu.vector_load_idx %arg7[%add3A_71] : memref<1024xi32, #tpu.memory_space<vmem>>[vector<16xi32>], vector<16xi32>,
      %add3A_73 = arith.addi %add3A_64, %gather3A_72 : vector<16xi32>
      %add3A_74 = arith.constant 5 : i32
      %add3A_75 = vector.broadcast %add3A_74 : i32 to vector<16xi32>
      %add3A_76 = arith.addi %iota3A, %add3A_75 : vector<16xi32>
      %and3A_77 = arith.constant 15 : i32
      %and3A_78 = vector.broadcast %and3A_77 : i32 to vector<16xi32>
      %and3A_79 = arith.andi %add3A_76, %and3A_78 : vector<16xi32>
      %add3A_80 = arith.addi %shift_left3A_37, %and3A_79 : vector<16xi32>
      %gather3A_81 = tpu.vector_load_idx %arg7[%add3A_80] : memref<1024xi32, #tpu.memory_space<vmem>>[vector<16xi32>], vector<16xi32>,
      %add3A_82 = arith.addi %add3A_73, %gather3A_81 : vector<16xi32>
      %add3A_83 = arith.constant 6 : i32
      %add3A_84 = vector.broadcast %add3A_83 : i32 to vector<16xi32>
      %add3A_85 = arith.addi %iota3A, %add3A_84 : vector<16xi32>
      %and3A_86 = arith.constant 15 : i32
      %and3A_87 = vector.broadcast %and3A_86 : i32 to vector<16xi32>
      %and3A_88 = arith.andi %add3A_85, %and3A_87 : vector<16xi32>
      %add3A_89 = arith.addi %shift_left3A_37, %and3A_88 : vector<16xi32>
      %gather3A_90 = tpu.vector_load_idx %arg7[%add3A_89] : memref<1024xi32, #tpu.memory_space<vmem>>[vector<16xi32>], vector<16xi32>,
      %add3A_91 = arith.addi %add3A_82, %gather3A_90 : vector<16xi32>
      %add3A_92 = arith.constant 7 : i32
      %add3A_93 = vector.broadcast %add3A_92 : i32 to vector<16xi32>
      %add3A_94 = arith.addi %iota3A, %add3A_93 : vector<16xi32>
      %and3A_95 = arith.constant 15 : i32
      %and3A_96 = vector.broadcast %and3A_95 : i32 to vector<16xi32>
      %and3A_97 = arith.andi %add3A_94, %and3A_96 : vector<16xi32>
      %add3A_98 = arith.addi %shift_left3A_37, %and3A_97 : vector<16xi32>
      %gather3A_99 = tpu.vector_load_idx %arg7[%add3A_98] : memref<1024xi32, #tpu.memory_space<vmem>>[vector<16xi32>], vector<16xi32>,
      %add3A_100 = arith.addi %add3A_91, %gather3A_99 : vector<16xi32>
      %add3A_101 = arith.constant 8 : i32
      %add3A_102 = vector.broadcast %add3A_101 : i32 to vector<16xi32>
      %add3A_103 = arith.addi %iota3A, %add3A_102 : vector<16xi32>
      %and3A_104 = arith.constant 15 : i32
      %and3A_105 = vector.broadcast %and3A_104 : i32 to vector<16xi32>
      %and3A_106 = arith.andi %add3A_103, %and3A_105 : vector<16xi32>
      %add3A_107 = arith.addi %shift_left3A_37, %and3A_106 : vector<16xi32>
      %gather3A_108 = tpu.vector_load_idx %arg7[%add3A_107] : memref<1024xi32, #tpu.memory_space<vmem>>[vector<16xi32>], vector<16xi32>,
      %add3A_109 = arith.addi %add3A_100, %gather3A_108 : vector<16xi32>
      %add3A_110 = arith.constant 9 : i32
      %add3A_111 = vector.broadcast %add3A_110 : i32 to vector<16xi32>
      %add3A_112 = arith.addi %iota3A, %add3A_111 : vector<16xi32>
      %and3A_113 = arith.constant 15 : i32
      %and3A_114 = vector.broadcast %and3A_113 : i32 to vector<16xi32>
      %and3A_115 = arith.andi %add3A_112, %and3A_114 : vector<16xi32>
      %add3A_116 = arith.addi %shift_left3A_37, %and3A_115 : vector<16xi32>
      %gather3A_117 = tpu.vector_load_idx %arg7[%add3A_116] : memref<1024xi32, #tpu.memory_space<vmem>>[vector<16xi32>], vector<16xi32>,
      %add3A_118 = arith.addi %add3A_109, %gather3A_117 : vector<16xi32>
      %add3A_119 = arith.constant 10 : i32
      %add3A_120 = vector.broadcast %add3A_119 : i32 to vector<16xi32>
      %add3A_121 = arith.addi %iota3A, %add3A_120 : vector<16xi32>
      %and3A_122 = arith.constant 15 : i32
      %and3A_123 = vector.broadcast %and3A_122 : i32 to vector<16xi32>
      %and3A_124 = arith.andi %add3A_121, %and3A_123 : vector<16xi32>
      %add3A_125 = arith.addi %shift_left3A_37, %and3A_124 : vector<16xi32>
      %gather3A_126 = tpu.vector_load_idx %arg7[%add3A_125] : memref<1024xi32, #tpu.memory_space<vmem>>[vector<16xi32>], vector<16xi32>,
      %add3A_127 = arith.addi %add3A_118, %gather3A_126 : vector<16xi32>
      %add3A_128 = arith.constant 11 : i32
      %add3A_129 = vector.broadcast %add3A_128 : i32 to vector<16xi32>
      %add3A_130 = arith.addi %iota3A, %add3A_129 : vector<16xi32>
      %and3A_131 = arith.constant 15 : i32
      %and3A_132 = vector.broadcast %and3A_131 : i32 to vector<16xi32>
      %and3A_133 = arith.andi %add3A_130, %and3A_132 : vector<16xi32>
      %add3A_134 = arith.addi %shift_left3A_37, %and3A_133 : vector<16xi32>
      %gather3A_135 = tpu.vector_load_idx %arg7[%add3A_134] : memref<1024xi32, #tpu.memory_space<vmem>>[vector<16xi32>], vector<16xi32>,
      %add3A_136 = arith.addi %add3A_127, %gather3A_135 : vector<16xi32>
      %add3A_137 = arith.constant 12 : i32
      %add3A_138 = vector.broadcast %add3A_137 : i32 to vector<16xi32>
      %add3A_139 = arith.addi %iota3A, %add3A_138 : vector<16xi32>
      %and3A_140 = arith.constant 15 : i32
      %and3A_141 = vector.broadcast %and3A_140 : i32 to vector<16xi32>
      %and3A_142 = arith.andi %add3A_139, %and3A_141 : vector<16xi32>
      %add3A_143 = arith.addi %shift_left3A_37, %and3A_142 : vector<16xi32>
      %gather3A_144 = tpu.vector_load_idx %arg7[%add3A_143] : memref<1024xi32, #tpu.memory_space<vmem>>[vector<16xi32>], vector<16xi32>,
      %add3A_145 = arith.addi %add3A_136, %gather3A_144 : vector<16xi32>
      %add3A_146 = arith.constant 13 : i32
      %add3A_147 = vector.broadcast %add3A_146 : i32 to vector<16xi32>
      %add3A_148 = arith.addi %iota3A, %add3A_147 : vector<16xi32>
      %and3A_149 = arith.constant 15 : i32
      %and3A_150 = vector.broadcast %and3A_149 : i32 to vector<16xi32>
      %and3A_151 = arith.andi %add3A_148, %and3A_150 : vector<16xi32>
      %add3A_152 = arith.addi %shift_left3A_37, %and3A_151 : vector<16xi32>
      %gather3A_153 = tpu.vector_load_idx %arg7[%add3A_152] : memref<1024xi32, #tpu.memory_space<vmem>>[vector<16xi32>], vector<16xi32>,
      %add3A_154 = arith.addi %add3A_145, %gather3A_153 : vector<16xi32>
      %add3A_155 = arith.constant 14 : i32
      %add3A_156 = vector.broadcast %add3A_155 : i32 to vector<16xi32>
      %add3A_157 = arith.addi %iota3A, %add3A_156 : vector<16xi32>
      %and3A_158 = arith.constant 15 : i32
      %and3A_159 = vector.broadcast %and3A_158 : i32 to vector<16xi32>
      %and3A_160 = arith.andi %add3A_157, %and3A_159 : vector<16xi32>
      %add3A_161 = arith.addi %shift_left3A_37, %and3A_160 : vector<16xi32>
      %gather3A_162 = tpu.vector_load_idx %arg7[%add3A_161] : memref<1024xi32, #tpu.memory_space<vmem>>[vector<16xi32>], vector<16xi32>,
      %add3A_163 = arith.addi %add3A_154, %gather3A_162 : vector<16xi32>
      %add3A_164 = arith.constant 15 : i32
      %add3A_165 = vector.broadcast %add3A_164 : i32 to vector<16xi32>
      %add3A_166 = arith.addi %iota3A, %add3A_165 : vector<16xi32>
      %and3A_167 = arith.constant 15 : i32
      %and3A_168 = vector.broadcast %and3A_167 : i32 to vector<16xi32>
      %and3A_169 = arith.andi %add3A_166, %and3A_168 : vector<16xi32>
      %add3A_170 = arith.addi %shift_left3A_37, %and3A_169 : vector<16xi32>
      %gather3A_171 = tpu.vector_load_idx %arg7[%add3A_170] : memref<1024xi32, #tpu.memory_space<vmem>>[vector<16xi32>], vector<16xi32>,
      %add3A_172 = arith.addi %add3A_163, %gather3A_171 : vector<16xi32>
      %mul3A_173 = arith.constant 16 : i32
      %mul3A_174 = arith.muli %scan3A_31, %mul3A_173 : i32
      %swap3A = arith.index_cast %mul3A_174 : i32 to index
      %swap3A_175 = tpu.vector_load %arg8[%swap3A] {strides = array<i32>} : memref<64xi32, #tpu.memory_space<vmem>>, vector<16xi32>,
      tpu.vector_store %arg8[%swap3A], %add3A_172 {strides = array<i32>} : memref<64xi32, #tpu.memory_space<vmem>>, vector<16xi32>,
    }
    %scan3A_28 = arith.constant 4 : i32
    %mul3A_29 = arith.constant 64 : i32
    %mul3A_30 = arith.muli %add3A, %mul3A_29 : i32
    "tpu.region"() ({
      %run_scoped3A = tpu.sem_alloc : memref<!tpu.dma_semaphore, #tpu.memory_space<semaphore_mem>>
      %dma_start3A_31 = tpu.memref_slice %arg4[%mul3A_30] : memref<2048xi32, #tpu.memory_space<hbm>> -> memref<64xi32, #tpu.memory_space<hbm>>
      %dma_start3A_32 = tpu.memref_slice %arg4[%mul3A_30] : memref<2048xi32, #tpu.memory_space<hbm>> -> memref<64xi32, #tpu.memory_space<hbm>>
      tpu.enqueue_dma source(%arg8 : memref<64xi32, #tpu.memory_space<vmem>>) target(%dma_start3A_32 : memref<64xi32, #tpu.memory_space<hbm>>) target_semaphore(%run_scoped3A : memref<!tpu.dma_semaphore, #tpu.memory_space<semaphore_mem>>)
      %dma_wait3A = tpu.memref_slice %arg4[%mul3A_30] : memref<2048xi32, #tpu.memory_space<hbm>> -> memref<64xi32, #tpu.memory_space<hbm>>
      %dma_wait3A_33 = tpu.memref_slice %arg4[%mul3A_30] : memref<2048xi32, #tpu.memory_space<hbm>> -> memref<64xi32, #tpu.memory_space<hbm>>
      tpu.wait_dma2 semaphore(%run_scoped3A : memref<!tpu.dma_semaphore, #tpu.memory_space<semaphore_mem>>) src(%arg8 : memref<64xi32, #tpu.memory_space<vmem>>) dst(%dma_wait3A_33 : memref<64xi32, #tpu.memory_space<hbm>>)
      tpu.yield
    }) : () -> ()
    return
  }
}

module attributes {stable_mosaic.version = 14 : i64} {
  func.func @_bce_body(%arg0: i32, %arg1: memref<1xf32, #tpu.memory_space<smem>>, %arg2: memref<2432x512xf32, #tpu.memory_space<vmem>>, %arg3: memref<2432x512xf32, #tpu.memory_space<vmem>>, %arg4: memref<1x1xf32, #tpu.memory_space<smem>>, %arg5: memref<2xf32, #tpu.memory_space<smem>>) attributes {dimension_semantics = [#tpu.dimension_semantics<arbitrary>], iteration_bounds = array<i64: 16>, scalar_prefetch = 1 : i64, scratch_operands = 1 : i64, tpu.core_type = #tpu.core_type<tc>, window_params = [{transform_indices = @transform_0, window_bounds = array<i64: 2432, 512>}, {transform_indices = @transform_1, window_bounds = array<i64: 2432, 512>}, {transform_indices = @transform_2, window_bounds = array<i64: 1, 1>}]} {
    %get3A = arith.constant 0 : index
    %get3A_0 = memref.load %arg1[%get3A] : memref<1xf32, #tpu.memory_space<smem>>
    %get3A_1 = arith.constant 0 : index
    %get3A_2 = arith.constant 0 : index
    %get3A_3 = vector.load %arg2[%get3A_1, %get3A_2] : memref<2432x512xf32, #tpu.memory_space<vmem>>, vector<2432x512xf32>
    %get3A_4 = arith.constant 0 : index
    %get3A_5 = arith.constant 0 : index
    %get3A_6 = vector.load %arg3[%get3A_4, %get3A_5] : memref<2432x512xf32, #tpu.memory_space<vmem>>, vector<2432x512xf32>
    %log3A = math.log %get3A_3 : vector<2432x512xf32>
    %max3A = arith.constant -1.000000e+02 : f32
    %max3A_7 = vector.broadcast %max3A : f32 to vector<2432x512xf32>
    %max3A_8 = arith.maximumf %log3A, %max3A_7 : vector<2432x512xf32>
    %sub3A = arith.constant 1.000000e+00 : f32
    %sub3A_9 = vector.broadcast %sub3A : f32 to vector<2432x512xf32>
    %sub3A_10 = arith.subf %sub3A_9, %get3A_3 : vector<2432x512xf32>
    %log3A_11 = math.log %sub3A_10 : vector<2432x512xf32>
    %max3A_12 = arith.constant -1.000000e+02 : f32
    %max3A_13 = vector.broadcast %max3A_12 : f32 to vector<2432x512xf32>
    %max3A_14 = arith.maximumf %log3A_11, %max3A_13 : vector<2432x512xf32>
    %mul3A = arith.mulf %get3A_6, %max3A_8 : vector<2432x512xf32>
    %sub3A_15 = arith.constant 1.000000e+00 : f32
    %sub3A_16 = vector.broadcast %sub3A_15 : f32 to vector<2432x512xf32>
    %sub3A_17 = arith.subf %sub3A_16, %get3A_6 : vector<2432x512xf32>
    %mul3A_18 = arith.mulf %sub3A_17, %max3A_14 : vector<2432x512xf32>
    %add3A = arith.addf %mul3A, %mul3A_18 : vector<2432x512xf32>
    %neg3A = arith.constant 0.000000e+00 : f32
    %neg3A_19 = vector.broadcast %neg3A : f32 to vector<2432x512xf32>
    %neg3A_20 = arith.subf %neg3A_19, %add3A : vector<2432x512xf32>
    %lt3A = vector.broadcast %get3A_0 : f32 to vector<2432x512xf32>
    %lt3A_21 = arith.cmpf olt, %get3A_3, %lt3A : vector<2432x512xf32>
    %jit3A = arith.constant 0.000000e+00 : f32
    %broadcast_in_dim3A = vector.broadcast %jit3A : f32 to vector<2432x512xf32>
    %select_n3A = arith.select %lt3A_21, %neg3A_20, %broadcast_in_dim3A : vector<2432x512xi1>, vector<2432x512xf32>
    %reduce_sum3A = vector.shape_cast %select_n3A : vector<2432x512xf32> to vector<1x2432x512xf32>
    %reduce_sum3A_22 = arith.constant dense<0.000000e+00> : vector<1xf32>
    %reduce_sum3A_23 = vector.multi_reduction <add>, %reduce_sum3A, %reduce_sum3A_22 [1, 2] : vector<1x2432x512xf32> to vector<1xf32>
    %reduce_sum3A_24 = vector.shape_cast %reduce_sum3A_23 : vector<1xf32> to vector<1x1x1xf32>
    %reduce_sum3A_25 = vector.extract %reduce_sum3A_24[0, 0, 0] : f32 from vector<1x1x1xf32>
    %convert_element_type3A = arith.extui %lt3A_21 : vector<2432x512xi1> to vector<2432x512xi32>
    %convert_element_type3A_26 = arith.sitofp %convert_element_type3A : vector<2432x512xi32> to vector<2432x512xf32>
    %reduce_sum3A_27 = vector.shape_cast %convert_element_type3A_26 : vector<2432x512xf32> to vector<1x2432x512xf32>
    %reduce_sum3A_28 = arith.constant dense<0.000000e+00> : vector<1xf32>
    %reduce_sum3A_29 = vector.multi_reduction <add>, %reduce_sum3A_27, %reduce_sum3A_28 [1, 2] : vector<1x2432x512xf32> to vector<1xf32>
    %reduce_sum3A_30 = vector.shape_cast %reduce_sum3A_29 : vector<1xf32> to vector<1x1x1xf32>
    %reduce_sum3A_31 = vector.extract %reduce_sum3A_30[0, 0, 0] : f32 from vector<1x1x1xf32>
    %eq3A = arith.constant 0 : i32
    %eq3A_32 = arith.cmpi eq, %arg0, %eq3A : i32
    %convert_element_type3A_33 = arith.extui %eq3A_32 : i1 to i32
    %cond3A = arith.constant 0 : i32
    %cond3A_34 = arith.cmpi ne, %convert_element_type3A_33, %cond3A : i32
    scf.if %cond3A_34 {
      %swap3A_49 = arith.constant 0.000000e+00 : f32
      %swap3A_50 = arith.constant 0 : index
      %swap3A_51 = memref.load %arg5[%swap3A_50] : memref<2xf32, #tpu.memory_space<smem>>
      memref.store %swap3A_49, %arg5[%swap3A_50] : memref<2xf32, #tpu.memory_space<smem>>
      %swap3A_52 = arith.constant 0.000000e+00 : f32
      %swap3A_53 = arith.constant 1 : index
      %swap3A_54 = memref.load %arg5[%swap3A_53] : memref<2xf32, #tpu.memory_space<smem>>
      memref.store %swap3A_52, %arg5[%swap3A_53] : memref<2xf32, #tpu.memory_space<smem>>
    } else {
    }
    %get3A_35 = arith.constant 0 : index
    %get3A_36 = memref.load %arg5[%get3A_35] : memref<2xf32, #tpu.memory_space<smem>>
    %add3A_37 = arith.addf %get3A_36, %reduce_sum3A_25 : f32
    %swap3A = arith.constant 0 : index
    %swap3A_38 = memref.load %arg5[%swap3A] : memref<2xf32, #tpu.memory_space<smem>>
    memref.store %add3A_37, %arg5[%swap3A] : memref<2xf32, #tpu.memory_space<smem>>
    %get3A_39 = arith.constant 1 : index
    %get3A_40 = memref.load %arg5[%get3A_39] : memref<2xf32, #tpu.memory_space<smem>>
    %add3A_41 = arith.addf %get3A_40, %reduce_sum3A_31 : f32
    %swap3A_42 = arith.constant 1 : index
    %swap3A_43 = memref.load %arg5[%swap3A_42] : memref<2xf32, #tpu.memory_space<smem>>
    memref.store %add3A_41, %arg5[%swap3A_42] : memref<2xf32, #tpu.memory_space<smem>>
    %eq3A_44 = arith.constant 15 : i32
    %eq3A_45 = arith.cmpi eq, %arg0, %eq3A_44 : i32
    %convert_element_type3A_46 = arith.extui %eq3A_45 : i1 to i32
    %cond3A_47 = arith.constant 0 : i32
    %cond3A_48 = arith.cmpi ne, %convert_element_type3A_46, %cond3A_47 : i32
    scf.if %cond3A_48 {
      %get3A_49 = arith.constant 0 : index
      %get3A_50 = memref.load %arg5[%get3A_49] : memref<2xf32, #tpu.memory_space<smem>>
      %get3A_51 = arith.constant 1 : index
      %get3A_52 = memref.load %arg5[%get3A_51] : memref<2xf32, #tpu.memory_space<smem>>
      %div3A = arith.divf %get3A_50, %get3A_52 : f32
      %swap3A_53 = arith.constant 0 : index
      %swap3A_54 = arith.constant 0 : index
      %swap3A_55 = memref.load %arg4[%swap3A_53, %swap3A_54] : memref<1x1xf32, #tpu.memory_space<smem>>
      memref.store %div3A, %arg4[%swap3A_53, %swap3A_54] : memref<1x1xf32, #tpu.memory_space<smem>>
    } else {
    }
    return
  }
  func.func @transform_0(%arg0: i32, %arg1: memref<1xf32, #tpu.memory_space<smem>>) -> (i32, i32) {
    %c0_i32 = arith.constant 0 : i32
    %c0_i32_0 = arith.constant 0 : i32
    return %arg0, %c0_i32 : i32, i32
  }
  func.func @transform_1(%arg0: i32, %arg1: memref<1xf32, #tpu.memory_space<smem>>) -> (i32, i32) {
    %c0_i32 = arith.constant 0 : i32
    %c0_i32_0 = arith.constant 0 : i32
    return %arg0, %c0_i32 : i32, i32
  }
  func.func @transform_2(%arg0: i32, %arg1: memref<1xf32, #tpu.memory_space<smem>>) -> (i32, i32) {
    %c0_i32 = arith.constant 0 : i32
    %c0_i32_0 = arith.constant 0 : i32
    %c0_i32_1 = arith.constant 0 : i32
    return %c0_i32, %c0_i32_0 : i32, i32
  }
}

</mosaic_0001>

<sc_bundles>
// kernel: kernel.12.cloned.1.call-start
scs
__scs_entry_jumppad:
0x0: {  	(pc) =	sbr.rel $0x88, $3  }
0x1: {  	(tag) =	ssettag $0x0;
	lr =	simm.s32 $0x1  }
0x2: {  	[smem:$0x3F9F] =	sst lr;
	_ =	strace $0xD0000000  }
0x3: {  	_ = 	snop  }
0x4: {  	_ = 	snop  }
0x5: {  	_ = 	snop  }
0x6: {  	_ = 	snop  }
0x7: {  	_ = 	snop  }
__scs_overlays_trampoline_lowered:
0x8: {  	[smem:$0x3FAE] =	sst s0  }
0x9: {  	[smem:$0x3FAF] =	sst s1  }
0xa: {  	[smem:$0x3FB0] =	sst s2  }
0xb: {  	[smem:$0x3FB1] =	sst s3  }
0xc: {  	[smem:$0x3FB2] =	sst s4  }
0xd: {  	[smem:$0x3FB3] =	sst s5  }
0xe: {  	[smem:$0x3FB4] =	sst s6  }
0xf: {  	[smem:$0x3FB5] =	sst s7  }
0x10: {  	[smem:$0x3FB6] =	sst s8  }
0x11: {  	[smem:$0x3FB7] =	sst s9;
	s0 =	simm.s32 @!p0 $0x0  }
0x12: {  	s1 =	sld [smem:$0x3F9D];
	s0 =	simm.s32 @p0 $0x1  }
0x13: {  	[smem:$0x3FB8] =	sst s0;
	s0 =	simm.s32 @!p1 $0x0  }
0x14: {  	s2 =	sld [smem:$0x3F9C];
	s0 =	simm.s32 @p1 $0x1  }
0x15: {  	[smem:$0x3FB9] =	sst s0;
	s0 =	simm.s32 @!p2 $0x0  }
0x16: {  	s3 =	sld [smem:$0x3FDB];
	s0 =	simm.s32 @p2 $0x1  }
0x17: {  	s4 =	simm.s32 $0x1BF5;
	[smem:$0x3FBB] =	sst s0  }
0x18: {  	s0 =	sld [smem:$0x3F9E];
	_ =	swait.ge [sflag:s4], $0x0  }
0x19: {  	s7 =	sld [smem:$0x3F9F]  }
0x1a: {  	s8 =	sadd.s32 $0xFFFFE003, lr  }
0x1b: {  	s9 =	sadd.s32 $0xFFFFFEF7, lr;
	s5 =	simm.s32 $0xFFFFFFFF;
	p2 =	slt.u32 s8, $0xFFFFF086  }
0x1c: {  	p1 =	slt.u32 s9, $0xF7A;
	s5 =	simm.s32 @!p2 $0x0  }
0x1d: {  	s5 =	simm.s32 @p1 $0x1;
	p0 =	seq.s32 s7, s2  }
0x1e: {  	s7 =	smul.u32 @!p0 $0xF7A, s2;
	p2 =	seq.s32 @!p0 s5, $0x0  }
0x1f: {  	s9 =	smul.u32 $0xF7A, s1;
	s8 =	simm.s32 @!p0 $0x1BF5;
	p2 =	por !p2, p0  }
0x20: {  	[sflag:s8] =	ssyncset.s32 @!p0 $0xFFFFF086;
	s6 =	sadd.s32 @!p0 s3, s7;
	s7 =	simm.s32 @!p0 $0x108  }
0x21: {  	s3 =	sadd.s32 s3, s9;
	s6 =	sadd.s32 @!p0 $0x88, s6;
	s7 =	simm.s32 @p2 $0x1082  }
0x22: {  	[simem:s7], [sflag:s8] =	dma.local @!p0 [hbm:s6], $0xF7A  }
0x23: {  	s9 =	sor.u32 $0xD0000000, s2;
	s6 =	simm.s32 $0x108;
	_ =	swait.ge @!p0 [sflag:s8], $0x0  }
0x24: {  	s3 =	sadd.s32 $0x88, s3;
	s6 =	simm.s32 @!p1 $0x1082;
	[sflag:s4] =	ssyncset.s32 $0xFFFFF086  }
0x25: {  	[simem:s6], [sflag:s4] =	dma.local [hbm:s3], $0xF7A  }
0x26: {  	[smem:$0x3F9F] =	sst s1;
	(tag) =	ssettag s2;
	_ =	strace s9  }
0x27: {  	s1 =	sld [smem:$0x3FAF]  }
0x28: {  	s2 =	sld [smem:$0x3FB0]  }
0x29: {  	s4 =	sld [smem:$0x3FB2]  }
0x2a: {  	p0 =	seq.s32 s5, $0x0;
	s5 =	sld [smem:$0x3FB3]  }
0x2b: {  	s6 =	sld [smem:$0x3FB4]  }
0x2c: {  	s7 =	sld [smem:$0x3FB5]  }
0x2d: {  	s3 =	simm.s32 $0x108;
	s8 =	sld [smem:$0x3FB6]  }
0x2e: {  	s3 =	simm.s32 @!p0 $0x1082;
	s9 =	sld [smem:$0x3FB7]  }
0x2f: {  	lr =	sadd.s32 s0, s3;
	s0 =	sld [smem:$0x3FAE]  }
0x30: {  	s3 =	sld [smem:$0x3FB1]  }
0x31: {  	[smem:$0x3FBA] =	sst s10  }
0x32: {  	s10 =	sld [smem:$0x3FB8];
	_ =	sdelay $0x3  }
0x33: {  	p0 =	seq.s32 s10, $0x1;
	s10 =	sld [smem:$0x3FBA];
	_ =	sdelay $0x3  }
0x34: {  	[smem:$0x3FBA] =	sst s10  }
0x35: {  	s10 =	sld [smem:$0x3FB9];
	_ =	sdelay $0x3  }
0x36: {  	p1 =	seq.s32 s10, $0x1;
	s10 =	sld [smem:$0x3FBA];
	_ =	sdelay $0x3  }
0x37: {  	[smem:$0x3FBA] =	sst s10  }
0x38: {  	s10 =	sld [smem:$0x3FBB]  }
0x39: {  	_ = 	snop;
	(pc) =	sbr.ind lr, $3  }
0x3a: {  	_ = 	snop  }
0x3b: {  	_ = 	snop  }
0x3c: {  	p2 =	seq.s32 s10, $0x1;
	s10 =	sld [smem:$0x3FBA]  }
0x3d: {  	_ =	shalt  }
0x3e: {  	_ =	shalt  }
0x3f: {  	_ =	shalt  }
0x40: {  	_ =	shalt  }
0x41: {  	_ =	shalt  }
0x42: {  	_ =	shalt  }
0x43: {  	_ =	shalt  }
0x44: {  	_ =	shalt  }
0x45: {  	_ =	shalt  }
0x46: {  	_ =	shalt  }
0x47: {  	_ =	shalt  }
0x48: {  	_ =	shalt  }
0x49: {  	_ =	shalt  }
0x4a: {  	_ =	shalt  }
0x4b: {  	_ =	shalt  }
0x4c: {  	_ =	shalt  }
0x4d: {  	_ =	shalt  }
0x4e: {  	_ =	shalt  }
0x4f: {  	_ =	shalt  }
0x50: {  	_ =	shalt  }
0x51: {  	_ =	shalt  }
0x52: {  	_ =	shalt  }
0x53: {  	_ =	shalt  }
0x54: {  	_ =	shalt  }
0x55: {  	_ =	shalt  }
0x56: {  	_ =	shalt  }
0x57: {  	_ =	shalt  }
0x58: {  	_ =	shalt  }
0x59: {  	_ =	shalt  }
0x5a: {  	_ =	shalt  }
0x5b: {  	_ =	shalt  }
0x5c: {  	_ =	shalt  }
0x5d: {  	_ =	shalt  }
0x5e: {  	_ =	shalt  }
0x5f: {  	_ =	shalt  }
0x60: {  	_ =	shalt  }
0x61: {  	_ =	shalt  }
0x62: {  	_ =	shalt  }
0x63: {  	_ =	shalt  }
0x64: {  	_ =	shalt  }
0x65: {  	_ =	shalt  }
0x66: {  	_ =	shalt  }
0x67: {  	_ =	shalt  }
0x68: {  	_ =	shalt  }
0x69: {  	_ =	shalt  }
0x6a: {  	_ =	shalt  }
0x6b: {  	_ =	shalt  }
0x6c: {  	_ =	shalt  }
0x6d: {  	_ =	shalt  }
0x6e: {  	_ =	shalt  }
0x6f: {  	_ =	shalt  }
0x70: {  	_ =	shalt  }
0x71: {  	_ =	shalt  }
0x72: {  	_ =	shalt  }
0x73: {  	_ =	shalt  }
0x74: {  	_ =	shalt  }
0x75: {  	_ =	shalt  }
0x76: {  	_ =	shalt  }
0x77: {  	_ =	shalt  }
0x78: {  	_ =	shalt  }
0x79: {  	_ =	shalt  }
0x7a: {  	_ =	shalt  }
0x7b: {  	_ =	shalt  }
0x7c: {  	_ =	shalt  }
0x7d: {  	_ =	shalt  }
0x7e: {  	_ =	shalt  }
0x7f: {  	_ =	shalt  }
0x80: {  	_ =	shalt  }
0x81: {  	_ =	shalt  }
0x82: {  	_ =	shalt  }
0x83: {  	_ =	shalt  }
0x84: {  	_ =	shalt  }
0x85: {  	_ =	shalt  }
0x86: {  	_ =	shalt  }
0x87: {  	_ =	shalt  }
.Lfunc_end0:
.L_simem_size_0:
called_computation.2_lowered:
.L_overlay_start_0:
0x88: {  	s2 =	sld [smem:$0x3FD9]  }
0x89: {  	s3 =	sld [smem:$0x3FFE];
	_ =	sdelay $0x1  }
0x8a: {  	s1 =	srdreg.scid  }
0x8b: {  	s0 =	sand.u32 $0x1, s1  }
0x8c: {  	s17 =	sshll.u32 s0, $0xA;
	s2 =	sadd.s32 s3, s2  }
0x8d: {  	s2 =	sadd.s32 s2, s17  }
0x8e: {  	[smem:$0x3FC6] =	sst s2  }
0x8f: {  	_ = 	snop  }
0x90: {  	s2 =	sld [smem:$0x3FC9];
	(tm) =	ssettm $0x1  }
0x91: {  	s18 =	sld [smem:$0x3FFB];
	_ =	sdelay $0x3  }
0x92: {  	_ =	strace s18  }
0x93: {  	s3 =	sld [smem:$0x3FFC];
	_ =	sdelay $0x3  }
0x94: {  	_ =	strace s3  }
0x95: {  	s3 =	sld [smem:$0x3FFD];
	_ =	sdelay $0x3  }
0x96: {  	_ =	strace s3  }
0x97: {  	_ =	strace $0x8FFFFFFF  }
0x98: {  	s19 =	sld [smem:$0x3FDB];
	_ =	sdelay $0x1  }
0x99: {  	s4 =	simm.s32 $_scs_section_size  }
0x9a: {  	s5 =	simm.s32 $_size__tile_overlayer_lowered;
	s6 =	simm.s32 $_tile_overlayer_lowered  }
0x9b: {  	s22 =	simm.s32 $0x1BFF;
	s21 =	sshll.u32 s6, $0x1;
	s3 =	sadd.s32 s4, s19  }
0x9c: {  	s7 =	simm.s32 $0x0;
	s20 =	sshll.u32 s5, $0x1;
	s5 =	sadd.s32 s21, s3  }
0x9d: {  	[timem:s7], [sflag:s22] =	dma.local [hbm:s5], s20  }
0x9e: {  	_ =	swait.ge [sflag:s22], s20  }
0x9f: {  	s4 =	ssub.s32 $0x0, s20;
	[sflag:s22] =	ssyncset.done $0x0  }
0xa0: {  	[sflag:s22] =	ssyncadd.s32 s4;
	_ =	sdelay $0x1  }
0xa1: {  	s23 =	simm.s32 $0x1B8B  }
0xa2: {  	_ =	swait.ge [sflag:s23], $0x1  }
0xa3: {  	[sflag:s23] =	ssyncset.done $0x0  }
0xa4: {  	s25 =	simm.s32 $0x1B8E;
	s24 =	sld [smem:$0x3FFE];
	[sflag:s23] =	ssyncadd.s32 $0xFFFFFFFF  }
0xa5: {  	s26 =	simm.s32 $execute0_lowered;
	[smem:$0x3FD2] =	sst s25  }
0xa6: {  	s5 =	sshll.u32 s26, $0x1;
	_ =	strace $0x8000004C;
	[dreg:$0x1] =	wrdreg $0xFFFFFFFF  }
0xa7: {  	s28 =	simm.s32 $_size_execute0_lowered;
	s3 =	sadd.s32 s3, s5;
	[dreg:$0x0] =	wrdreg $0x0  }
0xa8: {  	s5 =	sshll.u32 s28, $0x1;
	[dreg:$0x2] =	wrdreg s3  }
0xa9: {  	[dreg:$0x3] =	wrdreg s5  }
0xaa: {  	[dreg:$0x4] =	wrdreg $0xC0  }
0xab: {  	_ =	task [dreg:s7], $0x5FFFF  }
0xac: {  	[dreg:$0x1] =	wrdreg $0xFFFFFFFF  }
0xad: {  	[dreg:$0x0] =	wrdreg $0x60  }
0xae: {  	[dreg:$0x2] =	wrdreg s2  }
0xaf: {  	[dreg:$0x3] =	wrdreg s24  }
0xb0: {  	[dreg:$0x4] =	wrdreg $0x9  }
0xb1: {  	_ =	task.clear_ibuf [dreg:s7], $0x5FFFF;
	_ =	strace $0x9000004C  }
0xb2: {  	s29 =	simm.s32 $0x9;
	_ =	strace $0x8000004E  }
0xb3: {  	_ =	swait.ge [sflag:s29], $0x1  }
0xb4: {  	[sflag:s29] =	ssyncadd.s32 $0xFFFFFFFF  }
0xb5: {  	_ =	strace $0x9000004E  }
0xb6: {  	_ =	sfence  }
0xb7: {  	s30 =	sld [smem:$0x0];
	_ =	sdelay $0x2  }
0xb8: {  	s31 =	sshll.u32 s1, $0xD;
	s1 =	sshrl.u32 s1, $0x2  }
0xb9: {  	s3 =	sand.u32 $0x4000, s31;
	s1 =	sadd.s32 s1, s30  }
0xba: {  	s0 =	sor.u32 s3, s0;
	s1 =	sshll.u32 s1, $0x11  }
0xbb: {  	s0 =	sor.u32 s1, s0  }
0xbc: {  	s0 =	sadd.s32 $0x8F2B, s0  }
0xbd: {  	[sflag:s0] =	ssyncadd.remote.s32 $0x1  }
0xbe: {  	_ =	sfence.sel $0xFFFF  }
0xbf: {  	[dreg:$0x0] =	wrdreg $0xFFFFFFFF;
	(pc) =	sbr.abs _section_cstart, $3  }
0xc0: {  	[dreg:$0x1] =	wrdreg $0xFFFFFFFF  }
0xc1: {  	_ =	task.clear_ibuf [dreg:s7], $0x2FFFF;
	_ =	strace $0x9FFFFFFF  }
0xc2: {  	(tm) =	ssettm $0x7FFFFFFF  }
0xc3: {  	_ =	shalt  }
tec
execute0_lowered:
.L_overlay_start_1:
0x0: {  	(tag) =	ssettag $0x1  }
0x1: {  	v1 =	vimm.s32 $0xFEDCBA9;
	v2 =	vimm.s32 $0x87654321  }
0x2: {  	v0 =	vlaneseq.u32;
	v6 =	vimm.s32 $0x210FEDCB;
	v7 =	vimm.s32 $0xA9876543  }
0x3: {  	v10 =	vimm.s32 $0xCBA98765;
	v11 =	vimm.s32 $0xFEDCBA98;
	v22 =	vimm.s32 $0xEDCBA987  }
0x4: {  	v23 =	vimm.s32 $0x76543210;
	v4 =	vunpack.c.l.s4.s8 v1;
	v5 =	vunpack.c.l.s4.s8 v2  }
0x5: {  	v1 =	vimm.s32 $0x0;
	v2 =	vimm.s32 $0x1;
	v3 =	vmul.u32 $0x10, v0  }
0x6: {  	v6 =	vunpack.c.l.s4.s8 v6;
	v11 =	vunpack.c.l.s4.s8 v11;
	v22 =	vunpack.c.l.s4.s8 v22  }
0x7: {  	v23 =	vunpack.c.l.s4.s8 v23;
	v12 =	vunpack.c.0.s8.s32 v4;
	v13 =	vunpack.c.0.s8.s32 v5  }
0x8: {  	v4 =	vimm.s32 $0x10FEDCBA;
	v5 =	vimm.s32 $0x98765432;
	v16 =	vunpack.c.0.s8.s32 v6  }
0x9: {  	v6 =	vimm.s32 $0xBA987654;
	v11 =	vunpack.c.0.s8.s32 v11;
	v4 =	vunpack.c.l.s4.s8 v4  }
0xa: {  	v61 =	vunpack.c.0.s8.s32 v23;
	v5 =	vunpack.c.l.s4.s8 v5;
	v6 =	vunpack.c.l.s4.s8 v6  }
0xb: {  	v8 =	vcombine.low v13, v12;
	v11 =	vand.u32 $0xF, v11;
	v14 =	vunpack.c.0.s8.s32 v4  }
0xc: {  	v4 =	vunpack.c.l.s4.s8 v7;
	v15 =	vunpack.c.0.s8.s32 v5;
	v5 =	vimm.s32 $0x3210FEDC  }
0xd: {  	v63 =	vcombine.low v12, v13;
	v19 =	vunpack.c.0.s8.s32 v6;
	v5 =	vunpack.c.l.s4.s8 v5  }
0xe: {  	v17 =	vunpack.c.0.s8.s32 v4;
	v4 =	vand.u32 $0xF, v8;
	v7 =	vcombine.low v15, v14  }
0xf: {  	v15 =	vcombine.low v14, v15;
	v18 =	vunpack.c.0.s8.s32 v5;
	v5 =	vimm.s32 $0x43210FED  }
0x10: {  	s0 =	rddreg [dreg:$0x0];
	v14 =	vand.u32 $0xF, v63;
	v8 =	vcombine.low v17, v16;
	v9 =	vunpack.c.l.s4.s8 v5  }
0x11: {  	s5 =	rddreg [dreg:$0x1];
	v5 =	vand.u32 $0xF, v7;
	v7 =	vunpack.c.l.s4.s8 v10;
	v16 =	vcombine.low v16, v17  }
0x12: {  	s1 =	rddreg [dreg:$0x2];
	s3 =	simm.s32 $0x0;
	s4 =	srdreg.scid;
	v15 =	vand.u32 $0xF, v15;
	v6 =	vand.u32 $0xF, v8;
	v8 =	vimm.s32 $0x543210FE  }
0x13: {  	s2 =	stileid.u32;
	s11 =	simm.s32 $0x3;
	s12 =	simm.s32 $0x4000;
	v21 =	vunpack.c.0.s8.s32 v7;
	v7 =	vunpack.c.l.s4.s8 v8;
	v8 =	vimm.s32 $0xDCBA9876  }
0x14: {  	s13 =	simm.s32 $0x1;
	s14 =	simm.s32 $0x8000;
	s15 =	simm.s32 $0x2;
	v20 =	vunpack.c.0.s8.s32 v9;
	v9 =	vimm.s32 $0x6543210F;
	v8 =	vunpack.c.l.s4.s8 v8  }
0x15: {  	s16 =	simm.s32 $0x8400;
	s6 =	sand.u32 $0x1, s4;
	s31 =	sshll.u32 s2, $0x1;
	v10 =	vcombine.low v19, v18;
	v17 =	vcombine.low v18, v19;
	v9 =	vunpack.c.l.s4.s8 v9  }
0x16: {  	s17 =	simm.s32 $0x0;
	[smem:$0x7FF] =	sst s3;
	s7 =	sor.u32 s6, s31;
	v16 =	vand.u32 $0xF, v16;
	v24 =	vunpack.c.0.s8.s32 v7;
	v25 =	vunpack.c.0.s8.s32 v8  }
0x17: {  	s4 =	sadd.s32 $0x200, s5;
	s6 =	ssub.s32 $0x2, s6;
	s8 =	smul.u32 $0x13000, s7;
	v62 =	vcombine.low v21, v20;
	v7 =	vunpack.c.0.s8.s32 v9;
	v8 =	vunpack.c.0.s8.s32 v22  }
0x18: {  	s9 =	sshll.u32 s7, $0x3;
	s10 =	sshrl.u32 s6, $0x1;
	s7 =	smul.u32 $0x98000, s7;
	v17 =	vand.u32 $0xF, v17;
	v18 =	vcombine.low v20, v21;
	v26 =	vcombine.low v25, v24  }
0x19: {  	_ =	strace $0x8000004D;
	s9 =	sadd.s32 s9, s5;
	s10 =	ssub.s32 s6, s10;
	v9 =	vand.u32 $0xF, v10;
	v27 =	vcombine.low v8, v7;
	v19 =	vcombine.low v24, v25  }
0x1a: {  	s5 =	sadd.s32 s0, s8;
	s6 =	sor.u32 $0x4000, s7;
	s7 =	sadd.s32 $0x8000, s7;
	v10 =	vcombine.low v11, v61;
	v11 =	vand.u32 $0xF, v62;
	v18 =	vand.u32 $0xF, v18  }
0x1b: {  	s8 =	sadd.s32 $0x400, s9;
	s9 =	smax.u32 s10, $0x1;
	s10 =	simm.s32 $0x8480;
	v12 =	vand.u32 $0xF, v26;
	v13 =	vand.u32 $0xF, v27;
	v19 =	vand.u32 $0xF, v19  }
.LBB2_1:
0x1c: {  	s18 =	simm.s32 $0x40;
	s19 =	simm.s32 $0x0  }
.LBB2_2:
0x1d: {  	p0 =	sne.s32 s18, $0xFC0;
	[tilespmem:s19+$0x8000] =	vst v1;
	s19 =	smov.u32 s18;
	s18 =	sadd.s32 $0x40, s18  }
.Ltmp0:
0x1e: {  	(pc) =	sbr.rel @p0 .LBB2_2-.Ltmp0, $2  }
0x1f: {  	_ =	sdelay $0x2  }
0x20: {  	s19 =	sshra.s32 s19, $0x2  }
0x21: {  	[tilespmem:s19+$0x8000] =	vst v1;
	s18 =	simm.s32 $0x0  }
0x22: {  	[tilespmem:s10], [sflag:$0x3] =	stream.linear.gather [hbm4b:s4+s18], $0x80, $0x38;
	[tilespmem:$0x8500] =	vst v63  }
0x23: {  	_ =	swait.ge [sflag:s11], $0x80  }
0x24: {  	[sflag:s11] =	ssyncset.done $0x0  }
0x25: {  	[sflag:s11] =	ssyncadd.s32 $0xFFFFFF80  }
0x26: {  	v20 =	vld [tilespmem:$0x8480];
	_ =	sdelay $0x2  }
0x27: {  	s19 =	simm.s32 $0x0  }
0x28: {  	[tilespmem:s18], [sflag:$0x1] =	stream.linear.gather [hbm4b:s5+s18], $0x4000, $0x38;
	[tilespmem:$0x8500] =	vst v63  }
.LBB2_4:
0x29: {  	s20 =	sshll.u32 s19, $0xF  }
0x2a: {  	s21 =	sadd.s32 s20, s6  }
0x2b: {  	s21 =	sshrl.u32 s21, $0x3  }
0x2c: {  	s31 =	simm.s32 $0x0;
	s22 =	sand.u32 $0x800, s18;
	s21 =	sadd.s32 s0, s21  }
0x2d: {  	[tilespmem:s12], [sflag:$0x2] =	stream.linear.gather [hbm4b:s21+s18], $0x4000, $0x38;
	[tilespmem:$0x8500] =	vst v63  }
0x2e: {  	s23 =	simm.s32 $0x0;
	s21 =	sand.u32 $0x3000, s31;
	_ =	swait.ge [sflag:s13], $0x4000  }
0x2f: {  	s23 =	sand.u32 $0x380, s23;
	s21 =	sor.u32 s22, s21;
	[sflag:s13] =	ssyncset.done $0x0  }
0x30: {  	s21 =	sor.u32 s23, s21;
	[sflag:s13] =	ssyncadd.s32 $0xFFFFC000  }
0x31: {  	v21 =	vld [tilespmem:s21+$0x470]  }
0x32: {  	v22 =	vld [tilespmem:s21+$0x0]  }
0x33: {  	v23 =	vld [tilespmem:s21+$0x10]  }
0x34: {  	v24 =	vld [tilespmem:s21+$0x20]  }
0x35: {  	v25 =	vld [tilespmem:s21+$0x30]  }
0x36: {  	v26 =	vld [tilespmem:s21+$0x40]  }
0x37: {  	v29 =	vld [tilespmem:s21+$0x50]  }
0x38: {  	v30 =	vld [tilespmem:s21+$0x60];
	_ =	sdelay $0x1  }
0x39: {  	v27 =	vshra.s32 v21, $0x6;
	v21 =	vshll.u32 v21, $0x4  }
0x3a: {  	v41 =	vld [tilespmem:s21+$0x460];
	v28 =	vshll.u32 v22, $0x4;
	v22 =	vshra.s32 v22, $0x6;
	v36 =	vshra.s32 v23, $0x6  }
0x3b: {  	v39 =	vshra.s32 v24, $0x6;
	v44 =	vshra.s32 v25, $0x6;
	v46 =	vshra.s32 v26, $0x6  }
0x3c: {  	v48 =	vshra.s32 v29, $0x6;
	v50 =	vshra.s32 v30, $0x6;
	vm0 =	veq.s32 v27, v20  }
0x3d: {  	v21 =	vor.u32 v0, v21;
	v27 =	vshll.u32 v23, $0x4;
	v23 =	vshll.u32 v24, $0x4  }
0x3e: {  	v31 =	vld [tilespmem:s21+$0x410];
	v24 =	vshll.u32 v25, $0x4;
	vm10 =	veq.s32 v22, v20;
	vm7 =	veq.s32 v36, v20  }
0x3f: {  	v36 =	vshra.s32 v41, $0x6;
	vm13 =	veq.s32 v39, v20;
	vm12 =	veq.s32 v44, v20  }
0x40: {  	v34 =	vld [tilespmem:s21+$0x420];
	vm11 =	veq.s32 v46, v20;
	vm1 =	veq.s32 v48, v20;
	vm2 =	veq.s32 v50, v20  }
0x41: {  	v43 =	vand.u32 $0x3FF, v21;
	v21 =	vor.u32 v0, v28;
	v28 =	vld [tilespmem:s21+$0x70];
	v38 =	vor.u32 v0, v27  }
0x42: {  	v27 =	vld [tilespmem:s21+$0x400];
	v40 =	vor.u32 v0, v23;
	v23 =	vshll.u32 v26, $0x4;
	v45 =	vor.u32 v0, v24  }
0x43: {  	v24 =	vshll.u32 v29, $0x4;
	v29 =	vld [tilespmem:s21+$0x430];
	v26 =	vshra.s32 v31, $0x6;
	v47 =	vor.u32 v0, v23  }
0x44: {  	v23 =	vshll.u32 v30, $0x4;
	v49 =	vor.u32 v0, v24;
	v30 =	vld [tilespmem:s21+$0x440];
	v42 =	vand.u32 $0x3FF, v21  }
0x45: {  	v37 =	vld [tilespmem:s21+$0x450];
	v40 =	vand.u32 $0x3FF, v40;
	v39 =	vand.u32 $0x3FF, v45;
	v51 =	vor.u32 v0, v23  }
0x46: {  	v21 =	vand.u32 $0x3FF, v49;
	v24 =	vshll.u32 v28, $0x4;
	v52 =	vshra.s32 v28, $0x6  }
0x47: {  	v23 =	vshll.u32 v27, $0x4;
	v25 =	vshra.s32 v27, $0x6;
	v27 =	vshll.u32 v31, $0x4  }
0x48: {  	v28 =	vshra.s32 v29, $0x6;
	v22 =	vshll.u32 v29, $0x4;
	v24 =	vor.u32 v0, v24  }
0x49: {  	v32 =	vor.u32 v0, v23;
	v35 =	vor.u32 v0, v22;
	v22 =	vshll.u32 v30, $0x4  }
0x4a: {  	v23 =	vshll.u32 v34, $0x4;
	v29 =	vor.u32 v0, v22;
	v22 =	vshll.u32 v37, $0x4  }
0x4b: {  	v31 =	vor.u32 v0, v22;
	v22 =	vshll.u32 v41, $0x4;
	v41 =	vand.u32 $0x3FF, v38  }
0x4c: {  	v33 =	vor.u32 v0, v27;
	v34 =	vshra.s32 v34, $0x6;
	v27 =	vshra.s32 v30, $0x6  }
0x4d: {  	[tilespmem:v43+s14+$0x0] =	vst.idx.add.s32.msk vm0, v2;
	v30 =	vshra.s32 v37, $0x6;
	vm0 =	veq.s32 v52, v20;
	v23 =	vor.u32 v0, v23  }
0x4e: {  	s22 =	simm.s32 $0x0;
	s21 =	simm.s32 $0x0;
	v38 =	vand.u32 $0x3FF, v47;
	v37 =	vor.u32 v0, v22;
	v22 =	vand.u32 $0x3FF, v51  }
.LBB2_5:
0x4f: {  	s21 =	sadd.s32 $0x10, s21;
	[tilespmem:v42+s14+$0x0] =	vst.idx.add.s32.msk vm10, v2;
	v42 =	vand.u32 $0x3FF, v24;
	vm6 =	veq.s32 v25, v20;
	v43 =	vand.u32 $0x3FF, v32  }
0x50: {  	vm3 =	veq.s32 v34, v20;
	s22 =	sadd.s32 $0x800, s22;
	s23 =	sshll.u32 s21, $0x4;
	p0 =	slt.u32 s21, $0x3F0;
	[tilespmem:v41+s14+$0x0] =	vst.idx.add.s32.msk vm7, v2;
	vm7 =	veq.s32 v26, v20;
	v41 =	vand.u32 $0x3FF, v33  }
0x51: {  	vm8 =	veq.s32 v28, v20;
	v44 =	vand.u32 $0x3FF, v35;
	s24 =	sand.u32 $0x800, s22;
	s25 =	sshll.u32 s21, $0x2;
	s23 =	sand.u32 $0x3000, s23;
	[tilespmem:v40+s14+$0x0] =	vst.idx.add.s32.msk vm13, v2;
	v40 =	vand.u32 $0x3FF, v23  }
0x52: {  	vm9 =	veq.s32 v27, v20;
	v45 =	vand.u32 $0x3FF, v29;
	vm4 =	veq.s32 v30, v20;
	s25 =	sand.u32 $0x380, s25;
	s23 =	sor.u32 s24, s23;
	[tilespmem:v39+s14+$0x0] =	vst.idx.add.s32.msk vm12, v2  }
0x53: {  	v46 =	vand.u32 $0x3FF, v31;
	vm5 =	veq.s32 v36, v20;
	v47 =	vand.u32 $0x3FF, v37;
	s23 =	sor.u32 s25, s23;
	[tilespmem:v38+s14+$0x0] =	vst.idx.add.s32.msk vm11, v2  }
0x54: {  	v23 =	vld [tilespmem:s23+$0x470]  }
0x55: {  	v24 =	vld [tilespmem:s23+$0x0]  }
0x56: {  	v25 =	vld [tilespmem:s23+$0x10]  }
0x57: {  	v26 =	vld [tilespmem:s23+$0x20]  }
0x58: {  	v27 =	vld [tilespmem:s23+$0x30]  }
0x59: {  	v28 =	vld [tilespmem:s23+$0x40];
	v29 =	vshra.s32 v23, $0x6;
	v23 =	vshll.u32 v23, $0x4  }
0x5a: {  	v30 =	vshll.u32 v24, $0x4;
	v31 =	vld [tilespmem:s23+$0x50];
	vm10 =	veq.s32 v29, v20;
	v23 =	vor.u32 v0, v23  }
0x5b: {  	v29 =	vshra.s32 v24, $0x6;
	v24 =	vshll.u32 v25, $0x4;
	v32 =	vld [tilespmem:s23+$0x60];
	v23 =	vand.u32 $0x3FF, v23  }
0x5c: {  	v37 =	vor.u32 v0, v30;
	v38 =	vshra.s32 v25, $0x6;
	v25 =	vshll.u32 v26, $0x4;
	v30 =	vld [tilespmem:s23+$0x70]  }
0x5d: {  	v39 =	vor.u32 v0, v24;
	v48 =	vshra.s32 v26, $0x6;
	v24 =	vshll.u32 v27, $0x4;
	v26 =	vld [tilespmem:s23+$0x400]  }
0x5e: {  	v49 =	vor.u32 v0, v25;
	v50 =	vshra.s32 v27, $0x6;
	v25 =	vshll.u32 v28, $0x4;
	v27 =	vld [tilespmem:s23+$0x410]  }
0x5f: {  	v51 =	vor.u32 v0, v24;
	v52 =	vshra.s32 v28, $0x6;
	v24 =	vshll.u32 v31, $0x4;
	v28 =	vld [tilespmem:s23+$0x420]  }
0x60: {  	v53 =	vor.u32 v0, v25;
	v54 =	vshra.s32 v31, $0x6;
	v25 =	vshll.u32 v32, $0x4;
	[tilespmem:v23+s14+$0x0] =	vst.idx.add.s32.msk vm10, v2  }
0x61: {  	v55 =	vor.u32 v0, v24;
	v56 =	vshra.s32 v32, $0x6;
	v23 =	vshll.u32 v30, $0x4;
	v31 =	vld [tilespmem:s23+$0x430]  }
0x62: {  	v57 =	vor.u32 v0, v25;
	v58 =	vshra.s32 v30, $0x6;
	v30 =	vshll.u32 v26, $0x4;
	v36 =	vld [tilespmem:s23+$0x440]  }
0x63: {  	v24 =	vor.u32 v0, v23;
	v25 =	vshra.s32 v26, $0x6;
	v23 =	vshll.u32 v27, $0x4;
	v59 =	vld [tilespmem:s23+$0x450]  }
0x64: {  	v32 =	vor.u32 v0, v30;
	v26 =	vshra.s32 v27, $0x6;
	v27 =	vshll.u32 v28, $0x4;
	v60 =	vld [tilespmem:s23+$0x460]  }
0x65: {  	v33 =	vor.u32 v0, v23;
	v34 =	vshra.s32 v28, $0x6;
	v23 =	vor.u32 v0, v27;
	[tilespmem:v21+s14+$0x0] =	vst.idx.add.s32.msk vm1, v2  }
0x66: {  	vm10 =	veq.s32 v29, v20;
	v28 =	vshra.s32 v31, $0x6;
	v21 =	vshll.u32 v31, $0x4;
	[tilespmem:v22+s14+$0x0] =	vst.idx.add.s32.msk vm2, v2  }
0x67: {  	v35 =	vor.u32 v0, v21;
	v27 =	vshra.s32 v36, $0x6;
	v21 =	vshll.u32 v36, $0x4;
	[tilespmem:v42+s14+$0x0] =	vst.idx.add.s32.msk vm0, v2  }
0x68: {  	v29 =	vor.u32 v0, v21;
	v30 =	vshra.s32 v59, $0x6;
	v21 =	vshll.u32 v59, $0x4;
	[tilespmem:v43+s14+$0x0] =	vst.idx.add.s32.msk vm6, v2  }
0x69: {  	v31 =	vor.u32 v0, v21;
	v36 =	vshra.s32 v60, $0x6;
	v21 =	vshll.u32 v60, $0x4;
	[tilespmem:v41+s14+$0x0] =	vst.idx.add.s32.msk vm7, v2  }
.Ltmp1:
0x6a: {  	v42 =	vand.u32 $0x3FF, v37;
	vm7 =	veq.s32 v38, v20;
	v37 =	vor.u32 v0, v21;
	[tilespmem:v40+s14+$0x0] =	vst.idx.add.s32.msk vm3, v2;
	(pc) =	sbr.rel @p0 .LBB2_5-.Ltmp1, $4  }
0x6b: {  	vm13 =	veq.s32 v48, v20;
	v41 =	vand.u32 $0x3FF, v39;
	v40 =	vand.u32 $0x3FF, v49;
	[tilespmem:v44+s14+$0x0] =	vst.idx.add.s32.msk vm8, v2  }
0x6c: {  	vm12 =	veq.s32 v50, v20;
	vm11 =	veq.s32 v52, v20;
	v39 =	vand.u32 $0x3FF, v51;
	[tilespmem:v45+s14+$0x0] =	vst.idx.add.s32.msk vm9, v2  }
0x6d: {  	vm1 =	veq.s32 v54, v20;
	v38 =	vand.u32 $0x3FF, v53;
	v21 =	vand.u32 $0x3FF, v55;
	[tilespmem:v46+s14+$0x0] =	vst.idx.add.s32.msk vm4, v2  }
0x6e: {  	vm2 =	veq.s32 v56, v20;
	v22 =	vand.u32 $0x3FF, v57;
	vm0 =	veq.s32 v58, v20;
	[tilespmem:v47+s14+$0x0] =	vst.idx.add.s32.msk vm5, v2  }
0x6f: {  	_ =	sdelay $0x4  }
0x70: {  	[tilespmem:v42+s14+$0x0] =	vst.idx.add.s32.msk vm10, v2  }
0x71: {  	[tilespmem:v41+s14+$0x0] =	vst.idx.add.s32.msk vm7, v2  }
0x72: {  	v24 =	vand.u32 $0x3FF, v24;
	vm3 =	veq.s32 v25, v20;
	[tilespmem:v40+s14+$0x0] =	vst.idx.add.s32.msk vm13, v2  }
0x73: {  	v25 =	vand.u32 $0x3FF, v32;
	vm4 =	veq.s32 v26, v20;
	[tilespmem:v39+s14+$0x0] =	vst.idx.add.s32.msk vm12, v2  }
0x74: {  	v26 =	vand.u32 $0x3FF, v33;
	vm5 =	veq.s32 v34, v20;
	[tilespmem:v38+s14+$0x0] =	vst.idx.add.s32.msk vm11, v2  }
0x75: {  	v23 =	vand.u32 $0x3FF, v23;
	vm6 =	veq.s32 v28, v20;
	[tilespmem:v21+s14+$0x0] =	vst.idx.add.s32.msk vm1, v2  }
0x76: {  	v21 =	vand.u32 $0x3FF, v35;
	vm1 =	veq.s32 v27, v20;
	[tilespmem:v22+s14+$0x0] =	vst.idx.add.s32.msk vm2, v2  }
0x77: {  	v22 =	vand.u32 $0x3FF, v29;
	vm2 =	veq.s32 v30, v20;
	[tilespmem:v24+s14+$0x0] =	vst.idx.add.s32.msk vm0, v2  }
0x78: {  	v24 =	vand.u32 $0x3FF, v31;
	vm0 =	veq.s32 v36, v20;
	[tilespmem:v25+s14+$0x0] =	vst.idx.add.s32.msk vm3, v2  }
0x79: {  	v25 =	vand.u32 $0x3FF, v37;
	[tilespmem:v26+s14+$0x0] =	vst.idx.add.s32.msk vm4, v2  }
0x7a: {  	[tilespmem:v23+s14+$0x0] =	vst.idx.add.s32.msk vm5, v2  }
0x7b: {  	p0 =	seq.s32 s19, $0x12;
	[tilespmem:v21+s14+$0x0] =	vst.idx.add.s32.msk vm6, v2  }
0x7c: {  	s20 =	sadd.s32 @!p0 s20, s7;
	[tilespmem:v22+s14+$0x0] =	vst.idx.add.s32.msk vm1, v2  }
0x7d: {  	s20 =	sshrl.u32 @!p0 s20, $0x3;
	[tilespmem:v24+s14+$0x0] =	vst.idx.add.s32.msk vm2, v2  }
0x7e: {  	s21 =	simm.s32 @!p0 $0x0;
	s20 =	sadd.s32 @!p0 s0, s20;
	[tilespmem:v25+s14+$0x0] =	vst.idx.add.s32.msk vm0, v2  }
0x7f: {  	[tilespmem:s21], [sflag:$0x1] =	stream.linear.gather @!p0 [hbm4b:s20+s21], $0x4000, $0x38;
	[tilespmem:$0x8500] =	vst v63  }
0x80: {  	s31 =	simm.s32 $0x0;
	s23 =	simm.s32 $0x0;
	s20 =	simm.s32 $0x0  }
0x81: {  	s21 =	sand.u32 $0x3000, s31;
	_ =	swait.ge [sflag:s15], $0x4000;
	s22 =	sand.u32 $0x800, s20  }
0x82: {  	s23 =	sand.u32 $0x380, s23;
	[sflag:s15] =	ssyncset.done $0x0;
	s21 =	sor.u32 s22, s21  }
0x83: {  	[sflag:s15] =	ssyncadd.s32 $0xFFFFC000;
	s21 =	sor.u32 s23, s21  }
0x84: {  	v21 =	vld [tilespmem:s21+$0x4470]  }
0x85: {  	v22 =	vld [tilespmem:s21+$0x4000]  }
0x86: {  	v23 =	vld [tilespmem:s21+$0x4010]  }
0x87: {  	v24 =	vld [tilespmem:s21+$0x4020]  }
0x88: {  	v25 =	vld [tilespmem:s21+$0x4030]  }
0x89: {  	v26 =	vld [tilespmem:s21+$0x4040]  }
0x8a: {  	v29 =	vld [tilespmem:s21+$0x4050]  }
0x8b: {  	v30 =	vld [tilespmem:s21+$0x4060]  }
0x8c: {  	v61 =	vld [tilespmem:s21+$0x4420]  }
0x8d: {  	v63 =	vld [tilespmem:s21+$0x4460]  }
0x8e: {  	v27 =	vshra.s32 v21, $0x6;
	v21 =	vshll.u32 v21, $0x4  }
0x8f: {  	v28 =	vshll.u32 v22, $0x4;
	v22 =	vshra.s32 v22, $0x6;
	v57 =	vshra.s32 v23, $0x6  }
0x90: {  	v59 =	vshra.s32 v24, $0x6;
	v44 =	vshra.s32 v25, $0x6;
	v46 =	vshra.s32 v26, $0x6  }
0x91: {  	v48 =	vshra.s32 v29, $0x6;
	v50 =	vshra.s32 v30, $0x6;
	v34 =	vshra.s32 v61, $0x6  }
0x92: {  	v36 =	vshra.s32 v63, $0x6;
	vm0 =	veq.s32 v27, v20;
	v21 =	vor.u32 v0, v21  }
0x93: {  	v31 =	vld [tilespmem:s21+$0x4410];
	v27 =	vshll.u32 v23, $0x4;
	v23 =	vshll.u32 v24, $0x4;
	v24 =	vshll.u32 v25, $0x4  }
0x94: {  	vm10 =	veq.s32 v22, v20;
	vm7 =	veq.s32 v57, v20;
	vm13 =	veq.s32 v59, v20  }
0x95: {  	vm12 =	veq.s32 v44, v20;
	vm11 =	veq.s32 v46, v20;
	vm1 =	veq.s32 v48, v20  }
0x96: {  	vm2 =	veq.s32 v50, v20;
	v43 =	vand.u32 $0x3FF, v21;
	v21 =	vor.u32 v0, v28  }
0x97: {  	v28 =	vld [tilespmem:s21+$0x4070];
	v58 =	vor.u32 v0, v27;
	v60 =	vor.u32 v0, v23;
	v23 =	vshll.u32 v26, $0x4  }
0x98: {  	v27 =	vld [tilespmem:s21+$0x4400];
	v45 =	vor.u32 v0, v24;
	v24 =	vshll.u32 v29, $0x4;
	v26 =	vshra.s32 v31, $0x6  }
0x99: {  	v29 =	vld [tilespmem:s21+$0x4430];
	v47 =	vor.u32 v0, v23;
	v23 =	vshll.u32 v30, $0x4;
	v49 =	vor.u32 v0, v24  }
0x9a: {  	v42 =	vand.u32 $0x3FF, v21;
	v41 =	vand.u32 $0x3FF, v58;
	v40 =	vand.u32 $0x3FF, v60  }
0x9b: {  	v30 =	vld [tilespmem:s21+$0x4440];
	v39 =	vand.u32 $0x3FF, v45;
	v51 =	vor.u32 v0, v23;
	v38 =	vand.u32 $0x3FF, v47  }
0x9c: {  	v62 =	vld [tilespmem:s21+$0x4450];
	v21 =	vand.u32 $0x3FF, v49;
	v24 =	vshll.u32 v28, $0x4;
	v52 =	vshra.s32 v28, $0x6  }
0x9d: {  	v23 =	vshll.u32 v27, $0x4;
	v25 =	vshra.s32 v27, $0x6;
	v27 =	vshll.u32 v31, $0x4  }
0x9e: {  	v28 =	vshra.s32 v29, $0x6;
	v22 =	vshll.u32 v29, $0x4;
	v24 =	vor.u32 v0, v24  }
0x9f: {  	v32 =	vor.u32 v0, v23;
	v23 =	vshll.u32 v61, $0x4;
	v33 =	vor.u32 v0, v27  }
0xa0: {  	v35 =	vor.u32 v0, v22;
	v27 =	vshra.s32 v30, $0x6;
	v22 =	vshll.u32 v30, $0x4  }
0xa1: {  	v30 =	vshra.s32 v62, $0x6;
	v29 =	vor.u32 v0, v22;
	v22 =	vshll.u32 v62, $0x4  }
0xa2: {  	[tilespmem:v43+s14+$0x0] =	vst.idx.add.s32.msk vm0, v2;
	vm0 =	veq.s32 v52, v20;
	v31 =	vor.u32 v0, v22;
	v22 =	vshll.u32 v63, $0x4  }
0xa3: {  	s21 =	simm.s32 $0x0;
	v23 =	vor.u32 v0, v23;
	v37 =	vor.u32 v0, v22;
	v22 =	vand.u32 $0x3FF, v51  }
.LBB2_7:
0xa4: {  	s21 =	sadd.s32 $0x10, s21;
	[tilespmem:v42+s14+$0x0] =	vst.idx.add.s32.msk vm10, v2;
	v42 =	vand.u32 $0x3FF, v24;
	vm6 =	veq.s32 v25, v20;
	v43 =	vand.u32 $0x3FF, v32  }
0xa5: {  	vm3 =	veq.s32 v34, v20;
	s20 =	sadd.s32 $0x800, s20;
	s22 =	sshll.u32 s21, $0x4;
	p0 =	slt.u32 s21, $0x3F0;
	[tilespmem:v41+s14+$0x0] =	vst.idx.add.s32.msk vm7, v2;
	vm7 =	veq.s32 v26, v20;
	v41 =	vand.u32 $0x3FF, v33  }
0xa6: {  	vm8 =	veq.s32 v28, v20;
	v44 =	vand.u32 $0x3FF, v35;
	s23 =	sand.u32 $0x800, s20;
	s24 =	sshll.u32 s21, $0x2;
	s22 =	sand.u32 $0x3000, s22;
	[tilespmem:v40+s14+$0x0] =	vst.idx.add.s32.msk vm13, v2;
	v40 =	vand.u32 $0x3FF, v23  }
0xa7: {  	vm9 =	veq.s32 v27, v20;
	v45 =	vand.u32 $0x3FF, v29;
	vm4 =	veq.s32 v30, v20;
	s24 =	sand.u32 $0x380, s24;
	s22 =	sor.u32 s23, s22;
	[tilespmem:v39+s14+$0x0] =	vst.idx.add.s32.msk vm12, v2  }
0xa8: {  	v46 =	vand.u32 $0x3FF, v31;
	vm5 =	veq.s32 v36, v20;
	v47 =	vand.u32 $0x3FF, v37;
	s22 =	sor.u32 s24, s22;
	[tilespmem:v38+s14+$0x0] =	vst.idx.add.s32.msk vm11, v2  }
0xa9: {  	v23 =	vld [tilespmem:s22+$0x4470]  }
0xaa: {  	v24 =	vld [tilespmem:s22+$0x4000]  }
0xab: {  	v25 =	vld [tilespmem:s22+$0x4010]  }
0xac: {  	v26 =	vld [tilespmem:s22+$0x4020]  }
0xad: {  	v27 =	vld [tilespmem:s22+$0x4030]  }
0xae: {  	v28 =	vld [tilespmem:s22+$0x4040];
	v29 =	vshra.s32 v23, $0x6;
	v23 =	vshll.u32 v23, $0x4  }
0xaf: {  	v30 =	vshll.u32 v24, $0x4;
	v31 =	vld [tilespmem:s22+$0x4050];
	vm10 =	veq.s32 v29, v20;
	v23 =	vor.u32 v0, v23  }
0xb0: {  	v29 =	vshra.s32 v24, $0x6;
	v24 =	vshll.u32 v25, $0x4;
	v32 =	vld [tilespmem:s22+$0x4060];
	v23 =	vand.u32 $0x3FF, v23  }
0xb1: {  	v37 =	vor.u32 v0, v30;
	v38 =	vshra.s32 v25, $0x6;
	v25 =	vshll.u32 v26, $0x4;
	v30 =	vld [tilespmem:s22+$0x4070]  }
0xb2: {  	v39 =	vor.u32 v0, v24;
	v48 =	vshra.s32 v26, $0x6;
	v24 =	vshll.u32 v27, $0x4;
	v26 =	vld [tilespmem:s22+$0x4400]  }
0xb3: {  	v49 =	vor.u32 v0, v25;
	v50 =	vshra.s32 v27, $0x6;
	v25 =	vshll.u32 v28, $0x4;
	v27 =	vld [tilespmem:s22+$0x4410]  }
0xb4: {  	v51 =	vor.u32 v0, v24;
	v52 =	vshra.s32 v28, $0x6;
	v24 =	vshll.u32 v31, $0x4;
	v28 =	vld [tilespmem:s22+$0x4420]  }
0xb5: {  	v53 =	vor.u32 v0, v25;
	v54 =	vshra.s32 v31, $0x6;
	v25 =	vshll.u32 v32, $0x4;
	[tilespmem:v23+s14+$0x0] =	vst.idx.add.s32.msk vm10, v2  }
0xb6: {  	v55 =	vor.u32 v0, v24;
	v56 =	vshra.s32 v32, $0x6;
	v23 =	vshll.u32 v30, $0x4;
	v31 =	vld [tilespmem:s22+$0x4430]  }
0xb7: {  	v57 =	vor.u32 v0, v25;
	v58 =	vshra.s32 v30, $0x6;
	v30 =	vshll.u32 v26, $0x4;
	v36 =	vld [tilespmem:s22+$0x4440]  }
0xb8: {  	v24 =	vor.u32 v0, v23;
	v25 =	vshra.s32 v26, $0x6;
	v23 =	vshll.u32 v27, $0x4;
	v59 =	vld [tilespmem:s22+$0x4450]  }
0xb9: {  	v32 =	vor.u32 v0, v30;
	v26 =	vshra.s32 v27, $0x6;
	v27 =	vshll.u32 v28, $0x4;
	v60 =	vld [tilespmem:s22+$0x4460]  }
0xba: {  	v33 =	vor.u32 v0, v23;
	v34 =	vshra.s32 v28, $0x6;
	v23 =	vor.u32 v0, v27;
	[tilespmem:v21+s14+$0x0] =	vst.idx.add.s32.msk vm1, v2  }
0xbb: {  	vm10 =	veq.s32 v29, v20;
	v28 =	vshra.s32 v31, $0x6;
	v21 =	vshll.u32 v31, $0x4;
	[tilespmem:v22+s14+$0x0] =	vst.idx.add.s32.msk vm2, v2  }
0xbc: {  	v35 =	vor.u32 v0, v21;
	v27 =	vshra.s32 v36, $0x6;
	v21 =	vshll.u32 v36, $0x4;
	[tilespmem:v42+s14+$0x0] =	vst.idx.add.s32.msk vm0, v2  }
0xbd: {  	v29 =	vor.u32 v0, v21;
	v30 =	vshra.s32 v59, $0x6;
	v21 =	vshll.u32 v59, $0x4;
	[tilespmem:v43+s14+$0x0] =	vst.idx.add.s32.msk vm6, v2  }
0xbe: {  	v31 =	vor.u32 v0, v21;
	v36 =	vshra.s32 v60, $0x6;
	v21 =	vshll.u32 v60, $0x4;
	[tilespmem:v41+s14+$0x0] =	vst.idx.add.s32.msk vm7, v2  }
.Ltmp2:
0xbf: {  	v42 =	vand.u32 $0x3FF, v37;
	vm7 =	veq.s32 v38, v20;
	v37 =	vor.u32 v0, v21;
	[tilespmem:v40+s14+$0x0] =	vst.idx.add.s32.msk vm3, v2;
	(pc) =	sbr.rel @p0 .LBB2_7-.Ltmp2, $4  }
0xc0: {  	vm13 =	veq.s32 v48, v20;
	v41 =	vand.u32 $0x3FF, v39;
	v40 =	vand.u32 $0x3FF, v49;
	[tilespmem:v44+s14+$0x0] =	vst.idx.add.s32.msk vm8, v2  }
0xc1: {  	vm12 =	veq.s32 v50, v20;
	vm11 =	veq.s32 v52, v20;
	v39 =	vand.u32 $0x3FF, v51;
	[tilespmem:v45+s14+$0x0] =	vst.idx.add.s32.msk vm9, v2  }
0xc2: {  	vm1 =	veq.s32 v54, v20;
	v38 =	vand.u32 $0x3FF, v53;
	v21 =	vand.u32 $0x3FF, v55;
	[tilespmem:v46+s14+$0x0] =	vst.idx.add.s32.msk vm4, v2  }
0xc3: {  	vm2 =	veq.s32 v56, v20;
	v22 =	vand.u32 $0x3FF, v57;
	vm0 =	veq.s32 v58, v20;
	[tilespmem:v47+s14+$0x0] =	vst.idx.add.s32.msk vm5, v2  }
0xc4: {  	_ =	sdelay $0x4  }
0xc5: {  	[tilespmem:v42+s14+$0x0] =	vst.idx.add.s32.msk vm10, v2  }
0xc6: {  	[tilespmem:v41+s14+$0x0] =	vst.idx.add.s32.msk vm7, v2  }
0xc7: {  	v24 =	vand.u32 $0x3FF, v24;
	vm3 =	veq.s32 v25, v20;
	[tilespmem:v40+s14+$0x0] =	vst.idx.add.s32.msk vm13, v2  }
0xc8: {  	v60 =	vand.u32 $0x3FF, v32;
	vm4 =	veq.s32 v26, v20;
	[tilespmem:v39+s14+$0x0] =	vst.idx.add.s32.msk vm12, v2  }
0xc9: {  	v61 =	vand.u32 $0x3FF, v33;
	vm5 =	veq.s32 v34, v20;
	[tilespmem:v38+s14+$0x0] =	vst.idx.add.s32.msk vm11, v2  }
0xca: {  	v23 =	vand.u32 $0x3FF, v23;
	vm6 =	veq.s32 v28, v20;
	[tilespmem:v21+s14+$0x0] =	vst.idx.add.s32.msk vm1, v2  }
0xcb: {  	v21 =	vand.u32 $0x3FF, v35;
	vm13 =	veq.s32 v27, v20;
	[tilespmem:v22+s14+$0x0] =	vst.idx.add.s32.msk vm2, v2  }
0xcc: {  	v22 =	vand.u32 $0x3FF, v29;
	vm14 =	veq.s32 v30, v20;
	[tilespmem:v24+s14+$0x0] =	vst.idx.add.s32.msk vm0, v2  }
0xcd: {  	v62 =	vand.u32 $0x3FF, v31;
	vm15 =	veq.s32 v36, v20;
	s19 =	sadd.s32 $0x1, s19;
	[tilespmem:v60+s14+$0x0] =	vst.idx.add.s32.msk vm3, v2  }
0xce: {  	v63 =	vand.u32 $0x3FF, v37;
	p0 =	sne.s32 s19, $0x13;
	[tilespmem:v61+s14+$0x0] =	vst.idx.add.s32.msk vm4, v2  }
.Ltmp3:
0xcf: {  	[tilespmem:v23+s14+$0x0] =	vst.idx.add.s32.msk vm5, v2;
	(pc) =	sbr.rel @p0 .LBB2_4-.Ltmp3, $4  }
0xd0: {  	[tilespmem:v21+s14+$0x0] =	vst.idx.add.s32.msk vm6, v2  }
0xd1: {  	[tilespmem:v22+s14+$0x0] =	vst.idx.add.s32.msk vm13, v2  }
0xd2: {  	[tilespmem:v62+s14+$0x0] =	vst.idx.add.s32.msk vm14, v2  }
0xd3: {  	[tilespmem:v63+s14+$0x0] =	vst.idx.add.s32.msk vm15, v2  }
0xd4: {  	s18 =	simm.s32 $0x0  }
0xd5: {  	v20 =	vmov s18  }
0xd6: {  	v20 =	vshll.u32 v20, $0x4  }
0xd7: {  	v22 =	vor.u32 v3, v20  }
0xd8: {  	v20 =	vor.u32 v0, v22  }
0xd9: {  	v21 =	vor.u32 v4, v22  }
0xda: {  	v23 =	vor.u32 v5, v22  }
0xdb: {  	v24 =	vor.u32 v6, v22  }
0xdc: {  	v25 =	vor.u32 v9, v22  }
0xdd: {  	v26 =	vor.u32 v11, v22;
	v20 =	vld.idx.msk [tilespmem:v20+s14+$0x0], $0xffff  }
0xde: {  	v27 =	vor.u32 v12, v22;
	v21 =	vld.idx.msk [tilespmem:v21+s14+$0x0], $0xffff  }
0xdf: {  	v28 =	vor.u32 v13, v22;
	v23 =	vld.idx.msk [tilespmem:v23+s14+$0x0], $0xffff  }
0xe0: {  	v24 =	vld.idx.msk [tilespmem:v24+s14+$0x0], $0xffff  }
0xe1: {  	v29 =	vor.u32 v10, v22;
	v25 =	vld.idx.msk [tilespmem:v25+s14+$0x0], $0xffff  }
0xe2: {  	v30 =	vor.u32 v14, v22;
	v26 =	vld.idx.msk [tilespmem:v26+s14+$0x0], $0xffff  }
0xe3: {  	v31 =	vor.u32 v15, v22;
	v27 =	vld.idx.msk [tilespmem:v27+s14+$0x0], $0xffff;
	v20 =	vadd.s32 v20, v21  }
0xe4: {  	v32 =	vor.u32 v16, v22;
	v28 =	vld.idx.msk [tilespmem:v28+s14+$0x0], $0xffff;
	v20 =	vadd.s32 v23, v20  }
0xe5: {  	v33 =	vor.u32 v17, v22;
	v20 =	vadd.s32 v24, v20  }
0xe6: {  	v29 =	vld.idx.msk [tilespmem:v29+s14+$0x0], $0xffff;
	v21 =	vcombine.low v7, v8;
	v23 =	vor.u32 v18, v22;
	v20 =	vadd.s32 v25, v20  }
0xe7: {  	v24 =	vld.idx.msk [tilespmem:v30+s14+$0x0], $0xffff;
	v20 =	vadd.s32 v26, v20  }
0xe8: {  	v30 =	vor.u32 v19, v22;
	v25 =	vld.idx.msk [tilespmem:v31+s14+$0x0], $0xffff;
	v27 =	vadd.s32 v27, v20;
	v20 =	vand.u32 $0xF, v21  }
0xe9: {  	v26 =	vld.idx.msk [tilespmem:v32+s14+$0x0], $0xffff;
	v27 =	vadd.s32 v28, v27;
	v28 =	vor.u32 v20, v22  }
0xea: {  	v31 =	vld.idx.msk [tilespmem:v33+s14+$0x0], $0xffff  }
0xeb: {  	s31 =	simm.s32 $0x10;
	v63 =	vld.idx.msk [tilespmem:v23+s14+$0x0], $0xffff;
	v22 =	vadd.s32 v29, v27  }
0xec: {  	v23 =	vmov s31;
	v22 =	vadd.s32 v24, v22  }
0xed: {  	v23 =	vshll.u32 v23, $0x4;
	v27 =	vld.idx.msk [tilespmem:v30+s14+$0x0], $0xffff;
	v24 =	vadd.s32 v25, v22  }
0xee: {  	v22 =	vor.u32 v3, v23;
	v24 =	vadd.s32 v26, v24;
	v28 =	vld.idx.msk [tilespmem:v28+s14+$0x0], $0xffff  }
0xef: {  	v25 =	vor.u32 v0, v22;
	v23 =	vor.u32 v4, v22;
	v29 =	vadd.s32 v31, v24  }
0xf0: {  	s19 =	simm.s32 $0x20;
	s20 =	simm.s32 $0x8400;
	s18 =	simm.s32 $0x8400;
	v26 =	vor.u32 v5, v22;
	v24 =	vor.u32 v6, v22;
	v29 =	vadd.s32 v63, v29  }
.LBB2_10:
0xf1: {  	p0 =	sne.s32 s19, $0x30  }
0xf2: {  	v30 =	vor.u32 v9, v22;
	v31 =	vor.u32 v11, v22;
	v27 =	vadd.s32 v27, v29;
	s18 =	sadd.s32 $0x10, s18;
	s21 =	smov.u32 s19;
	s19 =	sadd.s32 $0x10, s19  }
0xf3: {  	v29 =	vor.u32 v12, v22;
	v32 =	vor.u32 v13, v22;
	v27 =	vadd.s32 v28, v27  }
0xf4: {  	v33 =	vor.u32 v14, v22;
	v34 =	vand.u32 $0xF, v21;
	v28 =	vor.u32 v10, v22;
	[tilespmem:s20+$0x0] =	vst v27;
	s20 =	smov.u32 s18  }
0xf5: {  	v35 =	vor.u32 v17, v22;
	v36 =	vor.u32 v18, v22;
	v27 =	vor.u32 v16, v22;
	v25 =	vld.idx.msk [tilespmem:v25+s14+$0x0], $0xffff  }
0xf6: {  	v37 =	vor.u32 v19, v22;
	v34 =	vor.u32 v34, v22;
	v26 =	vld.idx.msk [tilespmem:v26+s14+$0x0], $0xffff  }
0xf7: {  	v23 =	vld.idx.msk [tilespmem:v23+s14+$0x0], $0xffff  }
0xf8: {  	v24 =	vld.idx.msk [tilespmem:v24+s14+$0x0], $0xffff  }
0xf9: {  	v30 =	vld.idx.msk [tilespmem:v30+s14+$0x0], $0xffff  }
0xfa: {  	v22 =	vor.u32 v15, v22;
	v31 =	vld.idx.msk [tilespmem:v31+s14+$0x0], $0xffff  }
0xfb: {  	v29 =	vld.idx.msk [tilespmem:v29+s14+$0x0], $0xffff  }
0xfc: {  	v32 =	vld.idx.msk [tilespmem:v32+s14+$0x0], $0xffff  }
0xfd: {  	v23 =	vadd.s32 v25, v23;
	v25 =	vld.idx.msk [tilespmem:v28+s14+$0x0], $0xffff  }
0xfe: {  	v23 =	vadd.s32 v26, v23;
	v26 =	vld.idx.msk [tilespmem:v33+s14+$0x0], $0xffff  }
0xff: {  	v23 =	vadd.s32 v24, v23;
	v22 =	vld.idx.msk [tilespmem:v22+s14+$0x0], $0xffff  }
0x100: {  	v23 =	vadd.s32 v30, v23;
	v24 =	vld.idx.msk [tilespmem:v27+s14+$0x0], $0xffff  }
0x101: {  	v23 =	vadd.s32 v31, v23;
	v30 =	vld.idx.msk [tilespmem:v35+s14+$0x0], $0xffff  }
0x102: {  	v23 =	vadd.s32 v29, v23;
	v29 =	vld.idx.msk [tilespmem:v36+s14+$0x0], $0xffff  }
0x103: {  	v23 =	vadd.s32 v32, v23;
	v27 =	vld.idx.msk [tilespmem:v37+s14+$0x0], $0xffff  }
0x104: {  	v23 =	vadd.s32 v25, v23;
	v28 =	vld.idx.msk [tilespmem:v34+s14+$0x0], $0xffff  }
.Ltmp4:
0x105: {  	v25 =	vmov s21;
	v23 =	vadd.s32 v26, v23;
	(pc) =	sbr.rel @p0 .LBB2_10-.Ltmp4, $4  }
0x106: {  	v25 =	vshll.u32 v25, $0x4;
	v23 =	vadd.s32 v22, v23  }
0x107: {  	v22 =	vor.u32 v3, v25;
	v24 =	vadd.s32 v24, v23  }
0x108: {  	v25 =	vor.u32 v0, v22;
	v23 =	vor.u32 v4, v22;
	v30 =	vadd.s32 v30, v24  }
0x109: {  	v26 =	vor.u32 v5, v22;
	v24 =	vor.u32 v6, v22;
	v29 =	vadd.s32 v29, v30  }
0x10a: {  	_ = 	snop  }
0x10b: {  	v21 =	vadd.s32 v27, v29  }
0x10c: {  	v21 =	vadd.s32 v28, v21  }
0x10d: {  	v55 =	vor.u32 v9, v22;
	[tilespmem:s20+$0x0] =	vst v21  }
0x10e: {  	v56 =	vor.u32 v11, v22;
	v25 =	vld.idx.msk [tilespmem:v25+s14+$0x0], $0xffff  }
0x10f: {  	v57 =	vor.u32 v12, v22;
	v23 =	vld.idx.msk [tilespmem:v23+s14+$0x0], $0xffff  }
0x110: {  	v58 =	vor.u32 v13, v22;
	v26 =	vld.idx.msk [tilespmem:v26+s14+$0x0], $0xffff  }
0x111: {  	v30 =	vor.u32 v10, v22;
	v24 =	vld.idx.msk [tilespmem:v24+s14+$0x0], $0xffff  }
0x112: {  	v31 =	vor.u32 v14, v22;
	v27 =	vld.idx.msk [tilespmem:v55+s14+$0x0], $0xffff  }
0x113: {  	v32 =	vor.u32 v15, v22;
	v21 =	vld.idx.msk [tilespmem:v56+s14+$0x0], $0xffff  }
0x114: {  	v33 =	vor.u32 v16, v22;
	v28 =	vld.idx.msk [tilespmem:v57+s14+$0x0], $0xffff;
	v23 =	vadd.s32 v25, v23  }
0x115: {  	v59 =	vor.u32 v17, v22;
	v29 =	vld.idx.msk [tilespmem:v58+s14+$0x0], $0xffff;
	v23 =	vadd.s32 v26, v23  }
0x116: {  	v60 =	vor.u32 v18, v22;
	v30 =	vld.idx.msk [tilespmem:v30+s14+$0x0], $0xffff;
	v23 =	vadd.s32 v24, v23  }
0x117: {  	v61 =	vor.u32 v19, v22;
	v31 =	vld.idx.msk [tilespmem:v31+s14+$0x0], $0xffff;
	v23 =	vadd.s32 v27, v23  }
0x118: {  	v20 =	vor.u32 v20, v22;
	v62 =	vld.idx.msk [tilespmem:v32+s14+$0x0], $0xffff;
	v21 =	vadd.s32 v21, v23  }
0x119: {  	v63 =	vld.idx.msk [tilespmem:v33+s14+$0x0], $0xffff;
	v21 =	vadd.s32 v28, v21  }
0x11a: {  	v25 =	vld.idx.msk [tilespmem:v59+s14+$0x0], $0xffff;
	v21 =	vadd.s32 v29, v21  }
0x11b: {  	v26 =	vld.idx.msk [tilespmem:v60+s14+$0x0], $0xffff;
	v21 =	vadd.s32 v30, v21  }
0x11c: {  	v24 =	vld.idx.msk [tilespmem:v61+s14+$0x0], $0xffff;
	v21 =	vadd.s32 v31, v21  }
0x11d: {  	v20 =	vld.idx.msk [tilespmem:v20+s14+$0x0], $0xffff;
	v21 =	vadd.s32 v62, v21  }
0x11e: {  	v21 =	vadd.s32 v63, v21  }
0x11f: {  	v21 =	vadd.s32 v25, v21  }
0x120: {  	v21 =	vadd.s32 v26, v21  }
0x121: {  	s17 =	sadd.s32 $0x1, s17;
	v21 =	vadd.s32 v24, v21  }
0x122: {  	s18 =	sadd.s32 $0x10, s18;
	p0 =	sne.s32 s17, s9;
	v20 =	vadd.s32 v20, v21  }
.Ltmp5:
0x123: {  	[tilespmem:s18+$0x0] =	vst v20;
	(pc) =	sbr.rel @p0 .LBB2_1-.Ltmp5, $4  }
0x124: {  	[hbm4b:s8+s3] =	stream.linear.scatter [tilespmem:s16], [sflag:$0x3], $0x40, $0x38;
	[tilespmem:$0x8500] =	vst v63  }
0x125: {  	_ =	swait.ge [sflag:s11], $0x40  }
0x126: {  	[sflag:s11] =	ssyncset.done $0x0  }
0x127: {  	[sflag:s11] =	ssyncadd.s32 $0xFFFFFFC0  }
0x128: {  	_ =	sfence.sel $0x180000  }
0x129: {  	[bflag:$0x0] =	sbarrier.arrive $0xFFFF  }
0x12a: {  	p0 =	sne.s32 s2, $0x0;
	_ =	strace $0x9000004D  }
0x12b: {  	s0 =	sadd.s32 @!p0 $0x100000, s1;
	[bflag:$0x2] =	sbarrier.arrive $0xFFFF  }
0x12c: {  	[sflag:s0] =	ssyncadd.tile.s32 @!p0 $0x1;
	_ =	shalt  }
.Lfunc_end2:
_tile_overlayer_lowered:
.L_overlay_start_2:
0x12d: {  	(tag) =	ssettag $0x2  }
0x12e: {  	s0 =	rddreg [dreg:$0x0];
	s2 =	stileid.u32  }
0x12f: {  	s1 =	rddreg [dreg:$0x1];
	p0 =	sne.s32 s2, $0x0  }
0x130: {  	s3 =	rddreg [dreg:$0x2];
	[bflag:$0x3] =	sbarrier.arrive $0xFFFF;
	s2 =	simm.s32 @!p0 $0x1C03  }
0x131: {  	[timem:s3], [sflag:s2] =	dma.local @!p0 [hbm:s0], s1  }
0x132: {  	s0 =	simm.s32 @!p0 $0x3  }
0x133: {  	_ =	swait.ge @!p0 [sflag:s0], s1  }
0x134: {  	s1 =	ssub.s32 @!p0 $0x0, s1;
	[sflag:s0] =	ssyncset.done @!p0 $0x0  }
0x135: {  	[sflag:s0] =	ssyncadd.s32 @!p0 s1  }
0x136: {  	[bflag:$0x3] =	sbarrier.arrive $0xFFFF  }
0x137: {  	_ =	shalt  }

// kernel: kernel.6.cloned.1.call-start
scs
__scs_entry_jumppad:
0x0: {  	(pc) =	sbr.rel $0x88, $3  }
0x1: {  	(tag) =	ssettag $0x0;
	lr =	simm.s32 $0x1  }
0x2: {  	[smem:$0x3F9F] =	sst lr;
	_ =	strace $0xD0000000  }
0x3: {  	_ = 	snop  }
0x4: {  	_ = 	snop  }
0x5: {  	_ = 	snop  }
0x6: {  	_ = 	snop  }
0x7: {  	_ = 	snop  }
__scs_overlays_trampoline_lowered:
0x8: {  	[smem:$0x3FAE] =	sst s0  }
0x9: {  	[smem:$0x3FAF] =	sst s1  }
0xa: {  	[smem:$0x3FB0] =	sst s2  }
0xb: {  	[smem:$0x3FB1] =	sst s3  }
0xc: {  	[smem:$0x3FB2] =	sst s4  }
0xd: {  	[smem:$0x3FB3] =	sst s5  }
0xe: {  	[smem:$0x3FB4] =	sst s6  }
0xf: {  	[smem:$0x3FB5] =	sst s7  }
0x10: {  	[smem:$0x3FB6] =	sst s8  }
0x11: {  	[smem:$0x3FB7] =	sst s9;
	s0 =	simm.s32 @!p0 $0x0  }
0x12: {  	s1 =	sld [smem:$0x3F9D];
	s0 =	simm.s32 @p0 $0x1  }
0x13: {  	[smem:$0x3FB8] =	sst s0;
	s0 =	simm.s32 @!p1 $0x0  }
0x14: {  	s2 =	sld [smem:$0x3F9C];
	s0 =	simm.s32 @p1 $0x1  }
0x15: {  	[smem:$0x3FB9] =	sst s0;
	s0 =	simm.s32 @!p2 $0x0  }
0x16: {  	s3 =	sld [smem:$0x3FDB];
	s0 =	simm.s32 @p2 $0x1  }
0x17: {  	s4 =	simm.s32 $0x1BF5;
	[smem:$0x3FBB] =	sst s0  }
0x18: {  	s0 =	sld [smem:$0x3F9E];
	_ =	swait.ge [sflag:s4], $0x0  }
0x19: {  	s7 =	sld [smem:$0x3F9F]  }
0x1a: {  	s8 =	sadd.s32 $0xFFFFE003, lr  }
0x1b: {  	s9 =	sadd.s32 $0xFFFFFEF7, lr;
	s5 =	simm.s32 $0xFFFFFFFF;
	p2 =	slt.u32 s8, $0xFFFFF086  }
0x1c: {  	p1 =	slt.u32 s9, $0xF7A;
	s5 =	simm.s32 @!p2 $0x0  }
0x1d: {  	s5 =	simm.s32 @p1 $0x1;
	p0 =	seq.s32 s7, s2  }
0x1e: {  	s7 =	smul.u32 @!p0 $0xF7A, s2;
	p2 =	seq.s32 @!p0 s5, $0x0  }
0x1f: {  	s9 =	smul.u32 $0xF7A, s1;
	s8 =	simm.s32 @!p0 $0x1BF5;
	p2 =	por !p2, p0  }
0x20: {  	[sflag:s8] =	ssyncset.s32 @!p0 $0xFFFFF086;
	s6 =	sadd.s32 @!p0 s3, s7;
	s7 =	simm.s32 @!p0 $0x108  }
0x21: {  	s3 =	sadd.s32 s3, s9;
	s6 =	sadd.s32 @!p0 $0x88, s6;
	s7 =	simm.s32 @p2 $0x1082  }
0x22: {  	[simem:s7], [sflag:s8] =	dma.local @!p0 [hbm:s6], $0xF7A  }
0x23: {  	s9 =	sor.u32 $0xD0000000, s2;
	s6 =	simm.s32 $0x108;
	_ =	swait.ge @!p0 [sflag:s8], $0x0  }
0x24: {  	s3 =	sadd.s32 $0x88, s3;
	s6 =	simm.s32 @!p1 $0x1082;
	[sflag:s4] =	ssyncset.s32 $0xFFFFF086  }
0x25: {  	[simem:s6], [sflag:s4] =	dma.local [hbm:s3], $0xF7A  }
0x26: {  	[smem:$0x3F9F] =	sst s1;
	(tag) =	ssettag s2;
	_ =	strace s9  }
0x27: {  	s1 =	sld [smem:$0x3FAF]  }
0x28: {  	s2 =	sld [smem:$0x3FB0]  }
0x29: {  	s4 =	sld [smem:$0x3FB2]  }
0x2a: {  	p0 =	seq.s32 s5, $0x0;
	s5 =	sld [smem:$0x3FB3]  }
0x2b: {  	s6 =	sld [smem:$0x3FB4]  }
0x2c: {  	s7 =	sld [smem:$0x3FB5]  }
0x2d: {  	s3 =	simm.s32 $0x108;
	s8 =	sld [smem:$0x3FB6]  }
0x2e: {  	s3 =	simm.s32 @!p0 $0x1082;
	s9 =	sld [smem:$0x3FB7]  }
0x2f: {  	lr =	sadd.s32 s0, s3;
	s0 =	sld [smem:$0x3FAE]  }
0x30: {  	s3 =	sld [smem:$0x3FB1]  }
0x31: {  	[smem:$0x3FBA] =	sst s10  }
0x32: {  	s10 =	sld [smem:$0x3FB8];
	_ =	sdelay $0x3  }
0x33: {  	p0 =	seq.s32 s10, $0x1;
	s10 =	sld [smem:$0x3FBA];
	_ =	sdelay $0x3  }
0x34: {  	[smem:$0x3FBA] =	sst s10  }
0x35: {  	s10 =	sld [smem:$0x3FB9];
	_ =	sdelay $0x3  }
0x36: {  	p1 =	seq.s32 s10, $0x1;
	s10 =	sld [smem:$0x3FBA];
	_ =	sdelay $0x3  }
0x37: {  	[smem:$0x3FBA] =	sst s10  }
0x38: {  	s10 =	sld [smem:$0x3FBB]  }
0x39: {  	_ = 	snop;
	(pc) =	sbr.ind lr, $3  }
0x3a: {  	_ = 	snop  }
0x3b: {  	_ = 	snop  }
0x3c: {  	p2 =	seq.s32 s10, $0x1;
	s10 =	sld [smem:$0x3FBA]  }
0x3d: {  	_ =	shalt  }
0x3e: {  	_ =	shalt  }
0x3f: {  	_ =	shalt  }
0x40: {  	_ =	shalt  }
0x41: {  	_ =	shalt  }
0x42: {  	_ =	shalt  }
0x43: {  	_ =	shalt  }
0x44: {  	_ =	shalt  }
0x45: {  	_ =	shalt  }
0x46: {  	_ =	shalt  }
0x47: {  	_ =	shalt  }
0x48: {  	_ =	shalt  }
0x49: {  	_ =	shalt  }
0x4a: {  	_ =	shalt  }
0x4b: {  	_ =	shalt  }
0x4c: {  	_ =	shalt  }
0x4d: {  	_ =	shalt  }
0x4e: {  	_ =	shalt  }
0x4f: {  	_ =	shalt  }
0x50: {  	_ =	shalt  }
0x51: {  	_ =	shalt  }
0x52: {  	_ =	shalt  }
0x53: {  	_ =	shalt  }
0x54: {  	_ =	shalt  }
0x55: {  	_ =	shalt  }
0x56: {  	_ =	shalt  }
0x57: {  	_ =	shalt  }
0x58: {  	_ =	shalt  }
0x59: {  	_ =	shalt  }
0x5a: {  	_ =	shalt  }
0x5b: {  	_ =	shalt  }
0x5c: {  	_ =	shalt  }
0x5d: {  	_ =	shalt  }
0x5e: {  	_ =	shalt  }
0x5f: {  	_ =	shalt  }
0x60: {  	_ =	shalt  }
0x61: {  	_ =	shalt  }
0x62: {  	_ =	shalt  }
0x63: {  	_ =	shalt  }
0x64: {  	_ =	shalt  }
0x65: {  	_ =	shalt  }
0x66: {  	_ =	shalt  }
0x67: {  	_ =	shalt  }
0x68: {  	_ =	shalt  }
0x69: {  	_ =	shalt  }
0x6a: {  	_ =	shalt  }
0x6b: {  	_ =	shalt  }
0x6c: {  	_ =	shalt  }
0x6d: {  	_ =	shalt  }
0x6e: {  	_ =	shalt  }
0x6f: {  	_ =	shalt  }
0x70: {  	_ =	shalt  }
0x71: {  	_ =	shalt  }
0x72: {  	_ =	shalt  }
0x73: {  	_ =	shalt  }
0x74: {  	_ =	shalt  }
0x75: {  	_ =	shalt  }
0x76: {  	_ =	shalt  }
0x77: {  	_ =	shalt  }
0x78: {  	_ =	shalt  }
0x79: {  	_ =	shalt  }
0x7a: {  	_ =	shalt  }
0x7b: {  	_ =	shalt  }
0x7c: {  	_ =	shalt  }
0x7d: {  	_ =	shalt  }
0x7e: {  	_ =	shalt  }
0x7f: {  	_ =	shalt  }
0x80: {  	_ =	shalt  }
0x81: {  	_ =	shalt  }
0x82: {  	_ =	shalt  }
0x83: {  	_ =	shalt  }
0x84: {  	_ =	shalt  }
0x85: {  	_ =	shalt  }
0x86: {  	_ =	shalt  }
0x87: {  	_ =	shalt  }
.Lfunc_end0:
.L_simem_size_0:
called_computation_lowered:
.L_overlay_start_0:
0x88: {  	s2 =	sld [smem:$0x3FD9]  }
0x89: {  	s3 =	sld [smem:$0x3FFE];
	_ =	sdelay $0x1  }
0x8a: {  	s1 =	srdreg.scid  }
0x8b: {  	s0 =	sand.u32 $0x1, s1  }
0x8c: {  	s17 =	sshll.u32 s0, $0xA;
	s2 =	sadd.s32 s3, s2  }
0x8d: {  	s2 =	sadd.s32 s2, s17  }
0x8e: {  	[smem:$0x3FC6] =	sst s2  }
0x8f: {  	_ = 	snop  }
0x90: {  	s2 =	sld [smem:$0x3FC9]  }
0x91: {  	s18 =	sld [smem:$0x3FD0];
	(tm) =	ssettm $0x1  }
0x92: {  	s4 =	sld [smem:$0x3FFB];
	_ =	sdelay $0x3  }
0x93: {  	_ =	strace s4  }
0x94: {  	s4 =	sld [smem:$0x3FFC];
	_ =	sdelay $0x3  }
0x95: {  	_ =	strace s4  }
0x96: {  	s4 =	sld [smem:$0x3FFD];
	_ =	sdelay $0x3  }
0x97: {  	_ =	strace s4  }
0x98: {  	_ =	strace $0x8FFFFFFF  }
0x99: {  	s19 =	sld [smem:$0x3FDB];
	_ =	sdelay $0x1  }
0x9a: {  	s5 =	simm.s32 $_scs_section_size  }
0x9b: {  	s6 =	simm.s32 $_size__tile_overlayer_lowered;
	s7 =	simm.s32 $_tile_overlayer_lowered  }
0x9c: {  	s22 =	simm.s32 $0x1BFF;
	s21 =	sshll.u32 s7, $0x1;
	s4 =	sadd.s32 s5, s19  }
0x9d: {  	s8 =	simm.s32 $0x0;
	s20 =	sshll.u32 s6, $0x1;
	s6 =	sadd.s32 s21, s4  }
0x9e: {  	[timem:s8], [sflag:s22] =	dma.local [hbm:s6], s20  }
0x9f: {  	_ =	swait.ge [sflag:s22], s20  }
0xa0: {  	s5 =	ssub.s32 $0x0, s20;
	[sflag:s22] =	ssyncset.done $0x0  }
0xa1: {  	[sflag:s22] =	ssyncadd.s32 s5;
	_ =	sdelay $0x1  }
0xa2: {  	s23 =	simm.s32 $0x1B8B  }
0xa3: {  	_ =	swait.ge [sflag:s23], $0x1  }
0xa4: {  	[sflag:s23] =	ssyncset.done $0x0  }
0xa5: {  	s25 =	simm.s32 $0x1B8E;
	s24 =	sld [smem:$0x3FFE];
	[sflag:s23] =	ssyncadd.s32 $0xFFFFFFFF  }
0xa6: {  	s26 =	simm.s32 $execute0_lowered;
	[smem:$0x3FD2] =	sst s25  }
0xa7: {  	s6 =	sshll.u32 s26, $0x1;
	_ =	strace $0x80000046;
	[dreg:$0x1] =	wrdreg $0xFFFFFFFF  }
0xa8: {  	s28 =	simm.s32 $_size_execute0_lowered;
	s4 =	sadd.s32 s4, s6;
	[dreg:$0x0] =	wrdreg $0x0  }
0xa9: {  	s6 =	sshll.u32 s28, $0x1;
	[dreg:$0x2] =	wrdreg s4  }
0xaa: {  	[dreg:$0x3] =	wrdreg s6  }
0xab: {  	[dreg:$0x4] =	wrdreg $0xC0  }
0xac: {  	_ =	task [dreg:s8], $0x5FFFF  }
0xad: {  	[dreg:$0x1] =	wrdreg $0xFFFFFFFF  }
0xae: {  	[dreg:$0x0] =	wrdreg $0x60  }
0xaf: {  	[dreg:$0x2] =	wrdreg s2  }
0xb0: {  	[dreg:$0x3] =	wrdreg s18  }
0xb1: {  	[dreg:$0x4] =	wrdreg s24  }
0xb2: {  	[dreg:$0x5] =	wrdreg $0x9  }
0xb3: {  	_ =	task.clear_ibuf [dreg:s8], $0x6FFFF;
	_ =	strace $0x90000046  }
0xb4: {  	s29 =	simm.s32 $0x9;
	_ =	strace $0x80000048  }
0xb5: {  	_ =	swait.ge [sflag:s29], $0x1  }
0xb6: {  	[sflag:s29] =	ssyncadd.s32 $0xFFFFFFFF  }
0xb7: {  	_ =	strace $0x90000048  }
0xb8: {  	_ =	sfence  }
0xb9: {  	s30 =	sld [smem:$0x0];
	_ =	sdelay $0x2  }
0xba: {  	s31 =	sshll.u32 s1, $0xD;
	s1 =	sshrl.u32 s1, $0x2  }
0xbb: {  	s3 =	sand.u32 $0x4000, s31;
	s1 =	sadd.s32 s1, s30  }
0xbc: {  	s0 =	sor.u32 s3, s0;
	s1 =	sshll.u32 s1, $0x11  }
0xbd: {  	s0 =	sor.u32 s1, s0  }
0xbe: {  	s0 =	sadd.s32 $0x8F2B, s0  }
0xbf: {  	[sflag:s0] =	ssyncadd.remote.s32 $0x1  }
0xc0: {  	_ =	sfence.sel $0xFFFF  }
0xc1: {  	[dreg:$0x0] =	wrdreg $0xFFFFFFFF;
	(pc) =	sbr.abs _section_cstart, $3  }
0xc2: {  	[dreg:$0x1] =	wrdreg $0xFFFFFFFF  }
0xc3: {  	_ =	task.clear_ibuf [dreg:s8], $0x2FFFF;
	_ =	strace $0x9FFFFFFF  }
0xc4: {  	(tm) =	ssettm $0x7FFFFFFF  }
0xc5: {  	_ =	shalt  }
tec
execute0_lowered:
.L_overlay_start_1:
0x0: {  	(tag) =	ssettag $0x1  }
0x1: {  	v2 =	vimm.s32 $0xFEDCBA9  }
0x2: {  	v0 =	vimm.s32 $0x0;
	v1 =	vlaneseq.u32;
	v5 =	vimm.s32 $0x87654321  }
0x3: {  	v6 =	vimm.s32 $0x98765432;
	v7 =	vimm.s32 $0x210FEDCB;
	v8 =	vimm.s32 $0xA9876543  }
0x4: {  	v18 =	vimm.s32 $0xCBA98765;
	v20 =	vimm.s32 $0x6543210F;
	v21 =	vimm.s32 $0xEDCBA987  }
0x5: {  	v22 =	vimm.s32 $0xFEDCBA98;
	v23 =	vimm.s32 $0x76543210;
	v4 =	vunpack.c.l.s4.s8 v2  }
0x6: {  	v2 =	vimm.s32 $0x1;
	v3 =	vmul.u32 $0x10, v1;
	v6 =	vunpack.c.l.s4.s8 v6  }
0x7: {  	v7 =	vunpack.c.l.s4.s8 v7;
	v20 =	vunpack.c.l.s4.s8 v20;
	v21 =	vunpack.c.l.s4.s8 v21  }
0x8: {  	v22 =	vunpack.c.l.s4.s8 v22;
	v10 =	vunpack.c.0.s8.s32 v4;
	v4 =	vunpack.c.l.s4.s8 v5  }
0x9: {  	v5 =	vimm.s32 $0x10FEDCBA;
	v13 =	vunpack.c.0.s8.s32 v6;
	v14 =	vunpack.c.0.s8.s32 v7  }
0xa: {  	v20 =	vunpack.c.0.s8.s32 v20;
	v21 =	vunpack.c.0.s8.s32 v21;
	v5 =	vunpack.c.l.s4.s8 v5  }
0xb: {  	v22 =	vunpack.c.0.s8.s32 v22;
	v11 =	vunpack.c.0.s8.s32 v4;
	v4 =	vunpack.c.l.s4.s8 v8  }
0xc: {  	v26 =	vcombine.low v21, v20;
	v12 =	vunpack.c.0.s8.s32 v5;
	v5 =	vimm.s32 $0x3210FEDC  }
0xd: {  	v22 =	vand.u32 $0xF, v22;
	v15 =	vunpack.c.0.s8.s32 v4;
	v4 =	vunpack.c.l.s4.s8 v5  }
0xe: {  	v5 =	vimm.s32 $0xBA987654;
	v6 =	vcombine.low v11, v10;
	v63 =	vcombine.low v10, v11  }
0xf: {  	v11 =	vand.u32 $0xF, v26;
	v7 =	vcombine.low v13, v12;
	v5 =	vunpack.c.l.s4.s8 v5  }
0x10: {  	v13 =	vcombine.low v12, v13;
	v8 =	vcombine.low v15, v14;
	v16 =	vunpack.c.0.s8.s32 v4  }
0x11: {  	s0 =	rddreg [dreg:$0x0];
	v4 =	vimm.s32 $0x43210FED;
	v14 =	vcombine.low v14, v15;
	v17 =	vunpack.c.0.s8.s32 v5  }
0x12: {  	s1 =	rddreg [dreg:$0x1];
	v9 =	vunpack.c.l.s4.s8 v4;
	v5 =	vand.u32 $0xF, v7;
	v7 =	vunpack.c.l.s4.s8 v18  }
0x13: {  	s3 =	srdreg.scid;
	s2 =	stileid.u32;
	v12 =	vand.u32 $0xF, v63;
	v4 =	vand.u32 $0xF, v6;
	v13 =	vand.u32 $0xF, v13  }
0x14: {  	s8 =	rddreg [dreg:$0x2];
	s4 =	simm.s32 $0x0;
	s12 =	simm.s32 $0x4000;
	v6 =	vand.u32 $0xF, v8;
	v18 =	vunpack.c.0.s8.s32 v9;
	v19 =	vunpack.c.0.s8.s32 v7  }
0x15: {  	s13 =	simm.s32 $0x1;
	s14 =	simm.s32 $0x8000;
	s15 =	simm.s32 $0x2;
	v7 =	vimm.s32 $0x543210FE;
	v9 =	vimm.s32 $0xDCBA9876;
	v15 =	vcombine.low v16, v17  }
0x16: {  	s16 =	simm.s32 $0x18000;
	s5 =	sand.u32 $0x1, s3;
	s6 =	sshll.u32 s2, $0x1;
	v14 =	vand.u32 $0xF, v14;
	v7 =	vunpack.c.l.s4.s8 v7;
	v9 =	vunpack.c.l.s4.s8 v9  }
0x17: {  	s17 =	simm.s32 $0x0;
	s3 =	rddreg [dreg:$0x3];
	s6 =	sor.u32 s5, s6;
	v8 =	vcombine.low v17, v16;
	v16 =	vcombine.low v18, v19;
	v15 =	vand.u32 $0xF, v15  }
0x18: {  	[smem:$0x7FF] =	sst s4;
	s5 =	ssub.s32 $0x2, s5;
	s7 =	smul.u32 $0x13000, s6;
	v24 =	vunpack.c.0.s8.s32 v7;
	v25 =	vunpack.c.0.s8.s32 v9;
	v9 =	vunpack.c.l.s4.s8 v23  }
0x19: {  	s9 =	sshrl.u32 s5, $0x1;
	s10 =	smul.u32 $0x98000, s6;
	s11 =	sshll.u32 s6, $0x9;
	v7 =	vand.u32 $0xF, v8;
	v8 =	vcombine.low v19, v18;
	v18 =	vcombine.low v20, v21  }
0x1a: {  	_ =	strace $0x80000047;
	s9 =	ssub.s32 s5, s9;
	s8 =	sadd.s32 s8, s11;
	v9 =	vunpack.c.0.s8.s32 v9;
	v62 =	vcombine.low v25, v24;
	v17 =	vcombine.low v24, v25  }
0x1b: {  	s11 =	simm.s32 $0x3;
	s5 =	sadd.s32 s0, s7;
	s6 =	sor.u32 $0x4000, s10;
	v16 =	vand.u32 $0xF, v16;
	v8 =	vand.u32 $0xF, v8;
	v18 =	vand.u32 $0xF, v18  }
0x1c: {  	s7 =	sadd.s32 $0x8000, s10;
	s9 =	smax.u32 s9, $0x1;
	s10 =	simm.s32 $0x19000;
	v9 =	vcombine.low v22, v9;
	v10 =	vand.u32 $0xF, v62;
	v17 =	vand.u32 $0xF, v17  }
.LBB2_1:
0x1d: {  	s18 =	simm.s32 $0x40;
	s19 =	simm.s32 $0x0  }
.LBB2_2:
0x1e: {  	p0 =	sne.s32 s18, $0x3FFC0;
	[tilespmem:s19+$0x8000] =	vst v0;
	s19 =	smov.u32 s18;
	s18 =	sadd.s32 $0x40, s18  }
.Ltmp0:
0x1f: {  	(pc) =	sbr.rel @p0 .LBB2_2-.Ltmp0, $2  }
0x20: {  	_ =	sdelay $0x2  }
0x21: {  	s19 =	sshra.s32 s19, $0x2  }
0x22: {  	[tilespmem:s19+$0x8000] =	vst v0;
	s18 =	simm.s32 $0x0  }
0x23: {  	[tilespmem:s10], [sflag:$0x3] =	stream.linear.gather [hbm4b:s1+s18], $0x80, $0x38;
	[tilespmem:$0x19080] =	vst v63  }
0x24: {  	_ =	swait.ge [sflag:s11], $0x80  }
0x25: {  	[sflag:s11] =	ssyncset.done $0x0  }
0x26: {  	s19 =	simm.s32 $0x0;
	[sflag:s11] =	ssyncadd.s32 $0xFFFFFF80  }
0x27: {  	[tilespmem:s18], [sflag:$0x1] =	stream.linear.gather [hbm4b:s5+s18], $0x4000, $0x38;
	[tilespmem:$0x19080] =	vst v63  }
.LBB2_4:
0x28: {  	s20 =	sshll.u32 s19, $0xF  }
0x29: {  	s21 =	sadd.s32 s20, s6  }
0x2a: {  	s21 =	sshrl.u32 s21, $0x3  }
0x2b: {  	s31 =	simm.s32 $0x0;
	s22 =	sand.u32 $0x800, s18;
	s21 =	sadd.s32 s0, s21  }
0x2c: {  	[tilespmem:s12], [sflag:$0x2] =	stream.linear.gather [hbm4b:s21+s18], $0x4000, $0x38;
	[tilespmem:$0x19080] =	vst v63  }
0x2d: {  	s23 =	simm.s32 $0x0;
	s21 =	sand.u32 $0x3000, s31;
	_ =	swait.ge [sflag:s13], $0x4000  }
0x2e: {  	s23 =	sand.u32 $0x380, s23;
	s21 =	sor.u32 s22, s21;
	[sflag:s13] =	ssyncset.done $0x0  }
0x2f: {  	s21 =	sor.u32 s23, s21;
	[sflag:s13] =	ssyncadd.s32 $0xFFFFC000  }
0x30: {  	v19 =	vld [tilespmem:s21+$0x470]  }
0x31: {  	v20 =	vld [tilespmem:s21+$0x0]  }
0x32: {  	v21 =	vld [tilespmem:s21+$0x10]  }
0x33: {  	v22 =	vld [tilespmem:s21+$0x20]  }
0x34: {  	v23 =	vld [tilespmem:s21+$0x30]  }
0x35: {  	v24 =	vld [tilespmem:s21+$0x40]  }
0x36: {  	v25 =	vld [tilespmem:s21+$0x50]  }
0x37: {  	v26 =	vld [tilespmem:s21+$0x60];
	v19 =	vshra.s32 v19, $0xE  }
0x38: {  	v27 =	vld [tilespmem:s21+$0x70];
	v19 =	vand.u32 $0xFFFFFFF0, v19  }
0x39: {  	v28 =	vld [tilespmem:s21+$0x400];
	v19 =	vor.u32 v1, v19  }
0x3a: {  	v29 =	vld [tilespmem:s21+$0x410];
	v20 =	vshra.s32 v20, $0xE  }
0x3b: {  	v30 =	vld [tilespmem:s21+$0x420];
	v24 =	vshra.s32 v24, $0xE;
	v20 =	vand.u32 $0xFFFFFFF0, v20  }
0x3c: {  	v31 =	vld [tilespmem:s21+$0x440];
	v21 =	vshra.s32 v21, $0xE;
	v24 =	vand.u32 $0xFFFFFFF0, v24;
	v20 =	vor.u32 v1, v20  }
0x3d: {  	v32 =	vld [tilespmem:s21+$0x450];
	v25 =	vshra.s32 v25, $0xE;
	v21 =	vand.u32 $0xFFFFFFF0, v21;
	v24 =	vor.u32 v1, v24  }
0x3e: {  	v22 =	vshra.s32 v22, $0xE;
	v25 =	vand.u32 $0xFFFFFFF0, v25;
	[tilespmem:v19+s14+$0x0] =	vst.idx.add.s32.msk $0xffff, v2;
	v19 =	vor.u32 v1, v21  }
0x3f: {  	v33 =	vld [tilespmem:s21+$0x460];
	v25 =	vor.u32 v1, v25;
	v21 =	vand.u32 $0xFFFFFFF0, v22;
	v22 =	vshra.s32 v23, $0xE  }
0x40: {  	v26 =	vshra.s32 v26, $0xE;
	v23 =	vld [tilespmem:s21+$0x430];
	v21 =	vor.u32 v1, v21;
	v22 =	vand.u32 $0xFFFFFFF0, v22  }
0x41: {  	v27 =	vshra.s32 v27, $0xE;
	v26 =	vand.u32 $0xFFFFFFF0, v26;
	[tilespmem:v20+s14+$0x0] =	vst.idx.add.s32.msk $0xffff, v2;
	v22 =	vor.u32 v1, v22  }
0x42: {  	v61 =	vshra.s32 v28, $0xE;
	v26 =	vor.u32 v1, v26;
	v20 =	vand.u32 $0xFFFFFFF0, v27;
	[tilespmem:v24+s14+$0x0] =	vst.idx.add.s32.msk $0xffff, v2  }
0x43: {  	v62 =	vor.u32 v1, v20;
	v20 =	vshra.s32 v29, $0xE;
	[tilespmem:v19+s14+$0x0] =	vst.idx.add.s32.msk $0xffff, v2;
	v19 =	vand.u32 $0xFFFFFFF0, v61  }
0x44: {  	[tilespmem:v25+s14+$0x0] =	vst.idx.add.s32.msk $0xffff, v2;
	v27 =	vor.u32 v1, v19;
	v19 =	vand.u32 $0xFFFFFFF0, v20;
	v20 =	vshra.s32 v30, $0xE  }
0x45: {  	[tilespmem:v21+s14+$0x0] =	vst.idx.add.s32.msk $0xffff, v2;
	v63 =	vor.u32 v1, v19;
	v19 =	vshra.s32 v23, $0xE;
	v20 =	vand.u32 $0xFFFFFFF0, v20  }
0x46: {  	[tilespmem:v22+s14+$0x0] =	vst.idx.add.s32.msk $0xffff, v2;
	v22 =	vshra.s32 v31, $0xE;
	v21 =	vand.u32 $0xFFFFFFF0, v19;
	v19 =	vor.u32 v1, v20  }
0x47: {  	[tilespmem:v26+s14+$0x0] =	vst.idx.add.s32.msk $0xffff, v2;
	v20 =	vor.u32 v1, v21;
	v21 =	vand.u32 $0xFFFFFFF0, v22;
	v22 =	vshra.s32 v32, $0xE  }
0x48: {  	[tilespmem:v62+s14+$0x0] =	vst.idx.add.s32.msk $0xffff, v2;
	v23 =	vshra.s32 v33, $0xE;
	v21 =	vor.u32 v1, v21;
	v22 =	vand.u32 $0xFFFFFFF0, v22  }
0x49: {  	v23 =	vand.u32 $0xFFFFFFF0, v23;
	[tilespmem:v27+s14+$0x0] =	vst.idx.add.s32.msk $0xffff, v2;
	v22 =	vor.u32 v1, v22  }
0x4a: {  	s22 =	simm.s32 $0x0;
	s21 =	simm.s32 $0x0;
	v23 =	vor.u32 v1, v23;
	[tilespmem:v63+s14+$0x0] =	vst.idx.add.s32.msk $0xffff, v2  }
.LBB2_5:
0x4b: {  	s21 =	sadd.s32 $0x10, s21;
	[tilespmem:v19+s14+$0x0] =	vst.idx.add.s32.msk $0xffff, v2  }
0x4c: {  	s22 =	sadd.s32 $0x800, s22;
	s23 =	sshll.u32 s21, $0x4;
	p0 =	slt.u32 s21, $0x3F0;
	[tilespmem:v20+s14+$0x0] =	vst.idx.add.s32.msk $0xffff, v2  }
0x4d: {  	s24 =	sand.u32 $0x800, s22;
	s25 =	sshll.u32 s21, $0x2;
	s23 =	sand.u32 $0x3000, s23;
	[tilespmem:v21+s14+$0x0] =	vst.idx.add.s32.msk $0xffff, v2  }
0x4e: {  	s25 =	sand.u32 $0x380, s25;
	s23 =	sor.u32 s24, s23;
	[tilespmem:v22+s14+$0x0] =	vst.idx.add.s32.msk $0xffff, v2  }
0x4f: {  	s23 =	sor.u32 s25, s23;
	[tilespmem:v23+s14+$0x0] =	vst.idx.add.s32.msk $0xffff, v2  }
0x50: {  	v19 =	vld [tilespmem:s23+$0x470]  }
0x51: {  	v20 =	vld [tilespmem:s23+$0x0]  }
0x52: {  	v21 =	vld [tilespmem:s23+$0x10]  }
0x53: {  	v22 =	vld [tilespmem:s23+$0x20]  }
0x54: {  	v23 =	vld [tilespmem:s23+$0x30]  }
0x55: {  	v24 =	vld [tilespmem:s23+$0x40];
	v19 =	vshra.s32 v19, $0xE  }
0x56: {  	v20 =	vshra.s32 v20, $0xE;
	v25 =	vld [tilespmem:s23+$0x50];
	v19 =	vand.u32 $0xFFFFFFF0, v19  }
0x57: {  	v20 =	vand.u32 $0xFFFFFFF0, v20;
	v21 =	vshra.s32 v21, $0xE;
	v26 =	vld [tilespmem:s23+$0x60];
	v19 =	vor.u32 v1, v19  }
0x58: {  	v20 =	vor.u32 v1, v20;
	v21 =	vand.u32 $0xFFFFFFF0, v21;
	v22 =	vshra.s32 v22, $0xE;
	v27 =	vld [tilespmem:s23+$0x70]  }
0x59: {  	v21 =	vor.u32 v1, v21;
	v22 =	vand.u32 $0xFFFFFFF0, v22;
	v23 =	vshra.s32 v23, $0xE;
	v28 =	vld [tilespmem:s23+$0x400]  }
0x5a: {  	v22 =	vor.u32 v1, v22;
	v23 =	vand.u32 $0xFFFFFFF0, v23;
	v24 =	vshra.s32 v24, $0xE;
	v29 =	vld [tilespmem:s23+$0x410]  }
0x5b: {  	v23 =	vor.u32 v1, v23;
	v24 =	vand.u32 $0xFFFFFFF0, v24;
	v25 =	vshra.s32 v25, $0xE;
	v30 =	vld [tilespmem:s23+$0x420]  }
0x5c: {  	v24 =	vor.u32 v1, v24;
	v25 =	vand.u32 $0xFFFFFFF0, v25;
	v26 =	vshra.s32 v26, $0xE;
	[tilespmem:v19+s14+$0x0] =	vst.idx.add.s32.msk $0xffff, v2  }
0x5d: {  	v25 =	vor.u32 v1, v25;
	v19 =	vand.u32 $0xFFFFFFF0, v26;
	v26 =	vshra.s32 v27, $0xE;
	v27 =	vld [tilespmem:s23+$0x430]  }
0x5e: {  	v31 =	vor.u32 v1, v19;
	v19 =	vand.u32 $0xFFFFFFF0, v26;
	v26 =	vshra.s32 v28, $0xE;
	v28 =	vld [tilespmem:s23+$0x440]  }
0x5f: {  	v32 =	vor.u32 v1, v19;
	v19 =	vand.u32 $0xFFFFFFF0, v26;
	v26 =	vshra.s32 v29, $0xE;
	v29 =	vld [tilespmem:s23+$0x450]  }
0x60: {  	v33 =	vor.u32 v1, v19;
	v19 =	vand.u32 $0xFFFFFFF0, v26;
	v26 =	vshra.s32 v30, $0xE;
	v30 =	vld [tilespmem:s23+$0x460]  }
0x61: {  	[tilespmem:v20+s14+$0x0] =	vst.idx.add.s32.msk $0xffff, v2;
	v34 =	vor.u32 v1, v19;
	v19 =	vand.u32 $0xFFFFFFF0, v26  }
0x62: {  	[tilespmem:v21+s14+$0x0] =	vst.idx.add.s32.msk $0xffff, v2;
	v19 =	vor.u32 v1, v19;
	v20 =	vshra.s32 v27, $0xE  }
0x63: {  	[tilespmem:v22+s14+$0x0] =	vst.idx.add.s32.msk $0xffff, v2;
	v20 =	vand.u32 $0xFFFFFFF0, v20;
	v21 =	vshra.s32 v28, $0xE  }
0x64: {  	[tilespmem:v23+s14+$0x0] =	vst.idx.add.s32.msk $0xffff, v2;
	v20 =	vor.u32 v1, v20;
	v21 =	vand.u32 $0xFFFFFFF0, v21;
	v22 =	vshra.s32 v29, $0xE  }
0x65: {  	[tilespmem:v24+s14+$0x0] =	vst.idx.add.s32.msk $0xffff, v2;
	v21 =	vor.u32 v1, v21;
	v22 =	vand.u32 $0xFFFFFFF0, v22;
	v23 =	vshra.s32 v30, $0xE  }
.Ltmp1:
0x66: {  	[tilespmem:v25+s14+$0x0] =	vst.idx.add.s32.msk $0xffff, v2;
	v22 =	vor.u32 v1, v22;
	v23 =	vand.u32 $0xFFFFFFF0, v23;
	(pc) =	sbr.rel @p0 .LBB2_5-.Ltmp1, $4  }
0x67: {  	[tilespmem:v31+s14+$0x0] =	vst.idx.add.s32.msk $0xffff, v2;
	v23 =	vor.u32 v1, v23  }
0x68: {  	[tilespmem:v32+s14+$0x0] =	vst.idx.add.s32.msk $0xffff, v2  }
0x69: {  	[tilespmem:v33+s14+$0x0] =	vst.idx.add.s32.msk $0xffff, v2  }
0x6a: {  	[tilespmem:v34+s14+$0x0] =	vst.idx.add.s32.msk $0xffff, v2  }
0x6b: {  	_ =	sdelay $0x3  }
0x6c: {  	[tilespmem:v19+s14+$0x0] =	vst.idx.add.s32.msk $0xffff, v2  }
0x6d: {  	[tilespmem:v20+s14+$0x0] =	vst.idx.add.s32.msk $0xffff, v2;
	p0 =	seq.s32 s19, $0x12  }
0x6e: {  	[tilespmem:v21+s14+$0x0] =	vst.idx.add.s32.msk $0xffff, v2;
	s20 =	sadd.s32 @!p0 s20, s7  }
0x6f: {  	[tilespmem:v22+s14+$0x0] =	vst.idx.add.s32.msk $0xffff, v2;
	s20 =	sshrl.u32 @!p0 s20, $0x3  }
0x70: {  	[tilespmem:v23+s14+$0x0] =	vst.idx.add.s32.msk $0xffff, v2;
	s21 =	simm.s32 @!p0 $0x0;
	s20 =	sadd.s32 @!p0 s0, s20  }
0x71: {  	[tilespmem:s21], [sflag:$0x1] =	stream.linear.gather @!p0 [hbm4b:s20+s21], $0x4000, $0x38;
	[tilespmem:$0x19080] =	vst v63  }
0x72: {  	s31 =	simm.s32 $0x0;
	s23 =	simm.s32 $0x0;
	s20 =	simm.s32 $0x0  }
0x73: {  	s21 =	sand.u32 $0x3000, s31;
	_ =	swait.ge [sflag:s15], $0x4000;
	s22 =	sand.u32 $0x800, s20  }
0x74: {  	s23 =	sand.u32 $0x380, s23;
	[sflag:s15] =	ssyncset.done $0x0;
	s21 =	sor.u32 s22, s21  }
0x75: {  	[sflag:s15] =	ssyncadd.s32 $0xFFFFC000;
	s21 =	sor.u32 s23, s21  }
0x76: {  	v19 =	vld [tilespmem:s21+$0x4470]  }
0x77: {  	v20 =	vld [tilespmem:s21+$0x4000]  }
0x78: {  	v21 =	vld [tilespmem:s21+$0x4010]  }
0x79: {  	v22 =	vld [tilespmem:s21+$0x4020]  }
0x7a: {  	v23 =	vld [tilespmem:s21+$0x4030]  }
0x7b: {  	v24 =	vld [tilespmem:s21+$0x4040]  }
0x7c: {  	v25 =	vld [tilespmem:s21+$0x4050]  }
0x7d: {  	v26 =	vld [tilespmem:s21+$0x4060];
	v19 =	vshra.s32 v19, $0xE  }
0x7e: {  	v27 =	vld [tilespmem:s21+$0x4070];
	v19 =	vand.u32 $0xFFFFFFF0, v19  }
0x7f: {  	v28 =	vld [tilespmem:s21+$0x4400];
	v19 =	vor.u32 v1, v19  }
0x80: {  	v29 =	vld [tilespmem:s21+$0x4410];
	v20 =	vshra.s32 v20, $0xE  }
0x81: {  	v30 =	vld [tilespmem:s21+$0x4420];
	v24 =	vshra.s32 v24, $0xE;
	v20 =	vand.u32 $0xFFFFFFF0, v20  }
0x82: {  	v31 =	vld [tilespmem:s21+$0x4440];
	v21 =	vshra.s32 v21, $0xE;
	v24 =	vand.u32 $0xFFFFFFF0, v24;
	v20 =	vor.u32 v1, v20  }
0x83: {  	v32 =	vld [tilespmem:s21+$0x4450];
	v25 =	vshra.s32 v25, $0xE;
	v21 =	vand.u32 $0xFFFFFFF0, v21;
	v24 =	vor.u32 v1, v24  }
0x84: {  	v22 =	vshra.s32 v22, $0xE;
	v25 =	vand.u32 $0xFFFFFFF0, v25;
	[tilespmem:v19+s14+$0x0] =	vst.idx.add.s32.msk $0xffff, v2;
	v19 =	vor.u32 v1, v21  }
0x85: {  	v33 =	vld [tilespmem:s21+$0x4460];
	v25 =	vor.u32 v1, v25;
	v21 =	vand.u32 $0xFFFFFFF0, v22;
	v22 =	vshra.s32 v23, $0xE  }
0x86: {  	v26 =	vshra.s32 v26, $0xE;
	v23 =	vld [tilespmem:s21+$0x4430];
	v21 =	vor.u32 v1, v21;
	v22 =	vand.u32 $0xFFFFFFF0, v22  }
0x87: {  	v27 =	vshra.s32 v27, $0xE;
	v26 =	vand.u32 $0xFFFFFFF0, v26;
	[tilespmem:v20+s14+$0x0] =	vst.idx.add.s32.msk $0xffff, v2;
	v22 =	vor.u32 v1, v22  }
0x88: {  	v61 =	vshra.s32 v28, $0xE;
	v26 =	vor.u32 v1, v26;
	v20 =	vand.u32 $0xFFFFFFF0, v27;
	[tilespmem:v24+s14+$0x0] =	vst.idx.add.s32.msk $0xffff, v2  }
0x89: {  	v62 =	vor.u32 v1, v20;
	v20 =	vshra.s32 v29, $0xE;
	[tilespmem:v19+s14+$0x0] =	vst.idx.add.s32.msk $0xffff, v2;
	v19 =	vand.u32 $0xFFFFFFF0, v61  }
0x8a: {  	[tilespmem:v25+s14+$0x0] =	vst.idx.add.s32.msk $0xffff, v2;
	v27 =	vor.u32 v1, v19;
	v19 =	vand.u32 $0xFFFFFFF0, v20;
	v20 =	vshra.s32 v30, $0xE  }
0x8b: {  	[tilespmem:v21+s14+$0x0] =	vst.idx.add.s32.msk $0xffff, v2;
	v63 =	vor.u32 v1, v19;
	v19 =	vshra.s32 v23, $0xE;
	v20 =	vand.u32 $0xFFFFFFF0, v20  }
0x8c: {  	[tilespmem:v22+s14+$0x0] =	vst.idx.add.s32.msk $0xffff, v2;
	v22 =	vshra.s32 v31, $0xE;
	v21 =	vand.u32 $0xFFFFFFF0, v19;
	v19 =	vor.u32 v1, v20  }
0x8d: {  	[tilespmem:v26+s14+$0x0] =	vst.idx.add.s32.msk $0xffff, v2;
	v20 =	vor.u32 v1, v21;
	v21 =	vand.u32 $0xFFFFFFF0, v22;
	v22 =	vshra.s32 v32, $0xE  }
0x8e: {  	[tilespmem:v62+s14+$0x0] =	vst.idx.add.s32.msk $0xffff, v2;
	v23 =	vshra.s32 v33, $0xE;
	v21 =	vor.u32 v1, v21;
	v22 =	vand.u32 $0xFFFFFFF0, v22  }
0x8f: {  	v23 =	vand.u32 $0xFFFFFFF0, v23;
	[tilespmem:v27+s14+$0x0] =	vst.idx.add.s32.msk $0xffff, v2;
	v22 =	vor.u32 v1, v22  }
0x90: {  	s21 =	simm.s32 $0x0;
	v23 =	vor.u32 v1, v23;
	[tilespmem:v63+s14+$0x0] =	vst.idx.add.s32.msk $0xffff, v2  }
.LBB2_7:
0x91: {  	s21 =	sadd.s32 $0x10, s21;
	[tilespmem:v19+s14+$0x0] =	vst.idx.add.s32.msk $0xffff, v2  }
0x92: {  	s20 =	sadd.s32 $0x800, s20;
	s22 =	sshll.u32 s21, $0x4;
	p0 =	slt.u32 s21, $0x3F0;
	[tilespmem:v20+s14+$0x0] =	vst.idx.add.s32.msk $0xffff, v2  }
0x93: {  	s23 =	sand.u32 $0x800, s20;
	s24 =	sshll.u32 s21, $0x2;
	s22 =	sand.u32 $0x3000, s22;
	[tilespmem:v21+s14+$0x0] =	vst.idx.add.s32.msk $0xffff, v2  }
0x94: {  	s24 =	sand.u32 $0x380, s24;
	s22 =	sor.u32 s23, s22;
	[tilespmem:v22+s14+$0x0] =	vst.idx.add.s32.msk $0xffff, v2  }
0x95: {  	s22 =	sor.u32 s24, s22;
	[tilespmem:v23+s14+$0x0] =	vst.idx.add.s32.msk $0xffff, v2  }
0x96: {  	v19 =	vld [tilespmem:s22+$0x4470]  }
0x97: {  	v20 =	vld [tilespmem:s22+$0x4000]  }
0x98: {  	v21 =	vld [tilespmem:s22+$0x4010]  }
0x99: {  	v22 =	vld [tilespmem:s22+$0x4020]  }
0x9a: {  	v23 =	vld [tilespmem:s22+$0x4030]  }
0x9b: {  	v24 =	vld [tilespmem:s22+$0x4040];
	v19 =	vshra.s32 v19, $0xE  }
0x9c: {  	v20 =	vshra.s32 v20, $0xE;
	v25 =	vld [tilespmem:s22+$0x4050];
	v19 =	vand.u32 $0xFFFFFFF0, v19  }
0x9d: {  	v20 =	vand.u32 $0xFFFFFFF0, v20;
	v21 =	vshra.s32 v21, $0xE;
	v26 =	vld [tilespmem:s22+$0x4060];
	v19 =	vor.u32 v1, v19  }
0x9e: {  	v20 =	vor.u32 v1, v20;
	v21 =	vand.u32 $0xFFFFFFF0, v21;
	v22 =	vshra.s32 v22, $0xE;
	v27 =	vld [tilespmem:s22+$0x4070]  }
0x9f: {  	v21 =	vor.u32 v1, v21;
	v22 =	vand.u32 $0xFFFFFFF0, v22;
	v23 =	vshra.s32 v23, $0xE;
	v28 =	vld [tilespmem:s22+$0x4400]  }
0xa0: {  	v22 =	vor.u32 v1, v22;
	v23 =	vand.u32 $0xFFFFFFF0, v23;
	v24 =	vshra.s32 v24, $0xE;
	v29 =	vld [tilespmem:s22+$0x4410]  }
0xa1: {  	v23 =	vor.u32 v1, v23;
	v24 =	vand.u32 $0xFFFFFFF0, v24;
	v25 =	vshra.s32 v25, $0xE;
	v30 =	vld [tilespmem:s22+$0x4420]  }
0xa2: {  	v24 =	vor.u32 v1, v24;
	v25 =	vand.u32 $0xFFFFFFF0, v25;
	v26 =	vshra.s32 v26, $0xE;
	[tilespmem:v19+s14+$0x0] =	vst.idx.add.s32.msk $0xffff, v2  }
0xa3: {  	v25 =	vor.u32 v1, v25;
	v19 =	vand.u32 $0xFFFFFFF0, v26;
	v26 =	vshra.s32 v27, $0xE;
	v27 =	vld [tilespmem:s22+$0x4430]  }
0xa4: {  	v31 =	vor.u32 v1, v19;
	v19 =	vand.u32 $0xFFFFFFF0, v26;
	v26 =	vshra.s32 v28, $0xE;
	v28 =	vld [tilespmem:s22+$0x4440]  }
0xa5: {  	v32 =	vor.u32 v1, v19;
	v19 =	vand.u32 $0xFFFFFFF0, v26;
	v26 =	vshra.s32 v29, $0xE;
	v29 =	vld [tilespmem:s22+$0x4450]  }
0xa6: {  	v33 =	vor.u32 v1, v19;
	v19 =	vand.u32 $0xFFFFFFF0, v26;
	v26 =	vshra.s32 v30, $0xE;
	v30 =	vld [tilespmem:s22+$0x4460]  }
0xa7: {  	[tilespmem:v20+s14+$0x0] =	vst.idx.add.s32.msk $0xffff, v2;
	v34 =	vor.u32 v1, v19;
	v19 =	vand.u32 $0xFFFFFFF0, v26  }
0xa8: {  	[tilespmem:v21+s14+$0x0] =	vst.idx.add.s32.msk $0xffff, v2;
	v19 =	vor.u32 v1, v19;
	v20 =	vshra.s32 v27, $0xE  }
0xa9: {  	[tilespmem:v22+s14+$0x0] =	vst.idx.add.s32.msk $0xffff, v2;
	v20 =	vand.u32 $0xFFFFFFF0, v20;
	v21 =	vshra.s32 v28, $0xE  }
0xaa: {  	[tilespmem:v23+s14+$0x0] =	vst.idx.add.s32.msk $0xffff, v2;
	v20 =	vor.u32 v1, v20;
	v21 =	vand.u32 $0xFFFFFFF0, v21;
	v22 =	vshra.s32 v29, $0xE  }
0xab: {  	[tilespmem:v24+s14+$0x0] =	vst.idx.add.s32.msk $0xffff, v2;
	v21 =	vor.u32 v1, v21;
	v22 =	vand.u32 $0xFFFFFFF0, v22;
	v23 =	vshra.s32 v30, $0xE  }
.Ltmp2:
0xac: {  	[tilespmem:v25+s14+$0x0] =	vst.idx.add.s32.msk $0xffff, v2;
	v22 =	vor.u32 v1, v22;
	v23 =	vand.u32 $0xFFFFFFF0, v23;
	(pc) =	sbr.rel @p0 .LBB2_7-.Ltmp2, $4  }
0xad: {  	[tilespmem:v31+s14+$0x0] =	vst.idx.add.s32.msk $0xffff, v2;
	v23 =	vor.u32 v1, v23  }
0xae: {  	[tilespmem:v32+s14+$0x0] =	vst.idx.add.s32.msk $0xffff, v2  }
0xaf: {  	[tilespmem:v33+s14+$0x0] =	vst.idx.add.s32.msk $0xffff, v2  }
0xb0: {  	[tilespmem:v34+s14+$0x0] =	vst.idx.add.s32.msk $0xffff, v2  }
0xb1: {  	_ =	sdelay $0x1  }
0xb2: {  	s19 =	sadd.s32 $0x1, s19  }
0xb3: {  	p0 =	sne.s32 s19, $0x13  }
.Ltmp3:
0xb4: {  	[tilespmem:v19+s14+$0x0] =	vst.idx.add.s32.msk $0xffff, v2;
	(pc) =	sbr.rel @p0 .LBB2_4-.Ltmp3, $4  }
0xb5: {  	[tilespmem:v20+s14+$0x0] =	vst.idx.add.s32.msk $0xffff, v2  }
0xb6: {  	[tilespmem:v21+s14+$0x0] =	vst.idx.add.s32.msk $0xffff, v2  }
0xb7: {  	[tilespmem:v22+s14+$0x0] =	vst.idx.add.s32.msk $0xffff, v2  }
0xb8: {  	[tilespmem:v23+s14+$0x0] =	vst.idx.add.s32.msk $0xffff, v2  }
0xb9: {  	s18 =	simm.s32 $0x0  }
0xba: {  	v19 =	vmov s18  }
0xbb: {  	v19 =	vshll.u32 v19, $0x4  }
0xbc: {  	v19 =	vor.u32 v3, v19  }
0xbd: {  	v20 =	vor.u32 v4, v19  }
0xbe: {  	v21 =	vor.u32 v1, v19  }
0xbf: {  	v22 =	vor.u32 v5, v19  }
0xc0: {  	v23 =	vor.u32 v6, v19  }
0xc1: {  	v24 =	vor.u32 v7, v19  }
0xc2: {  	v25 =	vor.u32 v8, v19;
	v20 =	vld.idx.msk [tilespmem:v20+s14+$0x0], $0xffff  }
0xc3: {  	v26 =	vor.u32 v10, v19;
	v21 =	vld.idx.msk [tilespmem:v21+s14+$0x0], $0xffff  }
0xc4: {  	v27 =	vor.u32 v11, v19;
	v22 =	vld.idx.msk [tilespmem:v22+s14+$0x0], $0xffff  }
0xc5: {  	v28 =	vor.u32 v9, v19;
	v23 =	vld.idx.msk [tilespmem:v23+s14+$0x0], $0xffff  }
0xc6: {  	v29 =	vor.u32 v12, v19;
	v24 =	vld.idx.msk [tilespmem:v24+s14+$0x0], $0xffff  }
0xc7: {  	v30 =	vor.u32 v13, v19;
	v25 =	vld.idx.msk [tilespmem:v25+s14+$0x0], $0xffff  }
0xc8: {  	v31 =	vor.u32 v14, v19;
	v26 =	vld.idx.msk [tilespmem:v26+s14+$0x0], $0xffff;
	v20 =	vadd.s32 v21, v20  }
0xc9: {  	v21 =	vld.idx.msk [tilespmem:v27+s14+$0x0], $0xffff;
	v27 =	vor.u32 v15, v19;
	v20 =	vadd.s32 v22, v20  }
0xca: {  	v58 =	vor.u32 v16, v19;
	v22 =	vld.idx.msk [tilespmem:v28+s14+$0x0], $0xffff;
	v20 =	vadd.s32 v23, v20  }
0xcb: {  	v59 =	vor.u32 v17, v19;
	v23 =	vld.idx.msk [tilespmem:v29+s14+$0x0], $0xffff;
	v20 =	vadd.s32 v24, v20  }
0xcc: {  	v19 =	vor.u32 v18, v19;
	v24 =	vld.idx.msk [tilespmem:v30+s14+$0x0], $0xffff;
	v20 =	vadd.s32 v25, v20  }
0xcd: {  	v25 =	vld.idx.msk [tilespmem:v31+s14+$0x0], $0xffff;
	v20 =	vadd.s32 v26, v20  }
0xce: {  	v26 =	vld.idx.msk [tilespmem:v27+s14+$0x0], $0xffff;
	v20 =	vadd.s32 v21, v20  }
0xcf: {  	s31 =	simm.s32 $0x10;
	v21 =	vld.idx.msk [tilespmem:v58+s14+$0x0], $0xffff;
	v20 =	vadd.s32 v22, v20  }
0xd0: {  	v27 =	vmov s31;
	v22 =	vld.idx.msk [tilespmem:v59+s14+$0x0], $0xffff;
	v20 =	vadd.s32 v23, v20  }
0xd1: {  	v19 =	vld.idx.msk [tilespmem:v19+s14+$0x0], $0xffff;
	v23 =	vshll.u32 v27, $0x4;
	v20 =	vadd.s32 v24, v20  }
0xd2: {  	v23 =	vor.u32 v3, v23;
	v20 =	vadd.s32 v25, v20  }
0xd3: {  	v24 =	vor.u32 v4, v23;
	v20 =	vadd.s32 v26, v20  }
0xd4: {  	v25 =	vor.u32 v1, v23;
	v20 =	vadd.s32 v21, v20  }
0xd5: {  	v21 =	vor.u32 v5, v23;
	v20 =	vadd.s32 v22, v20  }
0xd6: {  	s18 =	simm.s32 $0x18000;
	v22 =	vor.u32 v6, v23;
	v19 =	vadd.s32 v19, v20  }
0xd7: {  	v20 =	vor.u32 v7, v23;
	[tilespmem:s18+$0x0] =	vst v19  }
0xd8: {  	v19 =	vld.idx.msk [tilespmem:v24+s14+$0x0], $0xffff;
	v24 =	vor.u32 v8, v23  }
0xd9: {  	v26 =	vor.u32 v10, v23;
	v25 =	vld.idx.msk [tilespmem:v25+s14+$0x0], $0xffff  }
0xda: {  	v27 =	vor.u32 v11, v23;
	v21 =	vld.idx.msk [tilespmem:v21+s14+$0x0], $0xffff  }
0xdb: {  	v60 =	vor.u32 v9, v23;
	v22 =	vld.idx.msk [tilespmem:v22+s14+$0x0], $0xffff  }
0xdc: {  	v61 =	vor.u32 v12, v23;
	v20 =	vld.idx.msk [tilespmem:v20+s14+$0x0], $0xffff  }
0xdd: {  	v62 =	vor.u32 v13, v23;
	v24 =	vld.idx.msk [tilespmem:v24+s14+$0x0], $0xffff  }
0xde: {  	v63 =	vor.u32 v14, v23;
	v26 =	vld.idx.msk [tilespmem:v26+s14+$0x0], $0xffff;
	v19 =	vadd.s32 v25, v19  }
0xdf: {  	v25 =	vld.idx.msk [tilespmem:v27+s14+$0x0], $0xffff;
	v27 =	vor.u32 v15, v23;
	v19 =	vadd.s32 v21, v19  }
0xe0: {  	v28 =	vld.idx.msk [tilespmem:v60+s14+$0x0], $0xffff;
	v21 =	vor.u32 v16, v23;
	v19 =	vadd.s32 v22, v19  }
0xe1: {  	v29 =	vld.idx.msk [tilespmem:v61+s14+$0x0], $0xffff;
	v22 =	vor.u32 v17, v23;
	v19 =	vadd.s32 v20, v19  }
0xe2: {  	v30 =	vld.idx.msk [tilespmem:v62+s14+$0x0], $0xffff;
	v23 =	vor.u32 v18, v23;
	v20 =	vadd.s32 v24, v19  }
0xe3: {  	v19 =	vld.idx.msk [tilespmem:v63+s14+$0x0], $0xffff;
	v24 =	vadd.s32 v26, v20  }
0xe4: {  	v20 =	vld.idx.msk [tilespmem:v27+s14+$0x0], $0xffff;
	v24 =	vadd.s32 v25, v24  }
0xe5: {  	s19 =	simm.s32 $0x20;
	v21 =	vld.idx.msk [tilespmem:v21+s14+$0x0], $0xffff;
	v24 =	vadd.s32 v28, v24  }
0xe6: {  	v22 =	vld.idx.msk [tilespmem:v22+s14+$0x0], $0xffff;
	v25 =	vmov s19;
	v26 =	vadd.s32 v29, v24  }
0xe7: {  	v23 =	vld.idx.msk [tilespmem:v23+s14+$0x0], $0xffff;
	s19 =	simm.s32 $0x30;
	v24 =	vshll.u32 v25, $0x4;
	v25 =	vadd.s32 v30, v26  }
.LBB2_10:
0xe8: {  	p0 =	sne.s32 s19, $0xFF0;
	v24 =	vor.u32 v3, v24;
	v19 =	vadd.s32 v19, v25  }
0xe9: {  	v25 =	vor.u32 v4, v24;
	v19 =	vadd.s32 v20, v19  }
0xea: {  	v20 =	vor.u32 v1, v24;
	v19 =	vadd.s32 v21, v19  }
0xeb: {  	v21 =	vor.u32 v5, v24;
	v19 =	vadd.s32 v22, v19  }
0xec: {  	s18 =	sadd.s32 $0x10, s18;
	v22 =	vor.u32 v6, v24;
	v19 =	vadd.s32 v23, v19  }
0xed: {  	v23 =	vor.u32 v7, v24;
	[tilespmem:s18+$0x0] =	vst v19  }
0xee: {  	v19 =	vld.idx.msk [tilespmem:v25+s14+$0x0], $0xffff;
	v25 =	vor.u32 v8, v24  }
0xef: {  	v26 =	vor.u32 v10, v24;
	v20 =	vld.idx.msk [tilespmem:v20+s14+$0x0], $0xffff  }
0xf0: {  	v27 =	vor.u32 v11, v24;
	v21 =	vld.idx.msk [tilespmem:v21+s14+$0x0], $0xffff  }
0xf1: {  	v28 =	vor.u32 v9, v24;
	v22 =	vld.idx.msk [tilespmem:v22+s14+$0x0], $0xffff  }
0xf2: {  	v29 =	vor.u32 v12, v24;
	v23 =	vld.idx.msk [tilespmem:v23+s14+$0x0], $0xffff  }
0xf3: {  	v30 =	vor.u32 v13, v24;
	v25 =	vld.idx.msk [tilespmem:v25+s14+$0x0], $0xffff  }
0xf4: {  	v31 =	vor.u32 v14, v24;
	v26 =	vld.idx.msk [tilespmem:v26+s14+$0x0], $0xffff  }
0xf5: {  	v19 =	vadd.s32 v20, v19;
	v20 =	vor.u32 v15, v24;
	v27 =	vld.idx.msk [tilespmem:v27+s14+$0x0], $0xffff  }
0xf6: {  	v19 =	vadd.s32 v21, v19;
	v21 =	vor.u32 v16, v24;
	v28 =	vld.idx.msk [tilespmem:v28+s14+$0x0], $0xffff  }
0xf7: {  	v19 =	vadd.s32 v22, v19;
	v22 =	vor.u32 v17, v24;
	v29 =	vld.idx.msk [tilespmem:v29+s14+$0x0], $0xffff  }
0xf8: {  	v19 =	vadd.s32 v23, v19;
	v23 =	vor.u32 v18, v24;
	v30 =	vld.idx.msk [tilespmem:v30+s14+$0x0], $0xffff  }
0xf9: {  	v24 =	vadd.s32 v25, v19;
	v19 =	vld.idx.msk [tilespmem:v31+s14+$0x0], $0xffff  }
.Ltmp4:
0xfa: {  	v24 =	vadd.s32 v26, v24;
	v20 =	vld.idx.msk [tilespmem:v20+s14+$0x0], $0xffff;
	(pc) =	sbr.rel @p0 .LBB2_10-.Ltmp4, $4  }
0xfb: {  	v24 =	vadd.s32 v27, v24;
	v21 =	vld.idx.msk [tilespmem:v21+s14+$0x0], $0xffff  }
0xfc: {  	v24 =	vadd.s32 v28, v24;
	v22 =	vld.idx.msk [tilespmem:v22+s14+$0x0], $0xffff  }
0xfd: {  	v25 =	vmov s19;
	v26 =	vadd.s32 v29, v24;
	v23 =	vld.idx.msk [tilespmem:v23+s14+$0x0], $0xffff  }
0xfe: {  	s19 =	sadd.s32 $0x10, s19;
	v24 =	vshll.u32 v25, $0x4;
	v25 =	vadd.s32 v30, v26  }
0xff: {  	v24 =	vor.u32 v3, v24;
	v19 =	vadd.s32 v19, v25  }
0x100: {  	v49 =	vor.u32 v4, v24;
	v19 =	vadd.s32 v20, v19  }
0x101: {  	v20 =	vor.u32 v1, v24;
	v19 =	vadd.s32 v21, v19  }
0x102: {  	v50 =	vor.u32 v5, v24;
	v19 =	vadd.s32 v22, v19  }
0x103: {  	s18 =	sadd.s32 $0x10, s18;
	v51 =	vor.u32 v6, v24;
	v19 =	vadd.s32 v23, v19  }
0x104: {  	v52 =	vor.u32 v7, v24;
	[tilespmem:s18+$0x0] =	vst v19  }
0x105: {  	v53 =	vor.u32 v8, v24;
	v19 =	vld.idx.msk [tilespmem:v49+s14+$0x0], $0xffff  }
0x106: {  	v26 =	vor.u32 v10, v24;
	v20 =	vld.idx.msk [tilespmem:v20+s14+$0x0], $0xffff  }
0x107: {  	v27 =	vor.u32 v11, v24;
	v21 =	vld.idx.msk [tilespmem:v50+s14+$0x0], $0xffff  }
0x108: {  	v28 =	vor.u32 v9, v24;
	v22 =	vld.idx.msk [tilespmem:v51+s14+$0x0], $0xffff  }
0x109: {  	v29 =	vor.u32 v12, v24;
	v23 =	vld.idx.msk [tilespmem:v52+s14+$0x0], $0xffff  }
0x10a: {  	v30 =	vor.u32 v13, v24;
	v25 =	vld.idx.msk [tilespmem:v53+s14+$0x0], $0xffff  }
0x10b: {  	v31 =	vor.u32 v14, v24;
	v26 =	vld.idx.msk [tilespmem:v26+s14+$0x0], $0xffff;
	v19 =	vadd.s32 v20, v19  }
0x10c: {  	v54 =	vor.u32 v15, v24;
	v20 =	vld.idx.msk [tilespmem:v27+s14+$0x0], $0xffff;
	v19 =	vadd.s32 v21, v19  }
0x10d: {  	v56 =	vor.u32 v16, v24;
	v55 =	vld.idx.msk [tilespmem:v28+s14+$0x0], $0xffff;
	v19 =	vadd.s32 v22, v19  }
0x10e: {  	v58 =	vor.u32 v17, v24;
	v57 =	vld.idx.msk [tilespmem:v29+s14+$0x0], $0xffff;
	v19 =	vadd.s32 v23, v19  }
0x10f: {  	v24 =	vor.u32 v18, v24;
	v59 =	vld.idx.msk [tilespmem:v30+s14+$0x0], $0xffff;
	v19 =	vadd.s32 v25, v19  }
0x110: {  	v60 =	vld.idx.msk [tilespmem:v31+s14+$0x0], $0xffff;
	v19 =	vadd.s32 v26, v19  }
0x111: {  	v61 =	vld.idx.msk [tilespmem:v54+s14+$0x0], $0xffff;
	v19 =	vadd.s32 v20, v19  }
0x112: {  	v20 =	vld.idx.msk [tilespmem:v56+s14+$0x0], $0xffff;
	v19 =	vadd.s32 v55, v19  }
0x113: {  	v62 =	vld.idx.msk [tilespmem:v58+s14+$0x0], $0xffff;
	v19 =	vadd.s32 v57, v19  }
0x114: {  	v63 =	vld.idx.msk [tilespmem:v24+s14+$0x0], $0xffff;
	v19 =	vadd.s32 v59, v19  }
0x115: {  	v19 =	vadd.s32 v60, v19  }
0x116: {  	v19 =	vadd.s32 v61, v19  }
0x117: {  	v19 =	vadd.s32 v20, v19  }
0x118: {  	s17 =	sadd.s32 $0x1, s17;
	v19 =	vadd.s32 v62, v19  }
0x119: {  	p0 =	sne.s32 s17, s9;
	s18 =	sadd.s32 $0x10, s18;
	v19 =	vadd.s32 v63, v19  }
.Ltmp5:
0x11a: {  	[tilespmem:s18+$0x0] =	vst v19;
	(pc) =	sbr.rel @p0 .LBB2_1-.Ltmp5, $4  }
0x11b: {  	[hbm4b:s8+s4] =	stream.linear.scatter [tilespmem:s16], [sflag:$0x3], $0x1000, $0x38;
	[tilespmem:$0x19080] =	vst v63  }
0x11c: {  	_ =	swait.ge [sflag:s11], $0x1000  }
0x11d: {  	[sflag:s11] =	ssyncset.done $0x0  }
0x11e: {  	[sflag:s11] =	ssyncadd.s32 $0xFFFFF000  }
0x11f: {  	_ =	sfence.sel $0x180000  }
0x120: {  	[bflag:$0x0] =	sbarrier.arrive $0xFFFF  }
0x121: {  	p0 =	sne.s32 s2, $0x0;
	_ =	strace $0x90000047  }
0x122: {  	s0 =	sadd.s32 @!p0 $0x100000, s3;
	[bflag:$0x2] =	sbarrier.arrive $0xFFFF  }
0x123: {  	[sflag:s0] =	ssyncadd.tile.s32 @!p0 $0x1;
	_ =	shalt  }
.Lfunc_end2:
_tile_overlayer_lowered:
.L_overlay_start_2:
0x124: {  	(tag) =	ssettag $0x2  }
0x125: {  	s0 =	rddreg [dreg:$0x0];
	s2 =	stileid.u32  }
0x126: {  	s1 =	rddreg [dreg:$0x1];
	p0 =	sne.s32 s2, $0x0  }
0x127: {  	s3 =	rddreg [dreg:$0x2];
	[bflag:$0x3] =	sbarrier.arrive $0xFFFF;
	s2 =	simm.s32 @!p0 $0x1C03  }
0x128: {  	[timem:s3], [sflag:s2] =	dma.local @!p0 [hbm:s0], s1  }
0x129: {  	s0 =	simm.s32 @!p0 $0x3  }
0x12a: {  	_ =	swait.ge @!p0 [sflag:s0], s1  }
0x12b: {  	s1 =	ssub.s32 @!p0 $0x0, s1;
	[sflag:s0] =	ssyncset.done @!p0 $0x0  }
0x12c: {  	[sflag:s0] =	ssyncadd.s32 @!p0 s1  }
0x12d: {  	[bflag:$0x3] =	sbarrier.arrive $0xFFFF  }
0x12e: {  	_ =	shalt  }

// kernel: kernel.9.cloned.1.call-start
scs
__scs_entry_jumppad:
0x0: {  	(pc) =	sbr.rel $0x88, $3  }
0x1: {  	(tag) =	ssettag $0x0;
	lr =	simm.s32 $0x1  }
0x2: {  	[smem:$0x3F9F] =	sst lr;
	_ =	strace $0xD0000000  }
0x3: {  	_ = 	snop  }
0x4: {  	_ = 	snop  }
0x5: {  	_ = 	snop  }
0x6: {  	_ = 	snop  }
0x7: {  	_ = 	snop  }
__scs_overlays_trampoline_lowered:
0x8: {  	[smem:$0x3FAE] =	sst s0  }
0x9: {  	[smem:$0x3FAF] =	sst s1  }
0xa: {  	[smem:$0x3FB0] =	sst s2  }
0xb: {  	[smem:$0x3FB1] =	sst s3  }
0xc: {  	[smem:$0x3FB2] =	sst s4  }
0xd: {  	[smem:$0x3FB3] =	sst s5  }
0xe: {  	[smem:$0x3FB4] =	sst s6  }
0xf: {  	[smem:$0x3FB5] =	sst s7  }
0x10: {  	[smem:$0x3FB6] =	sst s8  }
0x11: {  	[smem:$0x3FB7] =	sst s9;
	s0 =	simm.s32 @!p0 $0x0  }
0x12: {  	s1 =	sld [smem:$0x3F9D];
	s0 =	simm.s32 @p0 $0x1  }
0x13: {  	[smem:$0x3FB8] =	sst s0;
	s0 =	simm.s32 @!p1 $0x0  }
0x14: {  	s2 =	sld [smem:$0x3F9C];
	s0 =	simm.s32 @p1 $0x1  }
0x15: {  	[smem:$0x3FB9] =	sst s0;
	s0 =	simm.s32 @!p2 $0x0  }
0x16: {  	s3 =	sld [smem:$0x3FDB];
	s0 =	simm.s32 @p2 $0x1  }
0x17: {  	s4 =	simm.s32 $0x1BF5;
	[smem:$0x3FBB] =	sst s0  }
0x18: {  	s0 =	sld [smem:$0x3F9E];
	_ =	swait.ge [sflag:s4], $0x0  }
0x19: {  	s7 =	sld [smem:$0x3F9F]  }
0x1a: {  	s8 =	sadd.s32 $0xFFFFE003, lr  }
0x1b: {  	s9 =	sadd.s32 $0xFFFFFEF7, lr;
	s5 =	simm.s32 $0xFFFFFFFF;
	p2 =	slt.u32 s8, $0xFFFFF086  }
0x1c: {  	p1 =	slt.u32 s9, $0xF7A;
	s5 =	simm.s32 @!p2 $0x0  }
0x1d: {  	s5 =	simm.s32 @p1 $0x1;
	p0 =	seq.s32 s7, s2  }
0x1e: {  	s7 =	smul.u32 @!p0 $0xF7A, s2;
	p2 =	seq.s32 @!p0 s5, $0x0  }
0x1f: {  	s9 =	smul.u32 $0xF7A, s1;
	s8 =	simm.s32 @!p0 $0x1BF5;
	p2 =	por !p2, p0  }
0x20: {  	[sflag:s8] =	ssyncset.s32 @!p0 $0xFFFFF086;
	s6 =	sadd.s32 @!p0 s3, s7;
	s7 =	simm.s32 @!p0 $0x108  }
0x21: {  	s3 =	sadd.s32 s3, s9;
	s6 =	sadd.s32 @!p0 $0x88, s6;
	s7 =	simm.s32 @p2 $0x1082  }
0x22: {  	[simem:s7], [sflag:s8] =	dma.local @!p0 [hbm:s6], $0xF7A  }
0x23: {  	s9 =	sor.u32 $0xD0000000, s2;
	s6 =	simm.s32 $0x108;
	_ =	swait.ge @!p0 [sflag:s8], $0x0  }
0x24: {  	s3 =	sadd.s32 $0x88, s3;
	s6 =	simm.s32 @!p1 $0x1082;
	[sflag:s4] =	ssyncset.s32 $0xFFFFF086  }
0x25: {  	[simem:s6], [sflag:s4] =	dma.local [hbm:s3], $0xF7A  }
0x26: {  	[smem:$0x3F9F] =	sst s1;
	(tag) =	ssettag s2;
	_ =	strace s9  }
0x27: {  	s1 =	sld [smem:$0x3FAF]  }
0x28: {  	s2 =	sld [smem:$0x3FB0]  }
0x29: {  	s4 =	sld [smem:$0x3FB2]  }
0x2a: {  	p0 =	seq.s32 s5, $0x0;
	s5 =	sld [smem:$0x3FB3]  }
0x2b: {  	s6 =	sld [smem:$0x3FB4]  }
0x2c: {  	s7 =	sld [smem:$0x3FB5]  }
0x2d: {  	s3 =	simm.s32 $0x108;
	s8 =	sld [smem:$0x3FB6]  }
0x2e: {  	s3 =	simm.s32 @!p0 $0x1082;
	s9 =	sld [smem:$0x3FB7]  }
0x2f: {  	lr =	sadd.s32 s0, s3;
	s0 =	sld [smem:$0x3FAE]  }
0x30: {  	s3 =	sld [smem:$0x3FB1]  }
0x31: {  	[smem:$0x3FBA] =	sst s10  }
0x32: {  	s10 =	sld [smem:$0x3FB8];
	_ =	sdelay $0x3  }
0x33: {  	p0 =	seq.s32 s10, $0x1;
	s10 =	sld [smem:$0x3FBA];
	_ =	sdelay $0x3  }
0x34: {  	[smem:$0x3FBA] =	sst s10  }
0x35: {  	s10 =	sld [smem:$0x3FB9];
	_ =	sdelay $0x3  }
0x36: {  	p1 =	seq.s32 s10, $0x1;
	s10 =	sld [smem:$0x3FBA];
	_ =	sdelay $0x3  }
0x37: {  	[smem:$0x3FBA] =	sst s10  }
0x38: {  	s10 =	sld [smem:$0x3FBB]  }
0x39: {  	_ = 	snop;
	(pc) =	sbr.ind lr, $3  }
0x3a: {  	_ = 	snop  }
0x3b: {  	_ = 	snop  }
0x3c: {  	p2 =	seq.s32 s10, $0x1;
	s10 =	sld [smem:$0x3FBA]  }
0x3d: {  	_ =	shalt  }
0x3e: {  	_ =	shalt  }
0x3f: {  	_ =	shalt  }
0x40: {  	_ =	shalt  }
0x41: {  	_ =	shalt  }
0x42: {  	_ =	shalt  }
0x43: {  	_ =	shalt  }
0x44: {  	_ =	shalt  }
0x45: {  	_ =	shalt  }
0x46: {  	_ =	shalt  }
0x47: {  	_ =	shalt  }
0x48: {  	_ =	shalt  }
0x49: {  	_ =	shalt  }
0x4a: {  	_ =	shalt  }
0x4b: {  	_ =	shalt  }
0x4c: {  	_ =	shalt  }
0x4d: {  	_ =	shalt  }
0x4e: {  	_ =	shalt  }
0x4f: {  	_ =	shalt  }
0x50: {  	_ =	shalt  }
0x51: {  	_ =	shalt  }
0x52: {  	_ =	shalt  }
0x53: {  	_ =	shalt  }
0x54: {  	_ =	shalt  }
0x55: {  	_ =	shalt  }
0x56: {  	_ =	shalt  }
0x57: {  	_ =	shalt  }
0x58: {  	_ =	shalt  }
0x59: {  	_ =	shalt  }
0x5a: {  	_ =	shalt  }
0x5b: {  	_ =	shalt  }
0x5c: {  	_ =	shalt  }
0x5d: {  	_ =	shalt  }
0x5e: {  	_ =	shalt  }
0x5f: {  	_ =	shalt  }
0x60: {  	_ =	shalt  }
0x61: {  	_ =	shalt  }
0x62: {  	_ =	shalt  }
0x63: {  	_ =	shalt  }
0x64: {  	_ =	shalt  }
0x65: {  	_ =	shalt  }
0x66: {  	_ =	shalt  }
0x67: {  	_ =	shalt  }
0x68: {  	_ =	shalt  }
0x69: {  	_ =	shalt  }
0x6a: {  	_ =	shalt  }
0x6b: {  	_ =	shalt  }
0x6c: {  	_ =	shalt  }
0x6d: {  	_ =	shalt  }
0x6e: {  	_ =	shalt  }
0x6f: {  	_ =	shalt  }
0x70: {  	_ =	shalt  }
0x71: {  	_ =	shalt  }
0x72: {  	_ =	shalt  }
0x73: {  	_ =	shalt  }
0x74: {  	_ =	shalt  }
0x75: {  	_ =	shalt  }
0x76: {  	_ =	shalt  }
0x77: {  	_ =	shalt  }
0x78: {  	_ =	shalt  }
0x79: {  	_ =	shalt  }
0x7a: {  	_ =	shalt  }
0x7b: {  	_ =	shalt  }
0x7c: {  	_ =	shalt  }
0x7d: {  	_ =	shalt  }
0x7e: {  	_ =	shalt  }
0x7f: {  	_ =	shalt  }
0x80: {  	_ =	shalt  }
0x81: {  	_ =	shalt  }
0x82: {  	_ =	shalt  }
0x83: {  	_ =	shalt  }
0x84: {  	_ =	shalt  }
0x85: {  	_ =	shalt  }
0x86: {  	_ =	shalt  }
0x87: {  	_ =	shalt  }
.Lfunc_end0:
.L_simem_size_0:
called_computation.1_lowered:
.L_overlay_start_0:
0x88: {  	s2 =	sld [smem:$0x3FD9]  }
0x89: {  	s3 =	sld [smem:$0x3FFE];
	_ =	sdelay $0x1  }
0x8a: {  	s1 =	srdreg.scid  }
0x8b: {  	s0 =	sand.u32 $0x1, s1  }
0x8c: {  	s17 =	sshll.u32 s0, $0xA;
	s2 =	sadd.s32 s3, s2  }
0x8d: {  	s2 =	sadd.s32 s2, s17  }
0x8e: {  	[smem:$0x3FC6] =	sst s2  }
0x8f: {  	_ = 	snop  }
0x90: {  	s2 =	sld [smem:$0x3FC9];
	(tm) =	ssettm $0x1  }
0x91: {  	s18 =	sld [smem:$0x3FFB];
	_ =	sdelay $0x3  }
0x92: {  	_ =	strace s18  }
0x93: {  	s3 =	sld [smem:$0x3FFC];
	_ =	sdelay $0x3  }
0x94: {  	_ =	strace s3  }
0x95: {  	s3 =	sld [smem:$0x3FFD];
	_ =	sdelay $0x3  }
0x96: {  	_ =	strace s3  }
0x97: {  	_ =	strace $0x8FFFFFFF  }
0x98: {  	s19 =	sld [smem:$0x3FDB];
	_ =	sdelay $0x1  }
0x99: {  	s4 =	simm.s32 $_scs_section_size  }
0x9a: {  	s5 =	simm.s32 $_size__tile_overlayer_lowered;
	s6 =	simm.s32 $_tile_overlayer_lowered  }
0x9b: {  	s22 =	simm.s32 $0x1BFF;
	s21 =	sshll.u32 s6, $0x1;
	s3 =	sadd.s32 s4, s19  }
0x9c: {  	s7 =	simm.s32 $0x0;
	s20 =	sshll.u32 s5, $0x1;
	s5 =	sadd.s32 s21, s3  }
0x9d: {  	[timem:s7], [sflag:s22] =	dma.local [hbm:s5], s20  }
0x9e: {  	_ =	swait.ge [sflag:s22], s20  }
0x9f: {  	s4 =	ssub.s32 $0x0, s20;
	[sflag:s22] =	ssyncset.done $0x0  }
0xa0: {  	[sflag:s22] =	ssyncadd.s32 s4;
	_ =	sdelay $0x1  }
0xa1: {  	s23 =	simm.s32 $0x1B8B  }
0xa2: {  	_ =	swait.ge [sflag:s23], $0x1  }
0xa3: {  	[sflag:s23] =	ssyncset.done $0x0  }
0xa4: {  	s25 =	simm.s32 $0x1B8E;
	s24 =	sld [smem:$0x3FFE];
	[sflag:s23] =	ssyncadd.s32 $0xFFFFFFFF  }
0xa5: {  	s26 =	simm.s32 $execute0_lowered;
	[smem:$0x3FD2] =	sst s25  }
0xa6: {  	s5 =	sshll.u32 s26, $0x1;
	_ =	strace $0x80000049;
	[dreg:$0x1] =	wrdreg $0xFFFFFFFF  }
0xa7: {  	s28 =	simm.s32 $_size_execute0_lowered;
	s3 =	sadd.s32 s3, s5;
	[dreg:$0x0] =	wrdreg $0x0  }
0xa8: {  	s5 =	sshll.u32 s28, $0x1;
	[dreg:$0x2] =	wrdreg s3  }
0xa9: {  	[dreg:$0x3] =	wrdreg s5  }
0xaa: {  	[dreg:$0x4] =	wrdreg $0xC0  }
0xab: {  	_ =	task [dreg:s7], $0x5FFFF  }
0xac: {  	[dreg:$0x1] =	wrdreg $0xFFFFFFFF  }
0xad: {  	[dreg:$0x0] =	wrdreg $0x60  }
0xae: {  	[dreg:$0x2] =	wrdreg s2  }
0xaf: {  	[dreg:$0x3] =	wrdreg s24  }
0xb0: {  	[dreg:$0x4] =	wrdreg $0x9  }
0xb1: {  	_ =	task.clear_ibuf [dreg:s7], $0x5FFFF;
	_ =	strace $0x90000049  }
0xb2: {  	s29 =	simm.s32 $0x9;
	_ =	strace $0x8000004B  }
0xb3: {  	_ =	swait.ge [sflag:s29], $0x1  }
0xb4: {  	[sflag:s29] =	ssyncadd.s32 $0xFFFFFFFF  }
0xb5: {  	_ =	strace $0x9000004B  }
0xb6: {  	_ =	sfence  }
0xb7: {  	s30 =	sld [smem:$0x0];
	_ =	sdelay $0x2  }
0xb8: {  	s31 =	sshll.u32 s1, $0xD;
	s1 =	sshrl.u32 s1, $0x2  }
0xb9: {  	s3 =	sand.u32 $0x4000, s31;
	s1 =	sadd.s32 s1, s30  }
0xba: {  	s0 =	sor.u32 s3, s0;
	s1 =	sshll.u32 s1, $0x11  }
0xbb: {  	s0 =	sor.u32 s1, s0  }
0xbc: {  	s0 =	sadd.s32 $0x8F2B, s0  }
0xbd: {  	[sflag:s0] =	ssyncadd.remote.s32 $0x1  }
0xbe: {  	_ =	sfence.sel $0xFFFF  }
0xbf: {  	[dreg:$0x0] =	wrdreg $0xFFFFFFFF;
	(pc) =	sbr.abs _section_cstart, $3  }
0xc0: {  	[dreg:$0x1] =	wrdreg $0xFFFFFFFF  }
0xc1: {  	_ =	task.clear_ibuf [dreg:s7], $0x2FFFF;
	_ =	strace $0x9FFFFFFF  }
0xc2: {  	(tm) =	ssettm $0x7FFFFFFF  }
0xc3: {  	_ =	shalt  }
tec
execute0_lowered:
.L_overlay_start_1:
0x0: {  	(tag) =	ssettag $0x1  }
0x1: {  	v1 =	vimm.s32 $0xFEDCBA9;
	v2 =	vimm.s32 $0x87654321  }
0x2: {  	v0 =	vlaneseq.u32;
	v6 =	vimm.s32 $0x210FEDCB;
	v7 =	vimm.s32 $0xA9876543  }
0x3: {  	v10 =	vimm.s32 $0xCBA98765;
	v11 =	vimm.s32 $0xFEDCBA98;
	v22 =	vimm.s32 $0xEDCBA987  }
0x4: {  	v23 =	vimm.s32 $0x76543210;
	v4 =	vunpack.c.l.s4.s8 v1;
	v5 =	vunpack.c.l.s4.s8 v2  }
0x5: {  	v1 =	vimm.s32 $0x0;
	v2 =	vimm.s32 $0x1;
	v3 =	vmul.u32 $0x10, v0  }
0x6: {  	v6 =	vunpack.c.l.s4.s8 v6;
	v11 =	vunpack.c.l.s4.s8 v11;
	v22 =	vunpack.c.l.s4.s8 v22  }
0x7: {  	v23 =	vunpack.c.l.s4.s8 v23;
	v12 =	vunpack.c.0.s8.s32 v4;
	v13 =	vunpack.c.0.s8.s32 v5  }
0x8: {  	v4 =	vimm.s32 $0x10FEDCBA;
	v5 =	vimm.s32 $0x98765432;
	v16 =	vunpack.c.0.s8.s32 v6  }
0x9: {  	v6 =	vimm.s32 $0xBA987654;
	v11 =	vunpack.c.0.s8.s32 v11;
	v4 =	vunpack.c.l.s4.s8 v4  }
0xa: {  	v61 =	vunpack.c.0.s8.s32 v23;
	v5 =	vunpack.c.l.s4.s8 v5;
	v6 =	vunpack.c.l.s4.s8 v6  }
0xb: {  	v8 =	vcombine.low v13, v12;
	v11 =	vand.u32 $0xF, v11;
	v14 =	vunpack.c.0.s8.s32 v4  }
0xc: {  	v4 =	vunpack.c.l.s4.s8 v7;
	v15 =	vunpack.c.0.s8.s32 v5;
	v5 =	vimm.s32 $0x3210FEDC  }
0xd: {  	v63 =	vcombine.low v12, v13;
	v19 =	vunpack.c.0.s8.s32 v6;
	v5 =	vunpack.c.l.s4.s8 v5  }
0xe: {  	v17 =	vunpack.c.0.s8.s32 v4;
	v4 =	vand.u32 $0xF, v8;
	v7 =	vcombine.low v15, v14  }
0xf: {  	v15 =	vcombine.low v14, v15;
	v18 =	vunpack.c.0.s8.s32 v5;
	v5 =	vimm.s32 $0x43210FED  }
0x10: {  	s0 =	rddreg [dreg:$0x0];
	v14 =	vand.u32 $0xF, v63;
	v8 =	vcombine.low v17, v16;
	v9 =	vunpack.c.l.s4.s8 v5  }
0x11: {  	s2 =	rddreg [dreg:$0x1];
	v5 =	vand.u32 $0xF, v7;
	v7 =	vunpack.c.l.s4.s8 v10;
	v16 =	vcombine.low v16, v17  }
0x12: {  	s1 =	rddreg [dreg:$0x2];
	s5 =	srdreg.scid;
	v15 =	vand.u32 $0xF, v15;
	v6 =	vand.u32 $0xF, v8;
	v8 =	vimm.s32 $0x543210FE  }
0x13: {  	s3 =	stileid.u32;
	s4 =	simm.s32 $0x0;
	s11 =	simm.s32 $0x3;
	v21 =	vunpack.c.0.s8.s32 v7;
	v7 =	vunpack.c.l.s4.s8 v8;
	v8 =	vimm.s32 $0xDCBA9876  }
0x14: {  	s12 =	simm.s32 $0x4000;
	s13 =	simm.s32 $0x1;
	s14 =	simm.s32 $0x8000;
	v20 =	vunpack.c.0.s8.s32 v9;
	v9 =	vimm.s32 $0x6543210F;
	v8 =	vunpack.c.l.s4.s8 v8  }
0x15: {  	s15 =	simm.s32 $0x2;
	s5 =	sand.u32 $0x1, s5;
	s6 =	sshll.u32 s3, $0x1;
	v10 =	vcombine.low v19, v18;
	v17 =	vcombine.low v18, v19;
	v9 =	vunpack.c.l.s4.s8 v9  }
0x16: {  	s16 =	simm.s32 $0x18000;
	s17 =	simm.s32 $0x0;
	s6 =	sor.u32 s5, s6;
	v16 =	vand.u32 $0xF, v16;
	v24 =	vunpack.c.0.s8.s32 v7;
	v25 =	vunpack.c.0.s8.s32 v8  }
0x17: {  	[smem:$0x7FF] =	sst s4;
	s5 =	ssub.s32 $0x2, s5;
	s7 =	smul.u32 $0x13000, s6;
	v62 =	vcombine.low v21, v20;
	v7 =	vunpack.c.0.s8.s32 v9;
	v8 =	vunpack.c.0.s8.s32 v22  }
0x18: {  	s8 =	sshll.u32 s6, $0x9;
	s9 =	sshrl.u32 s5, $0x1;
	s10 =	smul.u32 $0x98000, s6;
	v17 =	vand.u32 $0xF, v17;
	v18 =	vcombine.low v20, v21;
	v26 =	vcombine.low v25, v24  }
0x19: {  	_ =	strace $0x8000004A;
	s8 =	sadd.s32 s8, s2;
	s9 =	ssub.s32 s5, s9;
	v9 =	vand.u32 $0xF, v10;
	v27 =	vcombine.low v8, v7;
	v19 =	vcombine.low v24, v25  }
0x1a: {  	s5 =	sadd.s32 s0, s7;
	s6 =	sor.u32 $0x4000, s10;
	s7 =	sadd.s32 $0x8000, s10;
	v10 =	vcombine.low v11, v61;
	v11 =	vand.u32 $0xF, v62;
	v18 =	vand.u32 $0xF, v18  }
0x1b: {  	s8 =	sadd.s32 $0x200, s8;
	s9 =	smax.u32 s9, $0x1;
	s10 =	simm.s32 $0x19000;
	v12 =	vand.u32 $0xF, v26;
	v13 =	vand.u32 $0xF, v27;
	v19 =	vand.u32 $0xF, v19  }
.LBB2_1:
0x1c: {  	s18 =	simm.s32 $0x40;
	s19 =	simm.s32 $0x0  }
.LBB2_2:
0x1d: {  	p0 =	sne.s32 s18, $0x3FFC0;
	[tilespmem:s19+$0x8000] =	vst v1;
	s19 =	smov.u32 s18;
	s18 =	sadd.s32 $0x40, s18  }
.Ltmp0:
0x1e: {  	(pc) =	sbr.rel @p0 .LBB2_2-.Ltmp0, $2  }
0x1f: {  	_ =	sdelay $0x2  }
0x20: {  	s19 =	sshra.s32 s19, $0x2  }
0x21: {  	[tilespmem:s19+$0x8000] =	vst v1;
	s18 =	simm.s32 $0x0  }
0x22: {  	[tilespmem:s10], [sflag:$0x3] =	stream.linear.gather [hbm4b:s2+s18], $0x80, $0x38;
	[tilespmem:$0x19080] =	vst v63  }
0x23: {  	_ =	swait.ge [sflag:s11], $0x80  }
0x24: {  	[sflag:s11] =	ssyncset.done $0x0  }
0x25: {  	[sflag:s11] =	ssyncadd.s32 $0xFFFFFF80  }
0x26: {  	v20 =	vld [tilespmem:$0x19000];
	_ =	sdelay $0x1  }
0x27: {  	s19 =	simm.s32 $0x0  }
0x28: {  	[tilespmem:s18], [sflag:$0x1] =	stream.linear.gather [hbm4b:s5+s18], $0x4000, $0x38;
	[tilespmem:$0x19080] =	vst v63  }
.LBB2_4:
0x29: {  	s20 =	sshll.u32 s19, $0xF  }
0x2a: {  	s21 =	sadd.s32 s20, s6  }
0x2b: {  	s21 =	sshrl.u32 s21, $0x3  }
0x2c: {  	s31 =	simm.s32 $0x0;
	s22 =	simm.s32 $0x0;
	s21 =	sadd.s32 s0, s21  }
0x2d: {  	[tilespmem:s12], [sflag:$0x2] =	stream.linear.gather [hbm4b:s21+s18], $0x4000, $0x38;
	[tilespmem:$0x19080] =	vst v63  }
0x2e: {  	s23 =	sand.u32 $0x800, s18;
	s21 =	sand.u32 $0x3000, s31;
	_ =	swait.ge [sflag:s13], $0x4000  }
0x2f: {  	s22 =	sand.u32 $0x380, s22;
	s21 =	sor.u32 s23, s21;
	[sflag:s13] =	ssyncset.done $0x0  }
0x30: {  	s21 =	sor.u32 s22, s21;
	[sflag:s13] =	ssyncadd.s32 $0xFFFFC000  }
0x31: {  	v26 =	vld [tilespmem:s21+$0x450]  }
0x32: {  	v21 =	vld [tilespmem:s21+$0x30]  }
0x33: {  	v22 =	vld [tilespmem:s21+$0x20]  }
0x34: {  	v27 =	vld [tilespmem:s21+$0x430]  }
0x35: {  	v28 =	vld [tilespmem:s21+$0x410]  }
0x36: {  	v29 =	vld [tilespmem:s21+$0x440]  }
0x37: {  	v24 =	vld [tilespmem:s21+$0x0]  }
0x38: {  	v32 =	vld [tilespmem:s21+$0x40]  }
0x39: {  	v38 =	vld [tilespmem:s21+$0x460];
	v30 =	vshrl.u32 v22, $0x2;
	v23 =	vshra.s32 v21, $0x12  }
0x3a: {  	v25 =	vshra.s32 v22, $0x12;
	v31 =	vshrl.u32 v21, $0x2;
	v22 =	vshra.s32 v27, $0x12  }
0x3b: {  	v33 =	vshra.s32 v28, $0x12;
	v21 =	vshrl.u32 v28, $0x2;
	v27 =	vshrl.u32 v27, $0x2  }
0x3c: {  	v28 =	vshrl.u32 v26, $0x2;
	v61 =	vshra.s32 v24, $0x12;
	v34 =	vshrl.u32 v29, $0x2  }
0x3d: {  	v26 =	vshra.s32 v26, $0x12;
	v35 =	vshra.s32 v32, $0x12;
	v29 =	vshra.s32 v29, $0x12  }
0x3e: {  	v40 =	vshra.s32 v38, $0x12;
	v38 =	vshrl.u32 v38, $0x2;
	vm4 =	veq.s32 v22, v20;
	v22 =	vld [tilespmem:s21+$0x400]  }
0x3f: {  	vm0 =	veq.s32 v33, v20;
	vm5 =	veq.s32 v26, v20;
	v26 =	vld [tilespmem:s21+$0x70];
	vm6 =	veq.s32 v35, v20  }
0x40: {  	vm7 =	veq.s32 v29, v20;
	v62 =	vand.u32 $0xFFF0, v27;
	v34 =	vand.u32 $0xFFF0, v34;
	v27 =	vld [tilespmem:s21+$0x10]  }
0x41: {  	v28 =	vand.u32 $0xFFF0, v28;
	v29 =	vshrl.u32 v32, $0x2;
	v37 =	vor.u32 v0, v34  }
0x42: {  	vm2 =	veq.s32 v61, v20;
	v63 =	vand.u32 $0xFFF0, v29;
	v36 =	vor.u32 v0, v62;
	v34 =	vld [tilespmem:s21+$0x470]  }
0x43: {  	v39 =	vand.u32 $0xFFF0, v30;
	v33 =	vld [tilespmem:s21+$0x60];
	vm1 =	veq.s32 v40, v20;
	v35 =	vor.u32 v0, v63  }
0x44: {  	s23 =	simm.s32 $0x0;
	s22 =	simm.s32 $0x0;
	v32 =	vor.u32 v0, v28;
	v28 =	vld [tilespmem:s21+$0x420];
	v29 =	vshrl.u32 v22, $0x2;
	v30 =	vshrl.u32 v26, $0x2  }
.LBB2_5:
0x45: {  	s22 =	sadd.s32 $0x10, s22;
	v40 =	vshra.s32 v27, $0x12;
	v27 =	vshrl.u32 v27, $0x2;
	v31 =	vand.u32 $0xFFF0, v31;
	v41 =	vld [tilespmem:s21+$0x50];
	s23 =	sadd.s32 $0x800, s23  }
0x46: {  	v24 =	vshrl.u32 v24, $0x2;
	v39 =	vor.u32 v0, v39;
	s21 =	sshll.u32 s22, $0x4;
	s24 =	sshll.u32 s22, $0x2;
	p0 =	slt.u32 s22, $0x3F0;
	vm3 =	veq.s32 v40, v20;
	[tilespmem:v37+s14+$0x0] =	vst.idx.add.s32.msk vm7, v2  }
0x47: {  	v26 =	vshra.s32 v26, $0x12;
	s25 =	sand.u32 $0x800, s23;
	v24 =	vand.u32 $0xFFF0, v24;
	s21 =	sand.u32 $0x3000, s21;
	[tilespmem:v36+s14+$0x0] =	vst.idx.add.s32.msk vm4, v2;
	v36 =	vshrl.u32 v34, $0x2  }
0x48: {  	s24 =	sand.u32 $0x380, s24;
	v37 =	vor.u32 v0, v24;
	v24 =	vand.u32 $0xFFF0, v38;
	s21 =	sor.u32 s25, s21;
	[tilespmem:v35+s14+$0x0] =	vst.idx.add.s32.msk vm6, v2;
	v35 =	vand.u32 $0xFFF0, v36  }
0x49: {  	v36 =	vand.u32 $0xFFF0, v27;
	s21 =	sor.u32 s24, s21;
	[tilespmem:v32+s14+$0x0] =	vst.idx.add.s32.msk vm5, v2;
	v32 =	vor.u32 v0, v24;
	v35 =	vor.u32 v0, v35  }
0x4a: {  	v31 =	vor.u32 v0, v31;
	vm6 =	veq.s32 v26, v20;
	v24 =	vshra.s32 v34, $0x12;
	v38 =	vld [tilespmem:s21+$0x460]  }
0x4b: {  	vm9 =	veq.s32 v25, v20;
	v26 =	vshrl.u32 v33, $0x2;
	v25 =	vshra.s32 v41, $0x12;
	v34 =	vld [tilespmem:s21+$0x450]  }
0x4c: {  	v33 =	vshra.s32 v33, $0x12;
	v40 =	vshrl.u32 v41, $0x2;
	vm10 =	veq.s32 v24, v20;
	v27 =	vld [tilespmem:s21+$0x10]  }
0x4d: {  	vm4 =	veq.s32 v23, v20;
	vm5 =	veq.s32 v33, v20;
	v23 =	vand.u32 $0xFFF0, v40;
	v41 =	vld [tilespmem:s21+$0x440]  }
0x4e: {  	v36 =	vor.u32 v0, v36;
	vm8 =	veq.s32 v25, v20;
	v25 =	vand.u32 $0xFFF0, v29;
	v33 =	vld [tilespmem:s21+$0x430]  }
0x4f: {  	v29 =	vand.u32 $0xFFF0, v26;
	v26 =	vand.u32 $0xFFF0, v30;
	v30 =	vor.u32 v0, v25;
	v24 =	vld [tilespmem:s21+$0x0]  }
0x50: {  	v42 =	vor.u32 v0, v26;
	v25 =	vshra.s32 v28, $0x12;
	v28 =	vshrl.u32 v28, $0x2;
	v40 =	vld [tilespmem:s21+$0x30]  }
0x51: {  	v29 =	vor.u32 v0, v29;
	vm7 =	veq.s32 v25, v20;
	v25 =	vand.u32 $0xFFF0, v28;
	v26 =	vld [tilespmem:s21+$0x70]  }
0x52: {  	v22 =	vshra.s32 v22, $0x12;
	v21 =	vand.u32 $0xFFF0, v21;
	v43 =	vor.u32 v0, v25;
	v28 =	vld [tilespmem:s21+$0x20]  }
0x53: {  	v21 =	vor.u32 v0, v21;
	[tilespmem:v39+s14+$0x0] =	vst.idx.add.s32.msk vm9, v2  }
0x54: {  	v39 =	vor.u32 v0, v23;
	[tilespmem:v35+s14+$0x0] =	vst.idx.add.s32.msk vm10, v2  }
0x55: {  	[tilespmem:v37+s14+$0x0] =	vst.idx.add.s32.msk vm2, v2;
	vm2 =	veq.s32 v22, v20  }
0x56: {  	v35 =	vld [tilespmem:s21+$0x410]  }
0x57: {  	[tilespmem:v31+s14+$0x0] =	vst.idx.add.s32.msk vm4, v2  }
0x58: {  	[tilespmem:v21+s14+$0x0] =	vst.idx.add.s32.msk vm0, v2  }
0x59: {  	v23 =	vshra.s32 v40, $0x12;
	v44 =	vshrl.u32 v28, $0x2;
	v37 =	vld [tilespmem:s21+$0x40]  }
0x5a: {  	v25 =	vshra.s32 v28, $0x12;
	v31 =	vshrl.u32 v40, $0x2;
	v28 =	vshra.s32 v33, $0x12;
	v22 =	vld [tilespmem:s21+$0x400]  }
0x5b: {  	v33 =	vshrl.u32 v33, $0x2;
	v40 =	vshra.s32 v35, $0x12;
	v21 =	vshrl.u32 v35, $0x2;
	[tilespmem:v30+s14+$0x0] =	vst.idx.add.s32.msk vm2, v2  }
0x5c: {  	vm4 =	veq.s32 v28, v20;
	v28 =	vshrl.u32 v34, $0x2;
	vm0 =	veq.s32 v40, v20;
	[tilespmem:v43+s14+$0x0] =	vst.idx.add.s32.msk vm7, v2  }
0x5d: {  	v34 =	vshra.s32 v34, $0x12;
	v30 =	vshra.s32 v24, $0x12;
	v35 =	vshrl.u32 v41, $0x2;
	[tilespmem:v29+s14+$0x0] =	vst.idx.add.s32.msk vm5, v2  }
0x5e: {  	v40 =	vshra.s32 v41, $0x12;
	vm5 =	veq.s32 v34, v20;
	v29 =	vshra.s32 v37, $0x12;
	[tilespmem:v42+s14+$0x0] =	vst.idx.add.s32.msk vm6, v2  }
0x5f: {  	v28 =	vand.u32 $0xFFF0, v28;
	vm7 =	veq.s32 v40, v20;
	vm6 =	veq.s32 v29, v20;
	[tilespmem:v32+s14+$0x0] =	vst.idx.add.s32.msk vm1, v2  }
.Ltmp1:
0x60: {  	v29 =	vshrl.u32 v37, $0x2;
	v32 =	vand.u32 $0xFFF0, v33;
	v33 =	vand.u32 $0xFFF0, v35;
	[tilespmem:v39+s14+$0x0] =	vst.idx.add.s32.msk vm8, v2;
	(pc) =	sbr.rel @p0 .LBB2_5-.Ltmp1, $4  }
0x61: {  	vm2 =	veq.s32 v30, v20;
	v30 =	vand.u32 $0xFFF0, v29;
	v37 =	vor.u32 v0, v33;
	[tilespmem:v36+s14+$0x0] =	vst.idx.add.s32.msk vm3, v2  }
0x62: {  	v29 =	vshrl.u32 v22, $0x2;
	v36 =	vor.u32 v0, v32;
	v32 =	vor.u32 v0, v28;
	v34 =	vld [tilespmem:s21+$0x470]  }
0x63: {  	v40 =	vshra.s32 v38, $0x12;
	v38 =	vshrl.u32 v38, $0x2;
	v35 =	vor.u32 v0, v30;
	v28 =	vld [tilespmem:s21+$0x420]  }
0x64: {  	vm1 =	veq.s32 v40, v20;
	v39 =	vand.u32 $0xFFF0, v44;
	v30 =	vshrl.u32 v26, $0x2;
	v33 =	vld [tilespmem:s21+$0x60]  }
0x65: {  	_ =	sdelay $0x1  }
0x66: {  	v40 =	vshra.s32 v27, $0x12;
	v27 =	vshrl.u32 v27, $0x2  }
0x67: {  	v31 =	vand.u32 $0xFFF0, v31;
	v24 =	vshrl.u32 v24, $0x2;
	v39 =	vor.u32 v0, v39  }
0x68: {  	v26 =	vshra.s32 v26, $0x12;
	vm3 =	veq.s32 v25, v20;
	v25 =	vand.u32 $0xFFF0, v38  }
0x69: {  	[tilespmem:v36+s14+$0x0] =	vst.idx.add.s32.msk vm4, v2;
	vm4 =	veq.s32 v23, v20;
	v23 =	vand.u32 $0xFFF0, v29;
	v22 =	vshra.s32 v22, $0x12  }
0x6a: {  	v21 =	vand.u32 $0xFFF0, v21;
	[tilespmem:v32+s14+$0x0] =	vst.idx.add.s32.msk vm5, v2;
	v24 =	vand.u32 $0xFFF0, v24;
	v31 =	vor.u32 v0, v31  }
0x6b: {  	v21 =	vor.u32 v0, v21;
	vm5 =	veq.s32 v22, v20;
	v22 =	vor.u32 v0, v23  }
0x6c: {  	v52 =	vld [tilespmem:s21+$0x50];
	v25 =	vor.u32 v0, v25;
	v41 =	vshrl.u32 v34, $0x2;
	v50 =	vshra.s32 v34, $0x12  }
0x6d: {  	[tilespmem:v37+s14+$0x0] =	vst.idx.add.s32.msk vm7, v2;
	v24 =	vor.u32 v0, v24;
	v51 =	vand.u32 $0xFFF0, v41;
	vm7 =	veq.s32 v50, v20  }
0x6e: {  	[tilespmem:v35+s14+$0x0] =	vst.idx.add.s32.msk vm6, v2;
	v29 =	vshra.s32 v28, $0x12;
	v28 =	vshrl.u32 v28, $0x2;
	v37 =	vor.u32 v0, v51  }
0x6f: {  	v53 =	vshrl.u32 v33, $0x2;
	v54 =	vshra.s32 v33, $0x12;
	v23 =	vand.u32 $0xFFF0, v28;
	[tilespmem:v39+s14+$0x0] =	vst.idx.add.s32.msk vm3, v2  }
0x70: {  	vm6 =	veq.s32 v29, v20;
	v28 =	vand.u32 $0xFFF0, v53;
	v23 =	vor.u32 v0, v23;
	[tilespmem:v31+s14+$0x0] =	vst.idx.add.s32.msk vm4, v2  }
0x71: {  	v29 =	vshrl.u32 v52, $0x2;
	vm3 =	veq.s32 v54, v20;
	v28 =	vor.u32 v0, v28;
	[tilespmem:v21+s14+$0x0] =	vst.idx.add.s32.msk vm0, v2  }
0x72: {  	vm0 =	veq.s32 v40, v20;
	v21 =	vand.u32 $0xFFF0, v27;
	[tilespmem:v24+s14+$0x0] =	vst.idx.add.s32.msk vm2, v2;
	v24 =	vshra.s32 v52, $0x12  }
0x73: {  	v29 =	vand.u32 $0xFFF0, v29;
	[tilespmem:v25+s14+$0x0] =	vst.idx.add.s32.msk vm1, v2;
	v21 =	vor.u32 v0, v21;
	vm2 =	veq.s32 v24, v20  }
0x74: {  	v24 =	vor.u32 v0, v29;
	[tilespmem:v37+s14+$0x0] =	vst.idx.add.s32.msk vm7, v2;
	vm7 =	veq.s32 v26, v20;
	v26 =	vand.u32 $0xFFF0, v30  }
0x75: {  	[tilespmem:v22+s14+$0x0] =	vst.idx.add.s32.msk vm5, v2;
	v26 =	vor.u32 v0, v26  }
0x76: {  	[tilespmem:v23+s14+$0x0] =	vst.idx.add.s32.msk vm6, v2  }
0x77: {  	p0 =	seq.s32 s19, $0x12;
	[tilespmem:v28+s14+$0x0] =	vst.idx.add.s32.msk vm3, v2  }
0x78: {  	s20 =	sadd.s32 @!p0 s20, s7;
	[tilespmem:v21+s14+$0x0] =	vst.idx.add.s32.msk vm0, v2  }
0x79: {  	s20 =	sshrl.u32 @!p0 s20, $0x3;
	[tilespmem:v24+s14+$0x0] =	vst.idx.add.s32.msk vm2, v2  }
0x7a: {  	s21 =	simm.s32 @!p0 $0x0;
	s20 =	sadd.s32 @!p0 s0, s20;
	[tilespmem:v26+s14+$0x0] =	vst.idx.add.s32.msk vm7, v2  }
0x7b: {  	[tilespmem:s21], [sflag:$0x1] =	stream.linear.gather @!p0 [hbm4b:s20+s21], $0x4000, $0x38;
	[tilespmem:$0x19080] =	vst v63  }
0x7c: {  	s31 =	simm.s32 $0x0;
	s22 =	simm.s32 $0x0;
	s20 =	simm.s32 $0x0  }
0x7d: {  	s21 =	sand.u32 $0x3000, s31;
	_ =	swait.ge [sflag:s15], $0x4000;
	s23 =	sand.u32 $0x800, s20  }
0x7e: {  	s22 =	sand.u32 $0x380, s22;
	[sflag:s15] =	ssyncset.done $0x0;
	s21 =	sor.u32 s23, s21  }
0x7f: {  	[sflag:s15] =	ssyncadd.s32 $0xFFFFC000;
	s21 =	sor.u32 s22, s21  }
0x80: {  	v26 =	vld [tilespmem:s21+$0x4450]  }
0x81: {  	v21 =	vld [tilespmem:s21+$0x4030]  }
0x82: {  	v22 =	vld [tilespmem:s21+$0x4020]  }
0x83: {  	v27 =	vld [tilespmem:s21+$0x4430]  }
0x84: {  	v28 =	vld [tilespmem:s21+$0x4410]  }
0x85: {  	v29 =	vld [tilespmem:s21+$0x4440]  }
0x86: {  	v24 =	vld [tilespmem:s21+$0x4000]  }
0x87: {  	v55 =	vld [tilespmem:s21+$0x4040]  }
0x88: {  	v59 =	vld [tilespmem:s21+$0x4460];
	v30 =	vshrl.u32 v22, $0x2;
	v23 =	vshra.s32 v21, $0x12  }
0x89: {  	v25 =	vshra.s32 v22, $0x12;
	v31 =	vshrl.u32 v21, $0x2;
	v22 =	vshra.s32 v27, $0x12  }
0x8a: {  	v56 =	vshra.s32 v28, $0x12;
	v21 =	vshrl.u32 v28, $0x2;
	v27 =	vshrl.u32 v27, $0x2  }
0x8b: {  	v28 =	vshrl.u32 v26, $0x2;
	v57 =	vshra.s32 v24, $0x12;
	v58 =	vshrl.u32 v29, $0x2  }
0x8c: {  	v26 =	vshra.s32 v26, $0x12;
	v60 =	vshra.s32 v55, $0x12;
	v29 =	vshra.s32 v29, $0x12  }
0x8d: {  	v63 =	vshra.s32 v59, $0x12;
	v38 =	vshrl.u32 v59, $0x2;
	vm4 =	veq.s32 v22, v20;
	v22 =	vld [tilespmem:s21+$0x4400]  }
0x8e: {  	vm0 =	veq.s32 v56, v20;
	vm5 =	veq.s32 v26, v20;
	v26 =	vld [tilespmem:s21+$0x4070];
	vm6 =	veq.s32 v60, v20  }
0x8f: {  	vm7 =	veq.s32 v29, v20;
	v61 =	vand.u32 $0xFFF0, v27;
	v34 =	vand.u32 $0xFFF0, v58;
	v27 =	vld [tilespmem:s21+$0x4010]  }
0x90: {  	v28 =	vand.u32 $0xFFF0, v28;
	v29 =	vshrl.u32 v55, $0x2;
	v37 =	vor.u32 v0, v34  }
0x91: {  	vm2 =	veq.s32 v57, v20;
	v62 =	vand.u32 $0xFFF0, v29;
	v36 =	vor.u32 v0, v61;
	v34 =	vld [tilespmem:s21+$0x4470]  }
0x92: {  	v33 =	vld [tilespmem:s21+$0x4060];
	v39 =	vand.u32 $0xFFF0, v30;
	vm1 =	veq.s32 v63, v20;
	v35 =	vor.u32 v0, v62  }
0x93: {  	s22 =	simm.s32 $0x0;
	v32 =	vor.u32 v0, v28;
	v28 =	vld [tilespmem:s21+$0x4420];
	v29 =	vshrl.u32 v22, $0x2;
	v30 =	vshrl.u32 v26, $0x2  }
.LBB2_7:
0x94: {  	s22 =	sadd.s32 $0x10, s22;
	v40 =	vshra.s32 v27, $0x12;
	v27 =	vshrl.u32 v27, $0x2;
	v31 =	vand.u32 $0xFFF0, v31;
	v41 =	vld [tilespmem:s21+$0x4050];
	s20 =	sadd.s32 $0x800, s20  }
0x95: {  	v24 =	vshrl.u32 v24, $0x2;
	v39 =	vor.u32 v0, v39;
	s21 =	sshll.u32 s22, $0x4;
	s23 =	sshll.u32 s22, $0x2;
	p0 =	slt.u32 s22, $0x3F0;
	vm3 =	veq.s32 v40, v20;
	[tilespmem:v37+s14+$0x0] =	vst.idx.add.s32.msk vm7, v2  }
0x96: {  	v26 =	vshra.s32 v26, $0x12;
	s24 =	sand.u32 $0x800, s20;
	v24 =	vand.u32 $0xFFF0, v24;
	s21 =	sand.u32 $0x3000, s21;
	[tilespmem:v36+s14+$0x0] =	vst.idx.add.s32.msk vm4, v2;
	v36 =	vshrl.u32 v34, $0x2  }
0x97: {  	s23 =	sand.u32 $0x380, s23;
	v37 =	vor.u32 v0, v24;
	v24 =	vand.u32 $0xFFF0, v38;
	s21 =	sor.u32 s24, s21;
	[tilespmem:v35+s14+$0x0] =	vst.idx.add.s32.msk vm6, v2;
	v35 =	vand.u32 $0xFFF0, v36  }
0x98: {  	v36 =	vand.u32 $0xFFF0, v27;
	s21 =	sor.u32 s23, s21;
	[tilespmem:v32+s14+$0x0] =	vst.idx.add.s32.msk vm5, v2;
	v32 =	vor.u32 v0, v24;
	v35 =	vor.u32 v0, v35  }
0x99: {  	v31 =	vor.u32 v0, v31;
	vm6 =	veq.s32 v26, v20;
	v24 =	vshra.s32 v34, $0x12;
	v38 =	vld [tilespmem:s21+$0x4460]  }
0x9a: {  	vm9 =	veq.s32 v25, v20;
	v26 =	vshrl.u32 v33, $0x2;
	v25 =	vshra.s32 v41, $0x12;
	v34 =	vld [tilespmem:s21+$0x4450]  }
0x9b: {  	v33 =	vshra.s32 v33, $0x12;
	v40 =	vshrl.u32 v41, $0x2;
	vm10 =	veq.s32 v24, v20;
	v27 =	vld [tilespmem:s21+$0x4010]  }
0x9c: {  	vm4 =	veq.s32 v23, v20;
	vm5 =	veq.s32 v33, v20;
	v23 =	vand.u32 $0xFFF0, v40;
	v41 =	vld [tilespmem:s21+$0x4440]  }
0x9d: {  	v36 =	vor.u32 v0, v36;
	vm8 =	veq.s32 v25, v20;
	v25 =	vand.u32 $0xFFF0, v29;
	v33 =	vld [tilespmem:s21+$0x4430]  }
0x9e: {  	v29 =	vand.u32 $0xFFF0, v26;
	v26 =	vand.u32 $0xFFF0, v30;
	v30 =	vor.u32 v0, v25;
	v24 =	vld [tilespmem:s21+$0x4000]  }
0x9f: {  	v42 =	vor.u32 v0, v26;
	v25 =	vshra.s32 v28, $0x12;
	v28 =	vshrl.u32 v28, $0x2;
	v40 =	vld [tilespmem:s21+$0x4030]  }
0xa0: {  	v29 =	vor.u32 v0, v29;
	vm7 =	veq.s32 v25, v20;
	v25 =	vand.u32 $0xFFF0, v28;
	v26 =	vld [tilespmem:s21+$0x4070]  }
0xa1: {  	v22 =	vshra.s32 v22, $0x12;
	v21 =	vand.u32 $0xFFF0, v21;
	v43 =	vor.u32 v0, v25;
	v28 =	vld [tilespmem:s21+$0x4020]  }
0xa2: {  	v21 =	vor.u32 v0, v21;
	[tilespmem:v39+s14+$0x0] =	vst.idx.add.s32.msk vm9, v2  }
0xa3: {  	v39 =	vor.u32 v0, v23;
	[tilespmem:v35+s14+$0x0] =	vst.idx.add.s32.msk vm10, v2  }
0xa4: {  	[tilespmem:v37+s14+$0x0] =	vst.idx.add.s32.msk vm2, v2;
	vm2 =	veq.s32 v22, v20  }
0xa5: {  	v35 =	vld [tilespmem:s21+$0x4410]  }
0xa6: {  	[tilespmem:v31+s14+$0x0] =	vst.idx.add.s32.msk vm4, v2  }
0xa7: {  	[tilespmem:v21+s14+$0x0] =	vst.idx.add.s32.msk vm0, v2  }
0xa8: {  	v23 =	vshra.s32 v40, $0x12;
	v44 =	vshrl.u32 v28, $0x2;
	v37 =	vld [tilespmem:s21+$0x4040]  }
0xa9: {  	v25 =	vshra.s32 v28, $0x12;
	v31 =	vshrl.u32 v40, $0x2;
	v28 =	vshra.s32 v33, $0x12;
	v22 =	vld [tilespmem:s21+$0x4400]  }
0xaa: {  	v33 =	vshrl.u32 v33, $0x2;
	v40 =	vshra.s32 v35, $0x12;
	v21 =	vshrl.u32 v35, $0x2;
	[tilespmem:v30+s14+$0x0] =	vst.idx.add.s32.msk vm2, v2  }
0xab: {  	vm4 =	veq.s32 v28, v20;
	v28 =	vshrl.u32 v34, $0x2;
	vm0 =	veq.s32 v40, v20;
	[tilespmem:v43+s14+$0x0] =	vst.idx.add.s32.msk vm7, v2  }
0xac: {  	v34 =	vshra.s32 v34, $0x12;
	v30 =	vshra.s32 v24, $0x12;
	v35 =	vshrl.u32 v41, $0x2;
	[tilespmem:v29+s14+$0x0] =	vst.idx.add.s32.msk vm5, v2  }
0xad: {  	v40 =	vshra.s32 v41, $0x12;
	vm5 =	veq.s32 v34, v20;
	v29 =	vshra.s32 v37, $0x12;
	[tilespmem:v42+s14+$0x0] =	vst.idx.add.s32.msk vm6, v2  }
0xae: {  	v28 =	vand.u32 $0xFFF0, v28;
	vm7 =	veq.s32 v40, v20;
	vm6 =	veq.s32 v29, v20;
	[tilespmem:v32+s14+$0x0] =	vst.idx.add.s32.msk vm1, v2  }
.Ltmp2:
0xaf: {  	v29 =	vshrl.u32 v37, $0x2;
	v32 =	vand.u32 $0xFFF0, v33;
	v33 =	vand.u32 $0xFFF0, v35;
	[tilespmem:v39+s14+$0x0] =	vst.idx.add.s32.msk vm8, v2;
	(pc) =	sbr.rel @p0 .LBB2_7-.Ltmp2, $4  }
0xb0: {  	vm2 =	veq.s32 v30, v20;
	v30 =	vand.u32 $0xFFF0, v29;
	v37 =	vor.u32 v0, v33;
	[tilespmem:v36+s14+$0x0] =	vst.idx.add.s32.msk vm3, v2  }
0xb1: {  	v29 =	vshrl.u32 v22, $0x2;
	v36 =	vor.u32 v0, v32;
	v32 =	vor.u32 v0, v28;
	v34 =	vld [tilespmem:s21+$0x4470]  }
0xb2: {  	v40 =	vshra.s32 v38, $0x12;
	v38 =	vshrl.u32 v38, $0x2;
	v35 =	vor.u32 v0, v30;
	v28 =	vld [tilespmem:s21+$0x4420]  }
0xb3: {  	vm1 =	veq.s32 v40, v20;
	v39 =	vand.u32 $0xFFF0, v44;
	v30 =	vshrl.u32 v26, $0x2;
	v33 =	vld [tilespmem:s21+$0x4060]  }
0xb4: {  	_ =	sdelay $0x1  }
0xb5: {  	v40 =	vshra.s32 v27, $0x12;
	v50 =	vshrl.u32 v27, $0x2  }
0xb6: {  	v31 =	vand.u32 $0xFFF0, v31;
	v24 =	vshrl.u32 v24, $0x2;
	v39 =	vor.u32 v0, v39  }
0xb7: {  	v26 =	vshra.s32 v26, $0x12;
	vm3 =	veq.s32 v25, v20;
	v52 =	vand.u32 $0xFFF0, v38  }
0xb8: {  	[tilespmem:v37+s14+$0x0] =	vst.idx.add.s32.msk vm7, v2;
	vm9 =	veq.s32 v23, v20;
	v23 =	vand.u32 $0xFFF0, v29;
	v22 =	vshra.s32 v22, $0x12  }
0xb9: {  	[tilespmem:v36+s14+$0x0] =	vst.idx.add.s32.msk vm4, v2;
	v21 =	vand.u32 $0xFFF0, v21;
	v60 =	vand.u32 $0xFFF0, v30;
	v24 =	vand.u32 $0xFFF0, v24  }
0xba: {  	v31 =	vor.u32 v0, v31;
	v21 =	vor.u32 v0, v21;
	vm10 =	veq.s32 v22, v20  }
0xbb: {  	v54 =	vld [tilespmem:s21+$0x4050];
	v22 =	vor.u32 v0, v23;
	vm13 =	veq.s32 v26, v20;
	v26 =	vor.u32 v0, v60  }
0xbc: {  	[tilespmem:v35+s14+$0x0] =	vst.idx.add.s32.msk vm6, v2;
	v25 =	vor.u32 v0, v52;
	v41 =	vshrl.u32 v34, $0x2;
	v51 =	vshra.s32 v34, $0x12  }
0xbd: {  	[tilespmem:v32+s14+$0x0] =	vst.idx.add.s32.msk vm5, v2;
	v24 =	vor.u32 v0, v24;
	v53 =	vand.u32 $0xFFF0, v41;
	vm15 =	veq.s32 v51, v20  }
0xbe: {  	v57 =	vshra.s32 v28, $0x12;
	v58 =	vshrl.u32 v28, $0x2;
	v37 =	vor.u32 v0, v53;
	[tilespmem:v39+s14+$0x0] =	vst.idx.add.s32.msk vm3, v2  }
0xbf: {  	v55 =	vshrl.u32 v33, $0x2;
	v56 =	vshra.s32 v33, $0x12;
	vm11 =	veq.s32 v57, v20;
	[tilespmem:v31+s14+$0x0] =	vst.idx.add.s32.msk vm9, v2  }
0xc0: {  	v23 =	vand.u32 $0xFFF0, v58;
	vm12 =	veq.s32 v56, v20;
	v59 =	vand.u32 $0xFFF0, v55;
	[tilespmem:v21+s14+$0x0] =	vst.idx.add.s32.msk vm0, v2  }
0xc1: {  	v23 =	vor.u32 v0, v23;
	v61 =	vshra.s32 v54, $0x12;
	v62 =	vshrl.u32 v54, $0x2;
	[tilespmem:v25+s14+$0x0] =	vst.idx.add.s32.msk vm1, v2  }
0xc2: {  	v28 =	vor.u32 v0, v59;
	v29 =	vand.u32 $0xFFF0, v62;
	vm14 =	veq.s32 v61, v20;
	[tilespmem:v24+s14+$0x0] =	vst.idx.add.s32.msk vm2, v2  }
0xc3: {  	s19 =	sadd.s32 $0x1, s19;
	v21 =	vand.u32 $0xFFF0, v50;
	v63 =	vor.u32 v0, v29;
	[tilespmem:v37+s14+$0x0] =	vst.idx.add.s32.msk vm15, v2;
	vm15 =	veq.s32 v40, v20  }
0xc4: {  	p0 =	sne.s32 s19, $0x13;
	[tilespmem:v22+s14+$0x0] =	vst.idx.add.s32.msk vm10, v2;
	v21 =	vor.u32 v0, v21  }
.Ltmp3:
0xc5: {  	[tilespmem:v26+s14+$0x0] =	vst.idx.add.s32.msk vm13, v2;
	(pc) =	sbr.rel @p0 .LBB2_4-.Ltmp3, $4  }
0xc6: {  	[tilespmem:v23+s14+$0x0] =	vst.idx.add.s32.msk vm11, v2  }
0xc7: {  	[tilespmem:v28+s14+$0x0] =	vst.idx.add.s32.msk vm12, v2  }
0xc8: {  	[tilespmem:v63+s14+$0x0] =	vst.idx.add.s32.msk vm14, v2  }
0xc9: {  	[tilespmem:v21+s14+$0x0] =	vst.idx.add.s32.msk vm15, v2  }
0xca: {  	s18 =	simm.s32 $0x0  }
0xcb: {  	v20 =	vmov s18  }
0xcc: {  	v20 =	vshll.u32 v20, $0x4  }
0xcd: {  	v21 =	vor.u32 v3, v20  }
0xce: {  	v20 =	vor.u32 v4, v21  }
0xcf: {  	v22 =	vor.u32 v0, v21  }
0xd0: {  	v23 =	vor.u32 v5, v21  }
0xd1: {  	v24 =	vor.u32 v6, v21  }
0xd2: {  	v25 =	vor.u32 v9, v21  }
0xd3: {  	v26 =	vor.u32 v11, v21;
	v20 =	vld.idx.msk [tilespmem:v20+s14+$0x0], $0xffff  }
0xd4: {  	v27 =	vor.u32 v12, v21;
	v22 =	vld.idx.msk [tilespmem:v22+s14+$0x0], $0xffff  }
0xd5: {  	v28 =	vor.u32 v13, v21;
	v23 =	vld.idx.msk [tilespmem:v23+s14+$0x0], $0xffff  }
0xd6: {  	v29 =	vor.u32 v10, v21;
	v24 =	vld.idx.msk [tilespmem:v24+s14+$0x0], $0xffff  }
0xd7: {  	v30 =	vor.u32 v14, v21;
	v25 =	vld.idx.msk [tilespmem:v25+s14+$0x0], $0xffff  }
0xd8: {  	v31 =	vor.u32 v15, v21;
	v26 =	vld.idx.msk [tilespmem:v26+s14+$0x0], $0xffff  }
0xd9: {  	v32 =	vor.u32 v16, v21;
	v27 =	vld.idx.msk [tilespmem:v27+s14+$0x0], $0xffff;
	v20 =	vadd.s32 v22, v20  }
0xda: {  	v33 =	vcombine.low v7, v8;
	v22 =	vld.idx.msk [tilespmem:v28+s14+$0x0], $0xffff;
	v28 =	vor.u32 v17, v21;
	v20 =	vadd.s32 v23, v20  }
0xdb: {  	v23 =	vld.idx.msk [tilespmem:v29+s14+$0x0], $0xffff;
	v29 =	vor.u32 v18, v21;
	v24 =	vadd.s32 v24, v20  }
0xdc: {  	v34 =	vor.u32 v19, v21;
	v30 =	vld.idx.msk [tilespmem:v30+s14+$0x0], $0xffff;
	v20 =	vand.u32 $0xF, v33;
	v24 =	vadd.s32 v25, v24  }
0xdd: {  	v25 =	vld.idx.msk [tilespmem:v31+s14+$0x0], $0xffff;
	v21 =	vor.u32 v20, v21;
	v24 =	vadd.s32 v26, v24  }
0xde: {  	v26 =	vld.idx.msk [tilespmem:v32+s14+$0x0], $0xffff;
	v24 =	vadd.s32 v27, v24  }
0xdf: {  	v27 =	vld.idx.msk [tilespmem:v28+s14+$0x0], $0xffff;
	v22 =	vadd.s32 v22, v24  }
0xe0: {  	s31 =	simm.s32 $0x10;
	v24 =	vld.idx.msk [tilespmem:v29+s14+$0x0], $0xffff;
	v22 =	vadd.s32 v23, v22  }
0xe1: {  	v28 =	vmov s31;
	v23 =	vld.idx.msk [tilespmem:v34+s14+$0x0], $0xffff;
	v22 =	vadd.s32 v30, v22  }
0xe2: {  	v28 =	vshll.u32 v28, $0x4;
	v21 =	vld.idx.msk [tilespmem:v21+s14+$0x0], $0xffff;
	v22 =	vadd.s32 v25, v22  }
0xe3: {  	v25 =	vor.u32 v3, v28;
	v22 =	vadd.s32 v26, v22  }
0xe4: {  	v26 =	vor.u32 v4, v25;
	v22 =	vadd.s32 v27, v22  }
0xe5: {  	v27 =	vor.u32 v0, v25;
	v22 =	vadd.s32 v24, v22  }
0xe6: {  	v24 =	vor.u32 v5, v25;
	v22 =	vadd.s32 v23, v22  }
0xe7: {  	s18 =	simm.s32 $0x18000;
	v23 =	vor.u32 v6, v25;
	v21 =	vadd.s32 v21, v22  }
0xe8: {  	v22 =	vor.u32 v9, v25;
	[tilespmem:s18+$0x0] =	vst v21  }
0xe9: {  	v21 =	vld.idx.msk [tilespmem:v26+s14+$0x0], $0xffff;
	v26 =	vor.u32 v11, v25  }
0xea: {  	v28 =	vor.u32 v12, v25;
	v27 =	vld.idx.msk [tilespmem:v27+s14+$0x0], $0xffff  }
0xeb: {  	v29 =	vor.u32 v13, v25;
	v24 =	vld.idx.msk [tilespmem:v24+s14+$0x0], $0xffff  }
0xec: {  	v58 =	vor.u32 v10, v25;
	v23 =	vld.idx.msk [tilespmem:v23+s14+$0x0], $0xffff  }
0xed: {  	v59 =	vor.u32 v14, v25;
	v22 =	vld.idx.msk [tilespmem:v22+s14+$0x0], $0xffff  }
0xee: {  	v60 =	vor.u32 v15, v25;
	v26 =	vld.idx.msk [tilespmem:v26+s14+$0x0], $0xffff  }
0xef: {  	v61 =	vor.u32 v16, v25;
	v28 =	vld.idx.msk [tilespmem:v28+s14+$0x0], $0xffff;
	v21 =	vadd.s32 v27, v21  }
0xf0: {  	v27 =	vld.idx.msk [tilespmem:v29+s14+$0x0], $0xffff;
	v29 =	vor.u32 v17, v25;
	v21 =	vadd.s32 v24, v21  }
0xf1: {  	v62 =	vor.u32 v18, v25;
	v24 =	vld.idx.msk [tilespmem:v58+s14+$0x0], $0xffff;
	v21 =	vadd.s32 v23, v21  }
0xf2: {  	v63 =	vor.u32 v19, v25;
	v31 =	vld.idx.msk [tilespmem:v59+s14+$0x0], $0xffff;
	v21 =	vadd.s32 v22, v21  }
0xf3: {  	v32 =	vld.idx.msk [tilespmem:v60+s14+$0x0], $0xffff;
	v25 =	vor.u32 v20, v25;
	v22 =	vadd.s32 v26, v21  }
0xf4: {  	v21 =	vld.idx.msk [tilespmem:v61+s14+$0x0], $0xffff;
	v23 =	vadd.s32 v28, v22  }
0xf5: {  	v22 =	vld.idx.msk [tilespmem:v29+s14+$0x0], $0xffff;
	v26 =	vadd.s32 v27, v23  }
0xf6: {  	s19 =	simm.s32 $0x20;
	v23 =	vld.idx.msk [tilespmem:v62+s14+$0x0], $0xffff;
	v26 =	vadd.s32 v24, v26  }
0xf7: {  	v27 =	vmov s19;
	v24 =	vld.idx.msk [tilespmem:v63+s14+$0x0], $0xffff;
	v28 =	vadd.s32 v31, v26  }
0xf8: {  	v25 =	vld.idx.msk [tilespmem:v25+s14+$0x0], $0xffff;
	s19 =	simm.s32 $0x30;
	v26 =	vshll.u32 v27, $0x4;
	v27 =	vadd.s32 v32, v28  }
.LBB2_10:
0xf9: {  	p0 =	sne.s32 s19, $0xFF0;
	v26 =	vor.u32 v3, v26;
	v21 =	vadd.s32 v21, v27  }
0xfa: {  	v27 =	vor.u32 v4, v26;
	v21 =	vadd.s32 v22, v21  }
0xfb: {  	v22 =	vor.u32 v0, v26;
	v21 =	vadd.s32 v23, v21  }
0xfc: {  	v23 =	vor.u32 v5, v26;
	v21 =	vadd.s32 v24, v21  }
0xfd: {  	s18 =	sadd.s32 $0x10, s18;
	v24 =	vor.u32 v6, v26;
	v21 =	vadd.s32 v25, v21  }
0xfe: {  	v25 =	vor.u32 v9, v26;
	[tilespmem:s18+$0x0] =	vst v21  }
0xff: {  	v21 =	vld.idx.msk [tilespmem:v27+s14+$0x0], $0xffff;
	v27 =	vor.u32 v11, v26  }
0x100: {  	v28 =	vor.u32 v12, v26;
	v22 =	vld.idx.msk [tilespmem:v22+s14+$0x0], $0xffff  }
0x101: {  	v29 =	vor.u32 v13, v26;
	v23 =	vld.idx.msk [tilespmem:v23+s14+$0x0], $0xffff  }
0x102: {  	v30 =	vor.u32 v10, v26;
	v24 =	vld.idx.msk [tilespmem:v24+s14+$0x0], $0xffff  }
0x103: {  	v31 =	vor.u32 v14, v26;
	v25 =	vld.idx.msk [tilespmem:v25+s14+$0x0], $0xffff  }
0x104: {  	v32 =	vor.u32 v15, v26;
	v27 =	vld.idx.msk [tilespmem:v27+s14+$0x0], $0xffff  }
0x105: {  	v33 =	vor.u32 v16, v26;
	v28 =	vld.idx.msk [tilespmem:v28+s14+$0x0], $0xffff  }
0x106: {  	v21 =	vadd.s32 v22, v21;
	v22 =	vor.u32 v17, v26;
	v29 =	vld.idx.msk [tilespmem:v29+s14+$0x0], $0xffff  }
0x107: {  	v21 =	vadd.s32 v23, v21;
	v23 =	vor.u32 v18, v26;
	v30 =	vld.idx.msk [tilespmem:v30+s14+$0x0], $0xffff  }
0x108: {  	v21 =	vadd.s32 v24, v21;
	v24 =	vor.u32 v19, v26;
	v31 =	vld.idx.msk [tilespmem:v31+s14+$0x0], $0xffff  }
0x109: {  	v21 =	vadd.s32 v25, v21;
	v25 =	vor.u32 v20, v26;
	v32 =	vld.idx.msk [tilespmem:v32+s14+$0x0], $0xffff  }
0x10a: {  	v26 =	vadd.s32 v27, v21;
	v21 =	vld.idx.msk [tilespmem:v33+s14+$0x0], $0xffff  }
.Ltmp4:
0x10b: {  	v26 =	vadd.s32 v28, v26;
	v22 =	vld.idx.msk [tilespmem:v22+s14+$0x0], $0xffff;
	(pc) =	sbr.rel @p0 .LBB2_10-.Ltmp4, $4  }
0x10c: {  	v26 =	vadd.s32 v29, v26;
	v23 =	vld.idx.msk [tilespmem:v23+s14+$0x0], $0xffff  }
0x10d: {  	v26 =	vadd.s32 v30, v26;
	v24 =	vld.idx.msk [tilespmem:v24+s14+$0x0], $0xffff  }
0x10e: {  	v27 =	vmov s19;
	v28 =	vadd.s32 v31, v26;
	v25 =	vld.idx.msk [tilespmem:v25+s14+$0x0], $0xffff  }
0x10f: {  	s19 =	sadd.s32 $0x10, s19;
	v26 =	vshll.u32 v27, $0x4;
	v27 =	vadd.s32 v32, v28  }
0x110: {  	v26 =	vor.u32 v3, v26;
	v21 =	vadd.s32 v21, v27  }
0x111: {  	v47 =	vor.u32 v4, v26;
	v21 =	vadd.s32 v22, v21  }
0x112: {  	v48 =	vor.u32 v0, v26;
	v21 =	vadd.s32 v23, v21  }
0x113: {  	v49 =	vor.u32 v5, v26;
	v21 =	vadd.s32 v24, v21  }
0x114: {  	s18 =	sadd.s32 $0x10, s18;
	v50 =	vor.u32 v6, v26;
	v21 =	vadd.s32 v25, v21  }
0x115: {  	v51 =	vor.u32 v9, v26;
	[tilespmem:s18+$0x0] =	vst v21  }
0x116: {  	v52 =	vor.u32 v11, v26;
	v21 =	vld.idx.msk [tilespmem:v47+s14+$0x0], $0xffff  }
0x117: {  	v28 =	vor.u32 v12, v26;
	v22 =	vld.idx.msk [tilespmem:v48+s14+$0x0], $0xffff  }
0x118: {  	v29 =	vor.u32 v13, v26;
	v23 =	vld.idx.msk [tilespmem:v49+s14+$0x0], $0xffff  }
0x119: {  	v30 =	vor.u32 v10, v26;
	v24 =	vld.idx.msk [tilespmem:v50+s14+$0x0], $0xffff  }
0x11a: {  	v31 =	vor.u32 v14, v26;
	v25 =	vld.idx.msk [tilespmem:v51+s14+$0x0], $0xffff  }
0x11b: {  	v32 =	vor.u32 v15, v26;
	v27 =	vld.idx.msk [tilespmem:v52+s14+$0x0], $0xffff  }
0x11c: {  	v33 =	vor.u32 v16, v26;
	v28 =	vld.idx.msk [tilespmem:v28+s14+$0x0], $0xffff;
	v21 =	vadd.s32 v22, v21  }
0x11d: {  	v54 =	vor.u32 v17, v26;
	v53 =	vld.idx.msk [tilespmem:v29+s14+$0x0], $0xffff;
	v21 =	vadd.s32 v23, v21  }
0x11e: {  	v56 =	vor.u32 v18, v26;
	v55 =	vld.idx.msk [tilespmem:v30+s14+$0x0], $0xffff;
	v21 =	vadd.s32 v24, v21  }
0x11f: {  	v58 =	vor.u32 v19, v26;
	v57 =	vld.idx.msk [tilespmem:v31+s14+$0x0], $0xffff;
	v21 =	vadd.s32 v25, v21  }
0x120: {  	v20 =	vor.u32 v20, v26;
	v59 =	vld.idx.msk [tilespmem:v32+s14+$0x0], $0xffff;
	v21 =	vadd.s32 v27, v21  }
0x121: {  	v60 =	vld.idx.msk [tilespmem:v33+s14+$0x0], $0xffff;
	v21 =	vadd.s32 v28, v21  }
0x122: {  	v61 =	vld.idx.msk [tilespmem:v54+s14+$0x0], $0xffff;
	v21 =	vadd.s32 v53, v21  }
0x123: {  	v62 =	vld.idx.msk [tilespmem:v56+s14+$0x0], $0xffff;
	v21 =	vadd.s32 v55, v21  }
0x124: {  	v63 =	vld.idx.msk [tilespmem:v58+s14+$0x0], $0xffff;
	v21 =	vadd.s32 v57, v21  }
0x125: {  	v20 =	vld.idx.msk [tilespmem:v20+s14+$0x0], $0xffff;
	v21 =	vadd.s32 v59, v21  }
0x126: {  	v21 =	vadd.s32 v60, v21  }
0x127: {  	v21 =	vadd.s32 v61, v21  }
0x128: {  	v21 =	vadd.s32 v62, v21  }
0x129: {  	s17 =	sadd.s32 $0x1, s17;
	v21 =	vadd.s32 v63, v21  }
0x12a: {  	p0 =	sne.s32 s17, s9;
	s18 =	sadd.s32 $0x10, s18;
	v20 =	vadd.s32 v20, v21  }
.Ltmp5:
0x12b: {  	[tilespmem:s18+$0x0] =	vst v20;
	(pc) =	sbr.rel @p0 .LBB2_1-.Ltmp5, $4  }
0x12c: {  	[hbm4b:s8+s4] =	stream.linear.scatter [tilespmem:s16], [sflag:$0x3], $0x1000, $0x38;
	[tilespmem:$0x19080] =	vst v63  }
0x12d: {  	_ =	swait.ge [sflag:s11], $0x1000  }
0x12e: {  	[sflag:s11] =	ssyncset.done $0x0  }
0x12f: {  	[sflag:s11] =	ssyncadd.s32 $0xFFFFF000  }
0x130: {  	_ =	sfence.sel $0x180000  }
0x131: {  	[bflag:$0x0] =	sbarrier.arrive $0xFFFF  }
0x132: {  	p0 =	sne.s32 s3, $0x0;
	_ =	strace $0x9000004A  }
0x133: {  	s0 =	sadd.s32 @!p0 $0x100000, s1;
	[bflag:$0x2] =	sbarrier.arrive $0xFFFF  }
0x134: {  	[sflag:s0] =	ssyncadd.tile.s32 @!p0 $0x1;
	_ =	shalt  }
.Lfunc_end2:
_tile_overlayer_lowered:
.L_overlay_start_2:
0x135: {  	(tag) =	ssettag $0x2  }
0x136: {  	s0 =	rddreg [dreg:$0x0];
	s2 =	stileid.u32  }
0x137: {  	s1 =	rddreg [dreg:$0x1];
	p0 =	sne.s32 s2, $0x0  }
0x138: {  	s3 =	rddreg [dreg:$0x2];
	[bflag:$0x3] =	sbarrier.arrive $0xFFFF;
	s2 =	simm.s32 @!p0 $0x1C03  }
0x139: {  	[timem:s3], [sflag:s2] =	dma.local @!p0 [hbm:s0], s1  }
0x13a: {  	s0 =	simm.s32 @!p0 $0x3  }
0x13b: {  	_ =	swait.ge @!p0 [sflag:s0], s1  }
0x13c: {  	s1 =	ssub.s32 @!p0 $0x0, s1;
	[sflag:s0] =	ssyncset.done @!p0 $0x0  }
0x13d: {  	[sflag:s0] =	ssyncadd.s32 @!p0 s1  }
0x13e: {  	[bflag:$0x3] =	sbarrier.arrive $0xFFFF  }
0x13f: {  	_ =	shalt  }

</sc_bundles>
